<compile_context>
chip_gen: v7x
topology: tpu7x:2x2x1
jax: 0.10.2.dev20260603
libtpu: 0.0.44.dev20260713+nightly
codegen_flags: <defaults>
</compile_context>

<pallas_src>
import functools

import jax
import jax.numpy as jnp
from jax import lax
from jax.experimental import pallas as pl
from jax.experimental.pallas import tpu as pltpu
from jax.experimental.pallas import tpu_sc as plsc

N = 10000
D = 128
E = 320000
OUT = 4

NC = 2
NS = 16
NW = NC * NS
K = 128
CH = 8
NCH = 10
NB = CH * NCH
EPP = NB * K
EPAD = NW * EPP
NP = 10240
RPT = NP // NS

_MESH = plsc.VectorSubcoreMesh(
    core_axis_name="c", subcore_axis_name="s", num_cores=NC, num_subcores=NS)





def _deg_body(ones_hbm, dst_hbm, zeros_hbm, out_hbm, dst_a, dst_b, rows0,
              acc_sh, semi):
    c = lax.axis_index("c")
    s = lax.axis_index("s")
    wid = s * NC + c
    base0 = wid * NCH
    pltpu.sync_copy(ones_hbm, rows0)
    pltpu.sync_copy(dst_hbm.at[base0], dst_a)
    pltpu.async_copy(dst_hbm.at[base0 + 1], dst_b, semi)
    pltpu.sync_copy(zeros_hbm.at[pl.ds(s * RPT, RPT)],
                    acc_sh.at[pl.ds(s * RPT, RPT)])
    plsc.subcore_barrier()

    def run_chunk(ci, dst_c, dst_n):
        def bj(j, carry2):
            pltpu.sync_copy(rows0, acc_sh.at[dst_c.at[j]], add=True)
            return carry2

        lax.fori_loop(0, CH, bj, 0)

        @pl.when(ci + 1 < NCH)
        def _():
            pltpu.make_async_copy(dst_hbm.at[base0], dst_n, semi).wait()

        @pl.when(ci + 2 < NCH)
        def _():
            pltpu.async_copy(dst_hbm.at[base0 + ci + 2], dst_c, semi)

    def chunk2(c2, carry):
        run_chunk(2 * c2, dst_a, dst_b)
        run_chunk(2 * c2 + 1, dst_b, dst_a)
        return carry

    lax.fori_loop(0, NCH // 2, chunk2, 0)

    plsc.subcore_barrier()
    pltpu.sync_copy(acc_sh.at[pl.ds(s * RPT, RPT)],
                    out_hbm.at[c, pl.ds(s * RPT, RPT)])


_deg_kernel = functools.partial(
    pl.kernel,
    out_type=jax.ShapeDtypeStruct((NC, NP, D), jnp.float32),
    mesh=_MESH,
    scratch_types=[
        pltpu.VMEM((CH, K), jnp.int32),
        pltpu.VMEM((CH, K), jnp.int32),
        pltpu.VMEM((K, D), jnp.float32),
        pltpu.VMEM_SHARED((NP, D), jnp.float32),
        pltpu.SemaphoreType.DMA,
    ],
)(_deg_body)


def _scatter_body(g_hbm, src_hbm, dst_hbm, zeros_hbm, out_hbm,
                  src_a, dst_a, src_b, dst_b, rows0, rows1, acc_sh,
                  sem0, sem1, semi):
    c = lax.axis_index("c")
    s = lax.axis_index("s")
    wid = s * NC + c
    base0 = wid * NCH
    pltpu.sync_copy(src_hbm.at[base0], src_a)
    pltpu.sync_copy(dst_hbm.at[base0], dst_a)
    pltpu.async_copy(src_hbm.at[base0 + 1], src_b, semi)
    pltpu.async_copy(dst_hbm.at[base0 + 1], dst_b, semi)
    pltpu.sync_copy(zeros_hbm.at[pl.ds(s * RPT, RPT)],
                    acc_sh.at[pl.ds(s * RPT, RPT)])
    plsc.subcore_barrier()
    pltpu.async_copy(g_hbm.at[src_a.at[0]], rows0, sem0)

    def run_chunk(ci, src_c, dst_c, src_n, dst_n):
        def pair(p, carry2):
            j0 = 2 * p
            pltpu.async_copy(g_hbm.at[src_c.at[j0 + 1]], rows1, sem1)
            pltpu.make_async_copy(g_hbm.at[src_c.at[j0]], rows0, sem0).wait()
            pltpu.sync_copy(rows0, acc_sh.at[dst_c.at[j0]], add=True)
            pltpu.async_copy(g_hbm.at[src_c.at[j0 + 2]], rows0, sem0)
            pltpu.make_async_copy(g_hbm.at[src_c.at[j0 + 1]], rows1, sem1).wait()
            pltpu.sync_copy(rows1, acc_sh.at[dst_c.at[j0 + 1]], add=True)
            return carry2

        lax.fori_loop(0, CH // 2 - 1, pair, 0)
        j0 = CH - 2
        pltpu.async_copy(g_hbm.at[src_c.at[j0 + 1]], rows1, sem1)
        pltpu.make_async_copy(g_hbm.at[src_c.at[j0]], rows0, sem0).wait()
        pltpu.sync_copy(rows0, acc_sh.at[dst_c.at[j0]], add=True)

        @pl.when(ci + 1 < NCH)
        def _():
            pltpu.make_async_copy(src_hbm.at[base0], src_n, semi).wait()
            pltpu.make_async_copy(dst_hbm.at[base0], dst_n, semi).wait()
            pltpu.async_copy(g_hbm.at[src_n.at[0]], rows0, sem0)

        pltpu.make_async_copy(g_hbm.at[src_c.at[j0 + 1]], rows1, sem1).wait()
        pltpu.sync_copy(rows1, acc_sh.at[dst_c.at[j0 + 1]], add=True)

        @pl.when(ci + 2 < NCH)
        def _():
            pltpu.async_copy(src_hbm.at[base0 + ci + 2], src_c, semi)
            pltpu.async_copy(dst_hbm.at[base0 + ci + 2], dst_c, semi)

    def chunk2(c2, carry):
        run_chunk(2 * c2, src_a, dst_a, src_b, dst_b)
        run_chunk(2 * c2 + 1, src_b, dst_b, src_a, dst_a)
        return carry

    lax.fori_loop(0, NCH // 2, chunk2, 0)

    plsc.subcore_barrier()
    pltpu.sync_copy(acc_sh.at[pl.ds(s * RPT, RPT)],
                    out_hbm.at[c, pl.ds(s * RPT, RPT)])


_scatter_kernel = functools.partial(
    pl.kernel,
    out_type=jax.ShapeDtypeStruct((NC, NP, D), jnp.float32),
    mesh=_MESH,
    scratch_types=[
        pltpu.VMEM((CH, K), jnp.int32),
        pltpu.VMEM((CH, K), jnp.int32),
        pltpu.VMEM((CH, K), jnp.int32),
        pltpu.VMEM((CH, K), jnp.int32),
        pltpu.VMEM((K, D), jnp.float32),
        pltpu.VMEM((K, D), jnp.float32),
        pltpu.VMEM_SHARED((NP, D), jnp.float32),
        pltpu.SemaphoreType.DMA,
        pltpu.SemaphoreType.DMA,
        pltpu.SemaphoreType.DMA,
    ],
)(_scatter_body)



_BR = 1024


def _stage_a_body(x_ref, w1_ref, d0_ref, d1_ref, g1_ref, dinv_ref):
    deg = d0_ref[:, 0:1] + d1_ref[:, 0:1] + 1.0
    dinv = lax.rsqrt(deg)
    dinv_b = jnp.broadcast_to(dinv, (_BR, D))
    dinv_ref[...] = dinv_b
    g1_ref[...] = jnp.dot(x_ref[...], w1_ref[...],
                          preferred_element_type=jnp.float32) * dinv_b


def _stage_b_body(a0_ref, a1_ref, g1_ref, dinv_ref, w2_ref, b1_ref, g2_ref):
    dinv = dinv_ref[...]
    pre = dinv * (a0_ref[...] + a1_ref[...] + g1_ref[...]) + b1_ref[...]
    h = jax.nn.sigmoid(pre)
    g2_ref[...] = jnp.dot(h, w2_ref[...],
                          preferred_element_type=jnp.float32) * dinv


def _stage_c_body(a0_ref, a1_ref, g2_ref, dinv_ref, b2_ref,
                  mw_ref, mb_ref, lg_ref, lb_ref, ow_ref, ob_ref, out_ref):
    dinv = dinv_ref[...]
    y = jax.nn.relu(dinv * (a0_ref[...] + a1_ref[...] + g2_ref[...])
                    + b2_ref[...])
    z = jnp.dot(y, mw_ref[...], preferred_element_type=jnp.float32) + mb_ref[...]
    mu = jnp.mean(z, axis=-1, keepdims=True)
    var = jnp.mean((z - mu) ** 2, axis=-1, keepdims=True)
    zn = (z - mu) * lax.rsqrt(var + 1e-5) * lg_ref[...] + lb_ref[...]
    o = jnp.dot(zn, ow_ref[...], preferred_element_type=jnp.float32) + ob_ref[...]
    m = jnp.max(o, axis=-1, keepdims=True)
    e = jnp.exp(o - m)
    out_ref[...] = e / jnp.sum(e, axis=-1, keepdims=True)


def _row_spec(width):
    return pl.BlockSpec((_BR, width), lambda i: (i, 0))


def _full_spec(shape):
    return pl.BlockSpec(shape, lambda i: tuple(0 for _ in shape))



def kernel(x, edge_index, W1, b1, W2, b2, mlp_w, mlp_b, ln_g, ln_b, out_w, out_b):
    pad = EPAD - E
    pad_idx = jnp.arange(pad, dtype=jnp.int32)
    pad_src = (pad_idx * 37) % N
    pad_dst = N + pad_idx % (NP - N)
    src_r = jnp.concatenate([edge_index[0], pad_src]).reshape(NW * NCH, CH, K)
    dst_r = jnp.concatenate([edge_index[1], pad_dst]).reshape(NW * NCH, CH, K)
    zeros_nd = jnp.zeros((NP, D), jnp.float32)
    ones_kd = jnp.ones((K, D), jnp.float32)
    x_pad = jnp.pad(x, ((0, NP - N), (0, 0)))

    accd = _deg_kernel(ones_kd, dst_r, zeros_nd)

    grid = NP // _BR
    g1, dinv_b = pl.pallas_call(
        _stage_a_body,
        grid=(grid,),
        in_specs=[_row_spec(D), _full_spec((D, D)), _row_spec(D), _row_spec(D)],
        out_specs=[_row_spec(D), _row_spec(D)],
        out_shape=[jax.ShapeDtypeStruct((NP, D), jnp.float32),
                   jax.ShapeDtypeStruct((NP, D), jnp.float32)],
    )(x_pad, W1, accd[0], accd[1])

    acc1 = _scatter_kernel(g1, src_r, dst_r, zeros_nd)

    g2 = pl.pallas_call(
        _stage_b_body,
        grid=(grid,),
        in_specs=[_row_spec(D), _row_spec(D), _row_spec(D), _row_spec(D),
                  _full_spec((D, D)), _full_spec((1, D))],
        out_specs=_row_spec(D),
        out_shape=jax.ShapeDtypeStruct((NP, D), jnp.float32),
    )(acc1[0], acc1[1], g1, dinv_b, W2, b1.reshape(1, D))

    acc2 = _scatter_kernel(g2, src_r, dst_r, zeros_nd)

    ow_pad = jnp.zeros((D, D), jnp.float32).at[:, :OUT].set(out_w)
    ob_pad = jnp.full((1, D), -1e30, jnp.float32).at[0, :OUT].set(out_b)

    out_pad = pl.pallas_call(
        _stage_c_body,
        grid=(grid,),
        in_specs=[_row_spec(D), _row_spec(D), _row_spec(D), _row_spec(D),
                  _full_spec((1, D)), _full_spec((D, D)), _full_spec((1, D)),
                  _full_spec((1, D)), _full_spec((1, D)), _full_spec((D, D)),
                  _full_spec((1, D))],
        out_specs=_row_spec(D),
        out_shape=jax.ShapeDtypeStruct((NP, D), jnp.float32),
    )(acc2[0], acc2[1], g2, dinv_b, b2.reshape(1, D), mlp_w,
      mlp_b.reshape(1, D), ln_g.reshape(1, D), ln_b.reshape(1, D),
      ow_pad, ob_pad)

    return out_pad[:N, :OUT]

# --- scband reference (transcript-rebuilt; emitter-appended) ---
"""Pipeline reference for scband-net-90280212562477 (READ-ONLY COPY).

The authoritative reference and input builder live on the scoring server;
editing this copy changes nothing except your own understanding.
"""

import jax, jax.numpy as jnp
import numpy as np

N = 10000
E = 320000
D = 128
H = 128
OUT = 4


def setup_inputs(seed: int = 0) -> dict:
    key = jax.random.key(seed)
    ks = jax.random.split(key, 14)
    x = jax.random.normal(ks[0], (N, D), dtype=jnp.float32)
    edge_index = jax.random.randint(ks[1], (2, E), 0, N, dtype=jnp.int32)
    # GCNConv params (PyG: lin has no bias; separate bias added after aggregation)
    W1 = jax.random.normal(ks[2], (D, H), dtype=jnp.float32) / np.sqrt(D)
    b1 = jnp.zeros((H,), dtype=jnp.float32)
    W2 = jax.random.normal(ks[3], (H, D), dtype=jnp.float32) / np.sqrt(H)
    b2 = jnp.zeros((D,), dtype=jnp.float32)
    # MLP head: Linear(D->128), LayerNorm(128), Linear(128->OUT), Softmax(dim=1)
    mlp_w = jax.random.normal(ks[4], (D, 128), dtype=jnp.float32) / np.sqrt(D)
    mlp_b = jnp.zeros((128,), dtype=jnp.float32)
    ln_g = jnp.ones((128,), dtype=jnp.float32)
    ln_b = jnp.zeros((128,), dtype=jnp.float32)
    out_w = jax.random.normal(ks[5], (128, OUT), dtype=jnp.float32) / np.sqrt(128)
    out_b = jnp.zeros((OUT,), dtype=jnp.float32)
    return {
        "x": x,
        "edge_index": edge_index,
        "W1": W1, "b1": b1,
        "W2": W2, "b2": b2,
        "mlp_w": mlp_w, "mlp_b": mlp_b,
        "ln_g": ln_g, "ln_b": ln_b,
        "out_w": out_w, "out_b": out_b,
    }


def _gcn_conv(x, edge_index, W, b):
    # PyG GCNConv with add_self_loops=True, normalize=True
    h = x @ W
    loop = jnp.arange(N, dtype=edge_index.dtype)
    src = jnp.concatenate([edge_index[0], loop])
    dst = jnp.concatenate([edge_index[1], loop])
    deg = jnp.zeros((N,), dtype=jnp.float32).at[dst].add(1.0)
    dinv = jnp.where(deg > 0, 1.0 / jnp.sqrt(deg), 0.0)
    norm = dinv[src] * dinv[dst]
    msg = h[src] * norm[:, None]
    out = jnp.zeros((N, h.shape[1]), dtype=h.dtype).at[dst].add(msg)
    return out + b


def _layernorm(z, g, b, eps=1e-5):
    mu = jnp.mean(z, axis=-1, keepdims=True)
    var = jnp.mean((z - mu) ** 2, axis=-1, keepdims=True)
    return (z - mu) / jnp.sqrt(var + eps) * g + b


def reference(x, edge_index, W1, b1, W2, b2, mlp_w, mlp_b, ln_g, ln_b, out_w, out_b):
    # encode: conv1 -> sigmoid -> dropout(eval: identity) -> conv2 -> relu
    h = jax.nn.sigmoid(_gcn_conv(x, edge_index, W1, b1))
    y = jax.nn.relu(_gcn_conv(h, edge_index, W2, b2))
    # node_classify: Linear -> LayerNorm -> Linear -> Softmax(dim=1)
    z = y @ mlp_w + mlp_b
    z = _layernorm(z, ln_g, ln_b)
    z = z @ out_w + out_b
    return jax.nn.softmax(z, axis=1)

if __name__ == "__main__":
    import jax
    _d = setup_inputs()
    print(jax.jit(kernel)(*tuple(_d.values())))

</pallas_src>

<mosaic_0001>
#map = affine_map<(d0, d1) -> (0, 0)>
#map1 = affine_map<(d0, d1) -> (0, 0, 0)>
module attributes {stable_mosaic.version = 14 : i64} {
  func.func @_scatter_body(%arg0: i32, %arg1: i32, %arg2: memref<10240x128xf32, #tpu.memory_space<hbm>>, %arg3: memref<320x8x128xi32, #tpu.memory_space<hbm>>, %arg4: memref<320x8x128xi32, #tpu.memory_space<hbm>>, %arg5: memref<10240x128xf32, #tpu.memory_space<hbm>>, %arg6: memref<2x10240x128xf32, #tpu.memory_space<hbm>>, %arg7: memref<8x128xi32, #tpu.memory_space<vmem>>, %arg8: memref<8x128xi32, #tpu.memory_space<vmem>>, %arg9: memref<8x128xi32, #tpu.memory_space<vmem>>, %arg10: memref<8x128xi32, #tpu.memory_space<vmem>>, %arg11: memref<128x128xf32, #tpu.memory_space<vmem>>, %arg12: memref<128x128xf32, #tpu.memory_space<vmem>>, %arg13: memref<10240x128xf32, #tpu.memory_space<vmem_shared>>, %arg14: memref<!tpu.dma_semaphore, #tpu.memory_space<semaphore_mem>>, %arg15: memref<!tpu.dma_semaphore, #tpu.memory_space<semaphore_mem>>, %arg16: memref<!tpu.dma_semaphore, #tpu.memory_space<semaphore_mem>>) attributes {dimension_semantics = [#tpu.dimension_semantics<core_parallel>, #tpu.dimension_semantics<subcore_parallel>], iteration_bounds = array<i64: 2, 16>, scalar_prefetch = 0 : i64, scratch_operands = 10 : i64, tpu.core_type = #tpu.core_type<sc_vector_subcore>, window_params = [{transform_indices = #map}, {transform_indices = #map1}, {transform_indices = #map1}, {transform_indices = #map}, {transform_indices = #map1}]} {
    %mul3A = arith.constant 2 : i32
    %mul3A_0 = arith.muli %arg1, %mul3A : i32
    %add3A = arith.addi %mul3A_0, %arg0 : i32
    %mul3A_1 = arith.constant 10 : i32
    %mul3A_2 = arith.muli %add3A, %mul3A_1 : i32
    "tpu.region"() ({
      %run_scoped3A = tpu.sem_alloc : memref<!tpu.dma_semaphore, #tpu.memory_space<semaphore_mem>>
      %dma_start3A_43 = arith.constant 0 : i32
      %dma_start3A_44 = arith.constant 0 : i32
      %dma_start3A_45 = tpu.memref_slice %arg3[%mul3A_2, %dma_start3A_43, %dma_start3A_44] : memref<320x8x128xi32, #tpu.memory_space<hbm>> -> memref<1x8x128xi32, #tpu.memory_space<hbm>>
      %dma_start3A_46 = tpu.memref_squeeze %dma_start3A_45 : memref<1x8x128xi32, #tpu.memory_space<hbm>> -> memref<8x128xi32, #tpu.memory_space<hbm>>
      %dma_start3A_47 = arith.constant 0 : i32
      %dma_start3A_48 = arith.constant 0 : i32
      %dma_start3A_49 = tpu.memref_slice %arg3[%mul3A_2, %dma_start3A_47, %dma_start3A_48] : memref<320x8x128xi32, #tpu.memory_space<hbm>> -> memref<1x8x128xi32, #tpu.memory_space<hbm>>
      %dma_start3A_50 = tpu.memref_squeeze %dma_start3A_49 : memref<1x8x128xi32, #tpu.memory_space<hbm>> -> memref<8x128xi32, #tpu.memory_space<hbm>>
      tpu.enqueue_dma source(%dma_start3A_50 : memref<8x128xi32, #tpu.memory_space<hbm>>) target(%arg7 : memref<8x128xi32, #tpu.memory_space<vmem>>) target_semaphore(%run_scoped3A : memref<!tpu.dma_semaphore, #tpu.memory_space<semaphore_mem>>)
      %dma_wait3A = arith.constant 0 : i32
      %dma_wait3A_51 = arith.constant 0 : i32
      %dma_wait3A_52 = tpu.memref_slice %arg3[%mul3A_2, %dma_wait3A, %dma_wait3A_51] : memref<320x8x128xi32, #tpu.memory_space<hbm>> -> memref<1x8x128xi32, #tpu.memory_space<hbm>>
      %dma_wait3A_53 = tpu.memref_squeeze %dma_wait3A_52 : memref<1x8x128xi32, #tpu.memory_space<hbm>> -> memref<8x128xi32, #tpu.memory_space<hbm>>
      %dma_wait3A_54 = arith.constant 0 : i32
      %dma_wait3A_55 = arith.constant 0 : i32
      %dma_wait3A_56 = tpu.memref_slice %arg3[%mul3A_2, %dma_wait3A_54, %dma_wait3A_55] : memref<320x8x128xi32, #tpu.memory_space<hbm>> -> memref<1x8x128xi32, #tpu.memory_space<hbm>>
      %dma_wait3A_57 = tpu.memref_squeeze %dma_wait3A_56 : memref<1x8x128xi32, #tpu.memory_space<hbm>> -> memref<8x128xi32, #tpu.memory_space<hbm>>
      tpu.wait_dma2 semaphore(%run_scoped3A : memref<!tpu.dma_semaphore, #tpu.memory_space<semaphore_mem>>) src(%dma_wait3A_57 : memref<8x128xi32, #tpu.memory_space<hbm>>) dst(%arg7 : memref<8x128xi32, #tpu.memory_space<vmem>>)
      tpu.yield
    }) : () -> ()
    "tpu.region"() ({
      %run_scoped3A = tpu.sem_alloc : memref<!tpu.dma_semaphore, #tpu.memory_space<semaphore_mem>>
      %dma_start3A_43 = arith.constant 0 : i32
      %dma_start3A_44 = arith.constant 0 : i32
      %dma_start3A_45 = tpu.memref_slice %arg4[%mul3A_2, %dma_start3A_43, %dma_start3A_44] : memref<320x8x128xi32, #tpu.memory_space<hbm>> -> memref<1x8x128xi32, #tpu.memory_space<hbm>>
      %dma_start3A_46 = tpu.memref_squeeze %dma_start3A_45 : memref<1x8x128xi32, #tpu.memory_space<hbm>> -> memref<8x128xi32, #tpu.memory_space<hbm>>
      %dma_start3A_47 = arith.constant 0 : i32
      %dma_start3A_48 = arith.constant 0 : i32
      %dma_start3A_49 = tpu.memref_slice %arg4[%mul3A_2, %dma_start3A_47, %dma_start3A_48] : memref<320x8x128xi32, #tpu.memory_space<hbm>> -> memref<1x8x128xi32, #tpu.memory_space<hbm>>
      %dma_start3A_50 = tpu.memref_squeeze %dma_start3A_49 : memref<1x8x128xi32, #tpu.memory_space<hbm>> -> memref<8x128xi32, #tpu.memory_space<hbm>>
      tpu.enqueue_dma source(%dma_start3A_50 : memref<8x128xi32, #tpu.memory_space<hbm>>) target(%arg8 : memref<8x128xi32, #tpu.memory_space<vmem>>) target_semaphore(%run_scoped3A : memref<!tpu.dma_semaphore, #tpu.memory_space<semaphore_mem>>)
      %dma_wait3A = arith.constant 0 : i32
      %dma_wait3A_51 = arith.constant 0 : i32
      %dma_wait3A_52 = tpu.memref_slice %arg4[%mul3A_2, %dma_wait3A, %dma_wait3A_51] : memref<320x8x128xi32, #tpu.memory_space<hbm>> -> memref<1x8x128xi32, #tpu.memory_space<hbm>>
      %dma_wait3A_53 = tpu.memref_squeeze %dma_wait3A_52 : memref<1x8x128xi32, #tpu.memory_space<hbm>> -> memref<8x128xi32, #tpu.memory_space<hbm>>
      %dma_wait3A_54 = arith.constant 0 : i32
      %dma_wait3A_55 = arith.constant 0 : i32
      %dma_wait3A_56 = tpu.memref_slice %arg4[%mul3A_2, %dma_wait3A_54, %dma_wait3A_55] : memref<320x8x128xi32, #tpu.memory_space<hbm>> -> memref<1x8x128xi32, #tpu.memory_space<hbm>>
      %dma_wait3A_57 = tpu.memref_squeeze %dma_wait3A_56 : memref<1x8x128xi32, #tpu.memory_space<hbm>> -> memref<8x128xi32, #tpu.memory_space<hbm>>
      tpu.wait_dma2 semaphore(%run_scoped3A : memref<!tpu.dma_semaphore, #tpu.memory_space<semaphore_mem>>) src(%dma_wait3A_57 : memref<8x128xi32, #tpu.memory_space<hbm>>) dst(%arg8 : memref<8x128xi32, #tpu.memory_space<vmem>>)
      tpu.yield
    }) : () -> ()
    %add3A_3 = arith.constant 1 : i32
    %add3A_4 = arith.addi %mul3A_2, %add3A_3 : i32
    %dma_start3A = arith.constant 0 : i32
    %dma_start3A_5 = arith.constant 0 : i32
    %dma_start3A_6 = tpu.memref_slice %arg3[%add3A_4, %dma_start3A, %dma_start3A_5] : memref<320x8x128xi32, #tpu.memory_space<hbm>> -> memref<1x8x128xi32, #tpu.memory_space<hbm>>
    %dma_start3A_7 = tpu.memref_squeeze %dma_start3A_6 : memref<1x8x128xi32, #tpu.memory_space<hbm>> -> memref<8x128xi32, #tpu.memory_space<hbm>>
    %dma_start3A_8 = arith.constant 0 : i32
    %dma_start3A_9 = arith.constant 0 : i32
    %dma_start3A_10 = tpu.memref_slice %arg3[%add3A_4, %dma_start3A_8, %dma_start3A_9] : memref<320x8x128xi32, #tpu.memory_space<hbm>> -> memref<1x8x128xi32, #tpu.memory_space<hbm>>
    %dma_start3A_11 = tpu.memref_squeeze %dma_start3A_10 : memref<1x8x128xi32, #tpu.memory_space<hbm>> -> memref<8x128xi32, #tpu.memory_space<hbm>>
    tpu.enqueue_dma source(%dma_start3A_11 : memref<8x128xi32, #tpu.memory_space<hbm>>) target(%arg9 : memref<8x128xi32, #tpu.memory_space<vmem>>) target_semaphore(%arg16 : memref<!tpu.dma_semaphore, #tpu.memory_space<semaphore_mem>>)
    %add3A_12 = arith.constant 1 : i32
    %add3A_13 = arith.addi %mul3A_2, %add3A_12 : i32
    %dma_start3A_14 = arith.constant 0 : i32
    %dma_start3A_15 = arith.constant 0 : i32
    %dma_start3A_16 = tpu.memref_slice %arg4[%add3A_13, %dma_start3A_14, %dma_start3A_15] : memref<320x8x128xi32, #tpu.memory_space<hbm>> -> memref<1x8x128xi32, #tpu.memory_space<hbm>>
    %dma_start3A_17 = tpu.memref_squeeze %dma_start3A_16 : memref<1x8x128xi32, #tpu.memory_space<hbm>> -> memref<8x128xi32, #tpu.memory_space<hbm>>
    %dma_start3A_18 = arith.constant 0 : i32
    %dma_start3A_19 = arith.constant 0 : i32
    %dma_start3A_20 = tpu.memref_slice %arg4[%add3A_13, %dma_start3A_18, %dma_start3A_19] : memref<320x8x128xi32, #tpu.memory_space<hbm>> -> memref<1x8x128xi32, #tpu.memory_space<hbm>>
    %dma_start3A_21 = tpu.memref_squeeze %dma_start3A_20 : memref<1x8x128xi32, #tpu.memory_space<hbm>> -> memref<8x128xi32, #tpu.memory_space<hbm>>
    tpu.enqueue_dma source(%dma_start3A_21 : memref<8x128xi32, #tpu.memory_space<hbm>>) target(%arg10 : memref<8x128xi32, #tpu.memory_space<vmem>>) target_semaphore(%arg16 : memref<!tpu.dma_semaphore, #tpu.memory_space<semaphore_mem>>)
    %mul3A_22 = arith.constant 640 : i32
    %mul3A_23 = arith.muli %arg1, %mul3A_22 : i32
    %mul3A_24 = arith.constant 640 : i32
    %mul3A_25 = arith.muli %arg1, %mul3A_24 : i32
    "tpu.region"() ({
      %run_scoped3A = tpu.sem_alloc : memref<!tpu.dma_semaphore, #tpu.memory_space<semaphore_mem>>
      %dma_start3A_43 = arith.constant 0 : i32
      %dma_start3A_44 = tpu.memref_slice %arg13[%mul3A_25, %dma_start3A_43] : memref<10240x128xf32, #tpu.memory_space<vmem_shared>> -> memref<640x128xf32, #tpu.memory_space<vmem_shared>>
      %dma_start3A_45 = arith.constant 0 : i32
      %dma_start3A_46 = tpu.memref_slice %arg5[%mul3A_23, %dma_start3A_45] : memref<10240x128xf32, #tpu.memory_space<hbm>> -> memref<640x128xf32, #tpu.memory_space<hbm>>
      tpu.enqueue_dma source(%dma_start3A_46 : memref<640x128xf32, #tpu.memory_space<hbm>>) target(%dma_start3A_44 : memref<640x128xf32, #tpu.memory_space<vmem_shared>>) target_semaphore(%run_scoped3A : memref<!tpu.dma_semaphore, #tpu.memory_space<semaphore_mem>>)
      %dma_wait3A = arith.constant 0 : i32
      %dma_wait3A_47 = tpu.memref_slice %arg13[%mul3A_25, %dma_wait3A] : memref<10240x128xf32, #tpu.memory_space<vmem_shared>> -> memref<640x128xf32, #tpu.memory_space<vmem_shared>>
      %dma_wait3A_48 = arith.constant 0 : i32
      %dma_wait3A_49 = tpu.memref_slice %arg5[%mul3A_23, %dma_wait3A_48] : memref<10240x128xf32, #tpu.memory_space<hbm>> -> memref<640x128xf32, #tpu.memory_space<hbm>>
      tpu.wait_dma2 semaphore(%run_scoped3A : memref<!tpu.dma_semaphore, #tpu.memory_space<semaphore_mem>>) src(%dma_wait3A_49 : memref<640x128xf32, #tpu.memory_space<hbm>>) dst(%dma_wait3A_47 : memref<640x128xf32, #tpu.memory_space<vmem_shared>>)
      tpu.yield
    }) : () -> ()
    %barrier3A = arith.constant 0 : index
    tpu.barrier barrier_id(%barrier3A)
    %dma_start3A_26 = arith.constant 0 : i32
    %dma_start3A_27 = arith.constant 0 : i32
    %dma_start3A_28 = tpu.memref_slice %arg7[%dma_start3A_26, %dma_start3A_27] : memref<8x128xi32, #tpu.memory_space<vmem>> -> memref<1x128xi32, #tpu.memory_space<vmem>>
    %dma_start3A_29 = tpu.memref_squeeze %dma_start3A_28 : memref<1x128xi32, #tpu.memory_space<vmem>> -> memref<128xi32, #tpu.memory_space<vmem>>
    %dma_start3A_30 = arith.constant 0 : i32
    %dma_start3A_31 = arith.constant 0 : i32
    %dma_start3A_32 = tpu.memref_slice %arg2[%dma_start3A_30, %dma_start3A_31] : memref<10240x128xf32, #tpu.memory_space<hbm>> -> memref<10240x128xf32, #tpu.memory_space<hbm>>
    tpu.enqueue_indirect_dma source(%dma_start3A_32 : memref<10240x128xf32, #tpu.memory_space<hbm>>) target(%arg11 : memref<128x128xf32, #tpu.memory_space<vmem>>) offsets(%dma_start3A_29 : memref<128xi32, #tpu.memory_space<vmem>>) semaphore(%arg14 : memref<!tpu.dma_semaphore, #tpu.memory_space<semaphore_mem>>)
    %scan3A = arith.constant 0 : i32
    %scan3A_33 = arith.constant 0 : i32
    %scan3A_34 = arith.constant 5 : i32
    %scan3A_35 = arith.addi %scan3A_33, %scan3A_34 : i32
    %scan3A_36 = arith.constant 1 : i32
    scf.for %scan3A_43 = %scan3A_33 to %scan3A_35 step %scan3A_36  : i32 {
      %mul3A_44 = arith.constant 2 : i32
      %mul3A_45 = arith.muli %mul3A_44, %scan3A_43 : i32
      %scan3A_46 = arith.constant 0 : i32
      %scan3A_47 = arith.constant 0 : i32
      %scan3A_48 = arith.constant 3 : i32
      %scan3A_49 = arith.addi %scan3A_47, %scan3A_48 : i32
      %scan3A_50 = arith.constant 1 : i32
      scf.for %scan3A_131 = %scan3A_47 to %scan3A_49 step %scan3A_50  : i32 {
        %mul3A_132 = arith.constant 2 : i32
        %mul3A_133 = arith.muli %mul3A_132, %scan3A_131 : i32
        %add3A_134 = arith.constant 1 : i32
        %add3A_135 = arith.addi %mul3A_133, %add3A_134 : i32
        %dma_start3A_136 = arith.constant 0 : i32
        %dma_start3A_137 = tpu.memref_slice %arg7[%add3A_135, %dma_start3A_136] : memref<8x128xi32, #tpu.memory_space<vmem>> -> memref<1x128xi32, #tpu.memory_space<vmem>>
        %dma_start3A_138 = tpu.memref_squeeze %dma_start3A_137 : memref<1x128xi32, #tpu.memory_space<vmem>> -> memref<128xi32, #tpu.memory_space<vmem>>
        %dma_start3A_139 = arith.constant 0 : i32
        %dma_start3A_140 = arith.constant 0 : i32
        %dma_start3A_141 = tpu.memref_slice %arg2[%dma_start3A_139, %dma_start3A_140] : memref<10240x128xf32, #tpu.memory_space<hbm>> -> memref<10240x128xf32, #tpu.memory_space<hbm>>
        tpu.enqueue_indirect_dma source(%dma_start3A_141 : memref<10240x128xf32, #tpu.memory_space<hbm>>) target(%arg12 : memref<128x128xf32, #tpu.memory_space<vmem>>) offsets(%dma_start3A_138 : memref<128xi32, #tpu.memory_space<vmem>>) semaphore(%arg15 : memref<!tpu.dma_semaphore, #tpu.memory_space<semaphore_mem>>)
        %dma_wait3A_142 = arith.constant 0 : i32
        %dma_wait3A_143 = tpu.memref_slice %arg7[%mul3A_133, %dma_wait3A_142] : memref<8x128xi32, #tpu.memory_space<vmem>> -> memref<1x128xi32, #tpu.memory_space<vmem>>
        %dma_wait3A_144 = tpu.memref_squeeze %dma_wait3A_143 : memref<1x128xi32, #tpu.memory_space<vmem>> -> memref<128xi32, #tpu.memory_space<vmem>>
        %dma_wait3A_145 = arith.constant 0 : i32
        %dma_wait3A_146 = arith.constant 0 : i32
        %dma_wait3A_147 = tpu.memref_slice %arg2[%dma_wait3A_145, %dma_wait3A_146] : memref<10240x128xf32, #tpu.memory_space<hbm>> -> memref<10240x128xf32, #tpu.memory_space<hbm>>
        tpu.wait_indirect_dma semaphore(%arg14 : memref<!tpu.dma_semaphore, #tpu.memory_space<semaphore_mem>>) src(%dma_wait3A_147 : memref<10240x128xf32, #tpu.memory_space<hbm>>) dst(%arg11 : memref<128x128xf32, #tpu.memory_space<vmem>>)
        "tpu.region"() ({
          %run_scoped3A_166 = tpu.sem_alloc : memref<!tpu.dma_semaphore, #tpu.memory_space<semaphore_mem>>
          %dma_start3A_167 = arith.constant 0 : i32
          %dma_start3A_168 = tpu.memref_slice %arg8[%mul3A_133, %dma_start3A_167] : memref<8x128xi32, #tpu.memory_space<vmem>> -> memref<1x128xi32, #tpu.memory_space<vmem>>
          %dma_start3A_169 = tpu.memref_squeeze %dma_start3A_168 : memref<1x128xi32, #tpu.memory_space<vmem>> -> memref<128xi32, #tpu.memory_space<vmem>>
          %dma_start3A_170 = arith.constant 0 : i32
          %dma_start3A_171 = arith.constant 0 : i32
          %dma_start3A_172 = tpu.memref_slice %arg13[%dma_start3A_170, %dma_start3A_171] : memref<10240x128xf32, #tpu.memory_space<vmem_shared>> -> memref<10240x128xf32, #tpu.memory_space<vmem_shared>>
          tpu.enqueue_indirect_dma source(%arg11 : memref<128x128xf32, #tpu.memory_space<vmem>>) target(%dma_start3A_172 : memref<10240x128xf32, #tpu.memory_space<vmem_shared>>) offsets(%dma_start3A_169 : memref<128xi32, #tpu.memory_space<vmem>>) semaphore(%run_scoped3A_166 : memref<!tpu.dma_semaphore, #tpu.memory_space<semaphore_mem>>) {add = true}
          %dma_wait3A_173 = arith.constant 0 : i32
          %dma_wait3A_174 = tpu.memref_slice %arg8[%mul3A_133, %dma_wait3A_173] : memref<8x128xi32, #tpu.memory_space<vmem>> -> memref<1x128xi32, #tpu.memory_space<vmem>>
          %dma_wait3A_175 = tpu.memref_squeeze %dma_wait3A_174 : memref<1x128xi32, #tpu.memory_space<vmem>> -> memref<128xi32, #tpu.memory_space<vmem>>
          %dma_wait3A_176 = arith.constant 0 : i32
          %dma_wait3A_177 = arith.constant 0 : i32
          %dma_wait3A_178 = tpu.memref_slice %arg13[%dma_wait3A_176, %dma_wait3A_177] : memref<10240x128xf32, #tpu.memory_space<vmem_shared>> -> memref<10240x128xf32, #tpu.memory_space<vmem_shared>>
          tpu.wait_indirect_dma semaphore(%run_scoped3A_166 : memref<!tpu.dma_semaphore, #tpu.memory_space<semaphore_mem>>) src(%arg11 : memref<128x128xf32, #tpu.memory_space<vmem>>) dst(%dma_wait3A_178 : memref<10240x128xf32, #tpu.memory_space<vmem_shared>>)
          tpu.yield
        }) : () -> ()
        %add3A_148 = arith.constant 2 : i32
        %add3A_149 = arith.addi %mul3A_133, %add3A_148 : i32
        %dma_start3A_150 = arith.constant 0 : i32
        %dma_start3A_151 = tpu.memref_slice %arg7[%add3A_149, %dma_start3A_150] : memref<8x128xi32, #tpu.memory_space<vmem>> -> memref<1x128xi32, #tpu.memory_space<vmem>>
        %dma_start3A_152 = tpu.memref_squeeze %dma_start3A_151 : memref<1x128xi32, #tpu.memory_space<vmem>> -> memref<128xi32, #tpu.memory_space<vmem>>
        %dma_start3A_153 = arith.constant 0 : i32
        %dma_start3A_154 = arith.constant 0 : i32
        %dma_start3A_155 = tpu.memref_slice %arg2[%dma_start3A_153, %dma_start3A_154] : memref<10240x128xf32, #tpu.memory_space<hbm>> -> memref<10240x128xf32, #tpu.memory_space<hbm>>
        tpu.enqueue_indirect_dma source(%dma_start3A_155 : memref<10240x128xf32, #tpu.memory_space<hbm>>) target(%arg11 : memref<128x128xf32, #tpu.memory_space<vmem>>) offsets(%dma_start3A_152 : memref<128xi32, #tpu.memory_space<vmem>>) semaphore(%arg14 : memref<!tpu.dma_semaphore, #tpu.memory_space<semaphore_mem>>)
        %add3A_156 = arith.constant 1 : i32
        %add3A_157 = arith.addi %mul3A_133, %add3A_156 : i32
        %dma_wait3A_158 = arith.constant 0 : i32
        %dma_wait3A_159 = tpu.memref_slice %arg7[%add3A_157, %dma_wait3A_158] : memref<8x128xi32, #tpu.memory_space<vmem>> -> memref<1x128xi32, #tpu.memory_space<vmem>>
        %dma_wait3A_160 = tpu.memref_squeeze %dma_wait3A_159 : memref<1x128xi32, #tpu.memory_space<vmem>> -> memref<128xi32, #tpu.memory_space<vmem>>
        %dma_wait3A_161 = arith.constant 0 : i32
        %dma_wait3A_162 = arith.constant 0 : i32
        %dma_wait3A_163 = tpu.memref_slice %arg2[%dma_wait3A_161, %dma_wait3A_162] : memref<10240x128xf32, #tpu.memory_space<hbm>> -> memref<10240x128xf32, #tpu.memory_space<hbm>>
        tpu.wait_indirect_dma semaphore(%arg15 : memref<!tpu.dma_semaphore, #tpu.memory_space<semaphore_mem>>) src(%dma_wait3A_163 : memref<10240x128xf32, #tpu.memory_space<hbm>>) dst(%arg12 : memref<128x128xf32, #tpu.memory_space<vmem>>)
        %add3A_164 = arith.constant 1 : i32
        %add3A_165 = arith.addi %mul3A_133, %add3A_164 : i32
        "tpu.region"() ({
          %run_scoped3A_166 = tpu.sem_alloc : memref<!tpu.dma_semaphore, #tpu.memory_space<semaphore_mem>>
          %dma_start3A_167 = arith.constant 0 : i32
          %dma_start3A_168 = tpu.memref_slice %arg8[%add3A_165, %dma_start3A_167] : memref<8x128xi32, #tpu.memory_space<vmem>> -> memref<1x128xi32, #tpu.memory_space<vmem>>
          %dma_start3A_169 = tpu.memref_squeeze %dma_start3A_168 : memref<1x128xi32, #tpu.memory_space<vmem>> -> memref<128xi32, #tpu.memory_space<vmem>>
          %dma_start3A_170 = arith.constant 0 : i32
          %dma_start3A_171 = arith.constant 0 : i32
          %dma_start3A_172 = tpu.memref_slice %arg13[%dma_start3A_170, %dma_start3A_171] : memref<10240x128xf32, #tpu.memory_space<vmem_shared>> -> memref<10240x128xf32, #tpu.memory_space<vmem_shared>>
          tpu.enqueue_indirect_dma source(%arg12 : memref<128x128xf32, #tpu.memory_space<vmem>>) target(%dma_start3A_172 : memref<10240x128xf32, #tpu.memory_space<vmem_shared>>) offsets(%dma_start3A_169 : memref<128xi32, #tpu.memory_space<vmem>>) semaphore(%run_scoped3A_166 : memref<!tpu.dma_semaphore, #tpu.memory_space<semaphore_mem>>) {add = true}
          %dma_wait3A_173 = arith.constant 0 : i32
          %dma_wait3A_174 = tpu.memref_slice %arg8[%add3A_165, %dma_wait3A_173] : memref<8x128xi32, #tpu.memory_space<vmem>> -> memref<1x128xi32, #tpu.memory_space<vmem>>
          %dma_wait3A_175 = tpu.memref_squeeze %dma_wait3A_174 : memref<1x128xi32, #tpu.memory_space<vmem>> -> memref<128xi32, #tpu.memory_space<vmem>>
          %dma_wait3A_176 = arith.constant 0 : i32
          %dma_wait3A_177 = arith.constant 0 : i32
          %dma_wait3A_178 = tpu.memref_slice %arg13[%dma_wait3A_176, %dma_wait3A_177] : memref<10240x128xf32, #tpu.memory_space<vmem_shared>> -> memref<10240x128xf32, #tpu.memory_space<vmem_shared>>
          tpu.wait_indirect_dma semaphore(%run_scoped3A_166 : memref<!tpu.dma_semaphore, #tpu.memory_space<semaphore_mem>>) src(%arg12 : memref<128x128xf32, #tpu.memory_space<vmem>>) dst(%dma_wait3A_178 : memref<10240x128xf32, #tpu.memory_space<vmem_shared>>)
          tpu.yield
        }) : () -> ()
      }
      %scan3A_51 = arith.constant 3 : i32
      %dma_start3A_52 = arith.constant 7 : i32
      %dma_start3A_53 = arith.constant 0 : i32
      %dma_start3A_54 = tpu.memref_slice %arg7[%dma_start3A_52, %dma_start3A_53] : memref<8x128xi32, #tpu.memory_space<vmem>> -> memref<1x128xi32, #tpu.memory_space<vmem>>
      %dma_start3A_55 = tpu.memref_squeeze %dma_start3A_54 : memref<1x128xi32, #tpu.memory_space<vmem>> -> memref<128xi32, #tpu.memory_space<vmem>>
      %dma_start3A_56 = arith.constant 0 : i32
      %dma_start3A_57 = arith.constant 0 : i32
      %dma_start3A_58 = tpu.memref_slice %arg2[%dma_start3A_56, %dma_start3A_57] : memref<10240x128xf32, #tpu.memory_space<hbm>> -> memref<10240x128xf32, #tpu.memory_space<hbm>>
      tpu.enqueue_indirect_dma source(%dma_start3A_58 : memref<10240x128xf32, #tpu.memory_space<hbm>>) target(%arg12 : memref<128x128xf32, #tpu.memory_space<vmem>>) offsets(%dma_start3A_55 : memref<128xi32, #tpu.memory_space<vmem>>) semaphore(%arg15 : memref<!tpu.dma_semaphore, #tpu.memory_space<semaphore_mem>>)
      %dma_wait3A = arith.constant 6 : i32
      %dma_wait3A_59 = arith.constant 0 : i32
      %dma_wait3A_60 = tpu.memref_slice %arg7[%dma_wait3A, %dma_wait3A_59] : memref<8x128xi32, #tpu.memory_space<vmem>> -> memref<1x128xi32, #tpu.memory_space<vmem>>
      %dma_wait3A_61 = tpu.memref_squeeze %dma_wait3A_60 : memref<1x128xi32, #tpu.memory_space<vmem>> -> memref<128xi32, #tpu.memory_space<vmem>>
      %dma_wait3A_62 = arith.constant 0 : i32
      %dma_wait3A_63 = arith.constant 0 : i32
      %dma_wait3A_64 = tpu.memref_slice %arg2[%dma_wait3A_62, %dma_wait3A_63] : memref<10240x128xf32, #tpu.memory_space<hbm>> -> memref<10240x128xf32, #tpu.memory_space<hbm>>
      tpu.wait_indirect_dma semaphore(%arg14 : memref<!tpu.dma_semaphore, #tpu.memory_space<semaphore_mem>>) src(%dma_wait3A_64 : memref<10240x128xf32, #tpu.memory_space<hbm>>) dst(%arg11 : memref<128x128xf32, #tpu.memory_space<vmem>>)
      %run_scoped3A = arith.constant 6 : i32
      "tpu.region"() ({
        %run_scoped3A_131 = tpu.sem_alloc : memref<!tpu.dma_semaphore, #tpu.memory_space<semaphore_mem>>
        %dma_start3A_132 = arith.constant 0 : i32
        %dma_start3A_133 = tpu.memref_slice %arg8[%run_scoped3A, %dma_start3A_132] : memref<8x128xi32, #tpu.memory_space<vmem>> -> memref<1x128xi32, #tpu.memory_space<vmem>>
        %dma_start3A_134 = tpu.memref_squeeze %dma_start3A_133 : memref<1x128xi32, #tpu.memory_space<vmem>> -> memref<128xi32, #tpu.memory_space<vmem>>
        %dma_start3A_135 = arith.constant 0 : i32
        %dma_start3A_136 = arith.constant 0 : i32
        %dma_start3A_137 = tpu.memref_slice %arg13[%dma_start3A_135, %dma_start3A_136] : memref<10240x128xf32, #tpu.memory_space<vmem_shared>> -> memref<10240x128xf32, #tpu.memory_space<vmem_shared>>
        tpu.enqueue_indirect_dma source(%arg11 : memref<128x128xf32, #tpu.memory_space<vmem>>) target(%dma_start3A_137 : memref<10240x128xf32, #tpu.memory_space<vmem_shared>>) offsets(%dma_start3A_134 : memref<128xi32, #tpu.memory_space<vmem>>) semaphore(%run_scoped3A_131 : memref<!tpu.dma_semaphore, #tpu.memory_space<semaphore_mem>>) {add = true}
        %dma_wait3A_138 = arith.constant 0 : i32
        %dma_wait3A_139 = tpu.memref_slice %arg8[%run_scoped3A, %dma_wait3A_138] : memref<8x128xi32, #tpu.memory_space<vmem>> -> memref<1x128xi32, #tpu.memory_space<vmem>>
        %dma_wait3A_140 = tpu.memref_squeeze %dma_wait3A_139 : memref<1x128xi32, #tpu.memory_space<vmem>> -> memref<128xi32, #tpu.memory_space<vmem>>
        %dma_wait3A_141 = arith.constant 0 : i32
        %dma_wait3A_142 = arith.constant 0 : i32
        %dma_wait3A_143 = tpu.memref_slice %arg13[%dma_wait3A_141, %dma_wait3A_142] : memref<10240x128xf32, #tpu.memory_space<vmem_shared>> -> memref<10240x128xf32, #tpu.memory_space<vmem_shared>>
        tpu.wait_indirect_dma semaphore(%run_scoped3A_131 : memref<!tpu.dma_semaphore, #tpu.memory_space<semaphore_mem>>) src(%arg11 : memref<128x128xf32, #tpu.memory_space<vmem>>) dst(%dma_wait3A_143 : memref<10240x128xf32, #tpu.memory_space<vmem_shared>>)
        tpu.yield
      }) : () -> ()
      %add3A_65 = arith.constant 1 : i32
      %add3A_66 = arith.addi %mul3A_45, %add3A_65 : i32
      %lt3A = arith.constant 10 : i32
      %lt3A_67 = arith.cmpi slt, %add3A_66, %lt3A : i32
      %convert_element_type3A = arith.extui %lt3A_67 : i1 to i32
      %cond3A = arith.constant 0 : i32
      %cond3A_68 = arith.cmpi ne, %convert_element_type3A, %cond3A : i32
      scf.if %cond3A_68 {
        %dma_wait3A_131 = arith.constant 0 : i32
        %dma_wait3A_132 = arith.constant 0 : i32
        %dma_wait3A_133 = tpu.memref_slice %arg3[%mul3A_2, %dma_wait3A_131, %dma_wait3A_132] : memref<320x8x128xi32, #tpu.memory_space<hbm>> -> memref<1x8x128xi32, #tpu.memory_space<hbm>>
        %dma_wait3A_134 = tpu.memref_squeeze %dma_wait3A_133 : memref<1x8x128xi32, #tpu.memory_space<hbm>> -> memref<8x128xi32, #tpu.memory_space<hbm>>
        %dma_wait3A_135 = arith.constant 0 : i32
        %dma_wait3A_136 = arith.constant 0 : i32
        %dma_wait3A_137 = tpu.memref_slice %arg3[%mul3A_2, %dma_wait3A_135, %dma_wait3A_136] : memref<320x8x128xi32, #tpu.memory_space<hbm>> -> memref<1x8x128xi32, #tpu.memory_space<hbm>>
        %dma_wait3A_138 = tpu.memref_squeeze %dma_wait3A_137 : memref<1x8x128xi32, #tpu.memory_space<hbm>> -> memref<8x128xi32, #tpu.memory_space<hbm>>
        tpu.wait_dma2 semaphore(%arg16 : memref<!tpu.dma_semaphore, #tpu.memory_space<semaphore_mem>>) src(%dma_wait3A_138 : memref<8x128xi32, #tpu.memory_space<hbm>>) dst(%arg9 : memref<8x128xi32, #tpu.memory_space<vmem>>)
        %dma_wait3A_139 = arith.constant 0 : i32
        %dma_wait3A_140 = arith.constant 0 : i32
        %dma_wait3A_141 = tpu.memref_slice %arg4[%mul3A_2, %dma_wait3A_139, %dma_wait3A_140] : memref<320x8x128xi32, #tpu.memory_space<hbm>> -> memref<1x8x128xi32, #tpu.memory_space<hbm>>
        %dma_wait3A_142 = tpu.memref_squeeze %dma_wait3A_141 : memref<1x8x128xi32, #tpu.memory_space<hbm>> -> memref<8x128xi32, #tpu.memory_space<hbm>>
        %dma_wait3A_143 = arith.constant 0 : i32
        %dma_wait3A_144 = arith.constant 0 : i32
        %dma_wait3A_145 = tpu.memref_slice %arg4[%mul3A_2, %dma_wait3A_143, %dma_wait3A_144] : memref<320x8x128xi32, #tpu.memory_space<hbm>> -> memref<1x8x128xi32, #tpu.memory_space<hbm>>
        %dma_wait3A_146 = tpu.memref_squeeze %dma_wait3A_145 : memref<1x8x128xi32, #tpu.memory_space<hbm>> -> memref<8x128xi32, #tpu.memory_space<hbm>>
        tpu.wait_dma2 semaphore(%arg16 : memref<!tpu.dma_semaphore, #tpu.memory_space<semaphore_mem>>) src(%dma_wait3A_146 : memref<8x128xi32, #tpu.memory_space<hbm>>) dst(%arg10 : memref<8x128xi32, #tpu.memory_space<vmem>>)
        %dma_start3A_147 = arith.constant 0 : i32
        %dma_start3A_148 = arith.constant 0 : i32
        %dma_start3A_149 = tpu.memref_slice %arg9[%dma_start3A_147, %dma_start3A_148] : memref<8x128xi32, #tpu.memory_space<vmem>> -> memref<1x128xi32, #tpu.memory_space<vmem>>
        %dma_start3A_150 = tpu.memref_squeeze %dma_start3A_149 : memref<1x128xi32, #tpu.memory_space<vmem>> -> memref<128xi32, #tpu.memory_space<vmem>>
        %dma_start3A_151 = arith.constant 0 : i32
        %dma_start3A_152 = arith.constant 0 : i32
        %dma_start3A_153 = tpu.memref_slice %arg2[%dma_start3A_151, %dma_start3A_152] : memref<10240x128xf32, #tpu.memory_space<hbm>> -> memref<10240x128xf32, #tpu.memory_space<hbm>>
        tpu.enqueue_indirect_dma source(%dma_start3A_153 : memref<10240x128xf32, #tpu.memory_space<hbm>>) target(%arg11 : memref<128x128xf32, #tpu.memory_space<vmem>>) offsets(%dma_start3A_150 : memref<128xi32, #tpu.memory_space<vmem>>) semaphore(%arg14 : memref<!tpu.dma_semaphore, #tpu.memory_space<semaphore_mem>>)
      } else {
      }
      %dma_wait3A_69 = arith.constant 7 : i32
      %dma_wait3A_70 = arith.constant 0 : i32
      %dma_wait3A_71 = tpu.memref_slice %arg7[%dma_wait3A_69, %dma_wait3A_70] : memref<8x128xi32, #tpu.memory_space<vmem>> -> memref<1x128xi32, #tpu.memory_space<vmem>>
      %dma_wait3A_72 = tpu.memref_squeeze %dma_wait3A_71 : memref<1x128xi32, #tpu.memory_space<vmem>> -> memref<128xi32, #tpu.memory_space<vmem>>
      %dma_wait3A_73 = arith.constant 0 : i32
      %dma_wait3A_74 = arith.constant 0 : i32
      %dma_wait3A_75 = tpu.memref_slice %arg2[%dma_wait3A_73, %dma_wait3A_74] : memref<10240x128xf32, #tpu.memory_space<hbm>> -> memref<10240x128xf32, #tpu.memory_space<hbm>>
      tpu.wait_indirect_dma semaphore(%arg15 : memref<!tpu.dma_semaphore, #tpu.memory_space<semaphore_mem>>) src(%dma_wait3A_75 : memref<10240x128xf32, #tpu.memory_space<hbm>>) dst(%arg12 : memref<128x128xf32, #tpu.memory_space<vmem>>)
      %run_scoped3A_76 = arith.constant 7 : i32
      "tpu.region"() ({
        %run_scoped3A_131 = tpu.sem_alloc : memref<!tpu.dma_semaphore, #tpu.memory_space<semaphore_mem>>
        %dma_start3A_132 = arith.constant 0 : i32
        %dma_start3A_133 = tpu.memref_slice %arg8[%run_scoped3A_76, %dma_start3A_132] : memref<8x128xi32, #tpu.memory_space<vmem>> -> memref<1x128xi32, #tpu.memory_space<vmem>>
        %dma_start3A_134 = tpu.memref_squeeze %dma_start3A_133 : memref<1x128xi32, #tpu.memory_space<vmem>> -> memref<128xi32, #tpu.memory_space<vmem>>
        %dma_start3A_135 = arith.constant 0 : i32
        %dma_start3A_136 = arith.constant 0 : i32
        %dma_start3A_137 = tpu.memref_slice %arg13[%dma_start3A_135, %dma_start3A_136] : memref<10240x128xf32, #tpu.memory_space<vmem_shared>> -> memref<10240x128xf32, #tpu.memory_space<vmem_shared>>
        tpu.enqueue_indirect_dma source(%arg12 : memref<128x128xf32, #tpu.memory_space<vmem>>) target(%dma_start3A_137 : memref<10240x128xf32, #tpu.memory_space<vmem_shared>>) offsets(%dma_start3A_134 : memref<128xi32, #tpu.memory_space<vmem>>) semaphore(%run_scoped3A_131 : memref<!tpu.dma_semaphore, #tpu.memory_space<semaphore_mem>>) {add = true}
        %dma_wait3A_138 = arith.constant 0 : i32
        %dma_wait3A_139 = tpu.memref_slice %arg8[%run_scoped3A_76, %dma_wait3A_138] : memref<8x128xi32, #tpu.memory_space<vmem>> -> memref<1x128xi32, #tpu.memory_space<vmem>>
        %dma_wait3A_140 = tpu.memref_squeeze %dma_wait3A_139 : memref<1x128xi32, #tpu.memory_space<vmem>> -> memref<128xi32, #tpu.memory_space<vmem>>
        %dma_wait3A_141 = arith.constant 0 : i32
        %dma_wait3A_142 = arith.constant 0 : i32
        %dma_wait3A_143 = tpu.memref_slice %arg13[%dma_wait3A_141, %dma_wait3A_142] : memref<10240x128xf32, #tpu.memory_space<vmem_shared>> -> memref<10240x128xf32, #tpu.memory_space<vmem_shared>>
        tpu.wait_indirect_dma semaphore(%run_scoped3A_131 : memref<!tpu.dma_semaphore, #tpu.memory_space<semaphore_mem>>) src(%arg12 : memref<128x128xf32, #tpu.memory_space<vmem>>) dst(%dma_wait3A_143 : memref<10240x128xf32, #tpu.memory_space<vmem_shared>>)
        tpu.yield
      }) : () -> ()
      %add3A_77 = arith.constant 2 : i32
      %add3A_78 = arith.addi %mul3A_45, %add3A_77 : i32
      %lt3A_79 = arith.constant 10 : i32
      %lt3A_80 = arith.cmpi slt, %add3A_78, %lt3A_79 : i32
      %convert_element_type3A_81 = arith.extui %lt3A_80 : i1 to i32
      %cond3A_82 = arith.constant 0 : i32
      %cond3A_83 = arith.cmpi ne, %convert_element_type3A_81, %cond3A_82 : i32
      scf.if %cond3A_83 {
        %add3A_131 = arith.addi %mul3A_2, %mul3A_45 : i32
        %add3A_132 = arith.constant 2 : i32
        %add3A_133 = arith.addi %add3A_131, %add3A_132 : i32
        %dma_start3A_134 = arith.constant 0 : i32
        %dma_start3A_135 = arith.constant 0 : i32
        %dma_start3A_136 = tpu.memref_slice %arg3[%add3A_133, %dma_start3A_134, %dma_start3A_135] : memref<320x8x128xi32, #tpu.memory_space<hbm>> -> memref<1x8x128xi32, #tpu.memory_space<hbm>>
        %dma_start3A_137 = tpu.memref_squeeze %dma_start3A_136 : memref<1x8x128xi32, #tpu.memory_space<hbm>> -> memref<8x128xi32, #tpu.memory_space<hbm>>
        %dma_start3A_138 = arith.constant 0 : i32
        %dma_start3A_139 = arith.constant 0 : i32
        %dma_start3A_140 = tpu.memref_slice %arg3[%add3A_133, %dma_start3A_138, %dma_start3A_139] : memref<320x8x128xi32, #tpu.memory_space<hbm>> -> memref<1x8x128xi32, #tpu.memory_space<hbm>>
        %dma_start3A_141 = tpu.memref_squeeze %dma_start3A_140 : memref<1x8x128xi32, #tpu.memory_space<hbm>> -> memref<8x128xi32, #tpu.memory_space<hbm>>
        tpu.enqueue_dma source(%dma_start3A_141 : memref<8x128xi32, #tpu.memory_space<hbm>>) target(%arg7 : memref<8x128xi32, #tpu.memory_space<vmem>>) target_semaphore(%arg16 : memref<!tpu.dma_semaphore, #tpu.memory_space<semaphore_mem>>)
        %add3A_142 = arith.addi %mul3A_2, %mul3A_45 : i32
        %add3A_143 = arith.constant 2 : i32
        %add3A_144 = arith.addi %add3A_142, %add3A_143 : i32
        %dma_start3A_145 = arith.constant 0 : i32
        %dma_start3A_146 = arith.constant 0 : i32
        %dma_start3A_147 = tpu.memref_slice %arg4[%add3A_144, %dma_start3A_145, %dma_start3A_146] : memref<320x8x128xi32, #tpu.memory_space<hbm>> -> memref<1x8x128xi32, #tpu.memory_space<hbm>>
        %dma_start3A_148 = tpu.memref_squeeze %dma_start3A_147 : memref<1x8x128xi32, #tpu.memory_space<hbm>> -> memref<8x128xi32, #tpu.memory_space<hbm>>
        %dma_start3A_149 = arith.constant 0 : i32
        %dma_start3A_150 = arith.constant 0 : i32
        %dma_start3A_151 = tpu.memref_slice %arg4[%add3A_144, %dma_start3A_149, %dma_start3A_150] : memref<320x8x128xi32, #tpu.memory_space<hbm>> -> memref<1x8x128xi32, #tpu.memory_space<hbm>>
        %dma_start3A_152 = tpu.memref_squeeze %dma_start3A_151 : memref<1x8x128xi32, #tpu.memory_space<hbm>> -> memref<8x128xi32, #tpu.memory_space<hbm>>
        tpu.enqueue_dma source(%dma_start3A_152 : memref<8x128xi32, #tpu.memory_space<hbm>>) target(%arg8 : memref<8x128xi32, #tpu.memory_space<vmem>>) target_semaphore(%arg16 : memref<!tpu.dma_semaphore, #tpu.memory_space<semaphore_mem>>)
      } else {
      }
      %mul3A_84 = arith.constant 2 : i32
      %mul3A_85 = arith.muli %mul3A_84, %scan3A_43 : i32
      %add3A_86 = arith.constant 1 : i32
      %add3A_87 = arith.addi %mul3A_85, %add3A_86 : i32
      %scan3A_88 = arith.constant 0 : i32
      %scan3A_89 = arith.constant 0 : i32
      %scan3A_90 = arith.constant 3 : i32
      %scan3A_91 = arith.addi %scan3A_89, %scan3A_90 : i32
      %scan3A_92 = arith.constant 1 : i32
      scf.for %scan3A_131 = %scan3A_89 to %scan3A_91 step %scan3A_92  : i32 {
        %mul3A_132 = arith.constant 2 : i32
        %mul3A_133 = arith.muli %mul3A_132, %scan3A_131 : i32
        %add3A_134 = arith.constant 1 : i32
        %add3A_135 = arith.addi %mul3A_133, %add3A_134 : i32
        %dma_start3A_136 = arith.constant 0 : i32
        %dma_start3A_137 = tpu.memref_slice %arg9[%add3A_135, %dma_start3A_136] : memref<8x128xi32, #tpu.memory_space<vmem>> -> memref<1x128xi32, #tpu.memory_space<vmem>>
        %dma_start3A_138 = tpu.memref_squeeze %dma_start3A_137 : memref<1x128xi32, #tpu.memory_space<vmem>> -> memref<128xi32, #tpu.memory_space<vmem>>
        %dma_start3A_139 = arith.constant 0 : i32
        %dma_start3A_140 = arith.constant 0 : i32
        %dma_start3A_141 = tpu.memref_slice %arg2[%dma_start3A_139, %dma_start3A_140] : memref<10240x128xf32, #tpu.memory_space<hbm>> -> memref<10240x128xf32, #tpu.memory_space<hbm>>
        tpu.enqueue_indirect_dma source(%dma_start3A_141 : memref<10240x128xf32, #tpu.memory_space<hbm>>) target(%arg12 : memref<128x128xf32, #tpu.memory_space<vmem>>) offsets(%dma_start3A_138 : memref<128xi32, #tpu.memory_space<vmem>>) semaphore(%arg15 : memref<!tpu.dma_semaphore, #tpu.memory_space<semaphore_mem>>)
        %dma_wait3A_142 = arith.constant 0 : i32
        %dma_wait3A_143 = tpu.memref_slice %arg9[%mul3A_133, %dma_wait3A_142] : memref<8x128xi32, #tpu.memory_space<vmem>> -> memref<1x128xi32, #tpu.memory_space<vmem>>
        %dma_wait3A_144 = tpu.memref_squeeze %dma_wait3A_143 : memref<1x128xi32, #tpu.memory_space<vmem>> -> memref<128xi32, #tpu.memory_space<vmem>>
        %dma_wait3A_145 = arith.constant 0 : i32
        %dma_wait3A_146 = arith.constant 0 : i32
        %dma_wait3A_147 = tpu.memref_slice %arg2[%dma_wait3A_145, %dma_wait3A_146] : memref<10240x128xf32, #tpu.memory_space<hbm>> -> memref<10240x128xf32, #tpu.memory_space<hbm>>
        tpu.wait_indirect_dma semaphore(%arg14 : memref<!tpu.dma_semaphore, #tpu.memory_space<semaphore_mem>>) src(%dma_wait3A_147 : memref<10240x128xf32, #tpu.memory_space<hbm>>) dst(%arg11 : memref<128x128xf32, #tpu.memory_space<vmem>>)
        "tpu.region"() ({
          %run_scoped3A_166 = tpu.sem_alloc : memref<!tpu.dma_semaphore, #tpu.memory_space<semaphore_mem>>
          %dma_start3A_167 = arith.constant 0 : i32
          %dma_start3A_168 = tpu.memref_slice %arg10[%mul3A_133, %dma_start3A_167] : memref<8x128xi32, #tpu.memory_space<vmem>> -> memref<1x128xi32, #tpu.memory_space<vmem>>
          %dma_start3A_169 = tpu.memref_squeeze %dma_start3A_168 : memref<1x128xi32, #tpu.memory_space<vmem>> -> memref<128xi32, #tpu.memory_space<vmem>>
          %dma_start3A_170 = arith.constant 0 : i32
          %dma_start3A_171 = arith.constant 0 : i32
          %dma_start3A_172 = tpu.memref_slice %arg13[%dma_start3A_170, %dma_start3A_171] : memref<10240x128xf32, #tpu.memory_space<vmem_shared>> -> memref<10240x128xf32, #tpu.memory_space<vmem_shared>>
          tpu.enqueue_indirect_dma source(%arg11 : memref<128x128xf32, #tpu.memory_space<vmem>>) target(%dma_start3A_172 : memref<10240x128xf32, #tpu.memory_space<vmem_shared>>) offsets(%dma_start3A_169 : memref<128xi32, #tpu.memory_space<vmem>>) semaphore(%run_scoped3A_166 : memref<!tpu.dma_semaphore, #tpu.memory_space<semaphore_mem>>) {add = true}
          %dma_wait3A_173 = arith.constant 0 : i32
          %dma_wait3A_174 = tpu.memref_slice %arg10[%mul3A_133, %dma_wait3A_173] : memref<8x128xi32, #tpu.memory_space<vmem>> -> memref<1x128xi32, #tpu.memory_space<vmem>>
          %dma_wait3A_175 = tpu.memref_squeeze %dma_wait3A_174 : memref<1x128xi32, #tpu.memory_space<vmem>> -> memref<128xi32, #tpu.memory_space<vmem>>
          %dma_wait3A_176 = arith.constant 0 : i32
          %dma_wait3A_177 = arith.constant 0 : i32
          %dma_wait3A_178 = tpu.memref_slice %arg13[%dma_wait3A_176, %dma_wait3A_177] : memref<10240x128xf32, #tpu.memory_space<vmem_shared>> -> memref<10240x128xf32, #tpu.memory_space<vmem_shared>>
          tpu.wait_indirect_dma semaphore(%run_scoped3A_166 : memref<!tpu.dma_semaphore, #tpu.memory_space<semaphore_mem>>) src(%arg11 : memref<128x128xf32, #tpu.memory_space<vmem>>) dst(%dma_wait3A_178 : memref<10240x128xf32, #tpu.memory_space<vmem_shared>>)
          tpu.yield
        }) : () -> ()
        %add3A_148 = arith.constant 2 : i32
        %add3A_149 = arith.addi %mul3A_133, %add3A_148 : i32
        %dma_start3A_150 = arith.constant 0 : i32
        %dma_start3A_151 = tpu.memref_slice %arg9[%add3A_149, %dma_start3A_150] : memref<8x128xi32, #tpu.memory_space<vmem>> -> memref<1x128xi32, #tpu.memory_space<vmem>>
        %dma_start3A_152 = tpu.memref_squeeze %dma_start3A_151 : memref<1x128xi32, #tpu.memory_space<vmem>> -> memref<128xi32, #tpu.memory_space<vmem>>
        %dma_start3A_153 = arith.constant 0 : i32
        %dma_start3A_154 = arith.constant 0 : i32
        %dma_start3A_155 = tpu.memref_slice %arg2[%dma_start3A_153, %dma_start3A_154] : memref<10240x128xf32, #tpu.memory_space<hbm>> -> memref<10240x128xf32, #tpu.memory_space<hbm>>
        tpu.enqueue_indirect_dma source(%dma_start3A_155 : memref<10240x128xf32, #tpu.memory_space<hbm>>) target(%arg11 : memref<128x128xf32, #tpu.memory_space<vmem>>) offsets(%dma_start3A_152 : memref<128xi32, #tpu.memory_space<vmem>>) semaphore(%arg14 : memref<!tpu.dma_semaphore, #tpu.memory_space<semaphore_mem>>)
        %add3A_156 = arith.constant 1 : i32
        %add3A_157 = arith.addi %mul3A_133, %add3A_156 : i32
        %dma_wait3A_158 = arith.constant 0 : i32
        %dma_wait3A_159 = tpu.memref_slice %arg9[%add3A_157, %dma_wait3A_158] : memref<8x128xi32, #tpu.memory_space<vmem>> -> memref<1x128xi32, #tpu.memory_space<vmem>>
        %dma_wait3A_160 = tpu.memref_squeeze %dma_wait3A_159 : memref<1x128xi32, #tpu.memory_space<vmem>> -> memref<128xi32, #tpu.memory_space<vmem>>
        %dma_wait3A_161 = arith.constant 0 : i32
        %dma_wait3A_162 = arith.constant 0 : i32
        %dma_wait3A_163 = tpu.memref_slice %arg2[%dma_wait3A_161, %dma_wait3A_162] : memref<10240x128xf32, #tpu.memory_space<hbm>> -> memref<10240x128xf32, #tpu.memory_space<hbm>>
        tpu.wait_indirect_dma semaphore(%arg15 : memref<!tpu.dma_semaphore, #tpu.memory_space<semaphore_mem>>) src(%dma_wait3A_163 : memref<10240x128xf32, #tpu.memory_space<hbm>>) dst(%arg12 : memref<128x128xf32, #tpu.memory_space<vmem>>)
        %add3A_164 = arith.constant 1 : i32
        %add3A_165 = arith.addi %mul3A_133, %add3A_164 : i32
        "tpu.region"() ({
          %run_scoped3A_166 = tpu.sem_alloc : memref<!tpu.dma_semaphore, #tpu.memory_space<semaphore_mem>>
          %dma_start3A_167 = arith.constant 0 : i32
          %dma_start3A_168 = tpu.memref_slice %arg10[%add3A_165, %dma_start3A_167] : memref<8x128xi32, #tpu.memory_space<vmem>> -> memref<1x128xi32, #tpu.memory_space<vmem>>
          %dma_start3A_169 = tpu.memref_squeeze %dma_start3A_168 : memref<1x128xi32, #tpu.memory_space<vmem>> -> memref<128xi32, #tpu.memory_space<vmem>>
          %dma_start3A_170 = arith.constant 0 : i32
          %dma_start3A_171 = arith.constant 0 : i32
          %dma_start3A_172 = tpu.memref_slice %arg13[%dma_start3A_170, %dma_start3A_171] : memref<10240x128xf32, #tpu.memory_space<vmem_shared>> -> memref<10240x128xf32, #tpu.memory_space<vmem_shared>>
          tpu.enqueue_indirect_dma source(%arg12 : memref<128x128xf32, #tpu.memory_space<vmem>>) target(%dma_start3A_172 : memref<10240x128xf32, #tpu.memory_space<vmem_shared>>) offsets(%dma_start3A_169 : memref<128xi32, #tpu.memory_space<vmem>>) semaphore(%run_scoped3A_166 : memref<!tpu.dma_semaphore, #tpu.memory_space<semaphore_mem>>) {add = true}
          %dma_wait3A_173 = arith.constant 0 : i32
          %dma_wait3A_174 = tpu.memref_slice %arg10[%add3A_165, %dma_wait3A_173] : memref<8x128xi32, #tpu.memory_space<vmem>> -> memref<1x128xi32, #tpu.memory_space<vmem>>
          %dma_wait3A_175 = tpu.memref_squeeze %dma_wait3A_174 : memref<1x128xi32, #tpu.memory_space<vmem>> -> memref<128xi32, #tpu.memory_space<vmem>>
          %dma_wait3A_176 = arith.constant 0 : i32
          %dma_wait3A_177 = arith.constant 0 : i32
          %dma_wait3A_178 = tpu.memref_slice %arg13[%dma_wait3A_176, %dma_wait3A_177] : memref<10240x128xf32, #tpu.memory_space<vmem_shared>> -> memref<10240x128xf32, #tpu.memory_space<vmem_shared>>
          tpu.wait_indirect_dma semaphore(%run_scoped3A_166 : memref<!tpu.dma_semaphore, #tpu.memory_space<semaphore_mem>>) src(%arg12 : memref<128x128xf32, #tpu.memory_space<vmem>>) dst(%dma_wait3A_178 : memref<10240x128xf32, #tpu.memory_space<vmem_shared>>)
          tpu.yield
        }) : () -> ()
      }
      %scan3A_93 = arith.constant 3 : i32
      %dma_start3A_94 = arith.constant 7 : i32
      %dma_start3A_95 = arith.constant 0 : i32
      %dma_start3A_96 = tpu.memref_slice %arg9[%dma_start3A_94, %dma_start3A_95] : memref<8x128xi32, #tpu.memory_space<vmem>> -> memref<1x128xi32, #tpu.memory_space<vmem>>
      %dma_start3A_97 = tpu.memref_squeeze %dma_start3A_96 : memref<1x128xi32, #tpu.memory_space<vmem>> -> memref<128xi32, #tpu.memory_space<vmem>>
      %dma_start3A_98 = arith.constant 0 : i32
      %dma_start3A_99 = arith.constant 0 : i32
      %dma_start3A_100 = tpu.memref_slice %arg2[%dma_start3A_98, %dma_start3A_99] : memref<10240x128xf32, #tpu.memory_space<hbm>> -> memref<10240x128xf32, #tpu.memory_space<hbm>>
      tpu.enqueue_indirect_dma source(%dma_start3A_100 : memref<10240x128xf32, #tpu.memory_space<hbm>>) target(%arg12 : memref<128x128xf32, #tpu.memory_space<vmem>>) offsets(%dma_start3A_97 : memref<128xi32, #tpu.memory_space<vmem>>) semaphore(%arg15 : memref<!tpu.dma_semaphore, #tpu.memory_space<semaphore_mem>>)
      %dma_wait3A_101 = arith.constant 6 : i32
      %dma_wait3A_102 = arith.constant 0 : i32
      %dma_wait3A_103 = tpu.memref_slice %arg9[%dma_wait3A_101, %dma_wait3A_102] : memref<8x128xi32, #tpu.memory_space<vmem>> -> memref<1x128xi32, #tpu.memory_space<vmem>>
      %dma_wait3A_104 = tpu.memref_squeeze %dma_wait3A_103 : memref<1x128xi32, #tpu.memory_space<vmem>> -> memref<128xi32, #tpu.memory_space<vmem>>
      %dma_wait3A_105 = arith.constant 0 : i32
      %dma_wait3A_106 = arith.constant 0 : i32
      %dma_wait3A_107 = tpu.memref_slice %arg2[%dma_wait3A_105, %dma_wait3A_106] : memref<10240x128xf32, #tpu.memory_space<hbm>> -> memref<10240x128xf32, #tpu.memory_space<hbm>>
      tpu.wait_indirect_dma semaphore(%arg14 : memref<!tpu.dma_semaphore, #tpu.memory_space<semaphore_mem>>) src(%dma_wait3A_107 : memref<10240x128xf32, #tpu.memory_space<hbm>>) dst(%arg11 : memref<128x128xf32, #tpu.memory_space<vmem>>)
      %run_scoped3A_108 = arith.constant 6 : i32
      "tpu.region"() ({
        %run_scoped3A_131 = tpu.sem_alloc : memref<!tpu.dma_semaphore, #tpu.memory_space<semaphore_mem>>
        %dma_start3A_132 = arith.constant 0 : i32
        %dma_start3A_133 = tpu.memref_slice %arg10[%run_scoped3A_108, %dma_start3A_132] : memref<8x128xi32, #tpu.memory_space<vmem>> -> memref<1x128xi32, #tpu.memory_space<vmem>>
        %dma_start3A_134 = tpu.memref_squeeze %dma_start3A_133 : memref<1x128xi32, #tpu.memory_space<vmem>> -> memref<128xi32, #tpu.memory_space<vmem>>
        %dma_start3A_135 = arith.constant 0 : i32
        %dma_start3A_136 = arith.constant 0 : i32
        %dma_start3A_137 = tpu.memref_slice %arg13[%dma_start3A_135, %dma_start3A_136] : memref<10240x128xf32, #tpu.memory_space<vmem_shared>> -> memref<10240x128xf32, #tpu.memory_space<vmem_shared>>
        tpu.enqueue_indirect_dma source(%arg11 : memref<128x128xf32, #tpu.memory_space<vmem>>) target(%dma_start3A_137 : memref<10240x128xf32, #tpu.memory_space<vmem_shared>>) offsets(%dma_start3A_134 : memref<128xi32, #tpu.memory_space<vmem>>) semaphore(%run_scoped3A_131 : memref<!tpu.dma_semaphore, #tpu.memory_space<semaphore_mem>>) {add = true}
        %dma_wait3A_138 = arith.constant 0 : i32
        %dma_wait3A_139 = tpu.memref_slice %arg10[%run_scoped3A_108, %dma_wait3A_138] : memref<8x128xi32, #tpu.memory_space<vmem>> -> memref<1x128xi32, #tpu.memory_space<vmem>>
        %dma_wait3A_140 = tpu.memref_squeeze %dma_wait3A_139 : memref<1x128xi32, #tpu.memory_space<vmem>> -> memref<128xi32, #tpu.memory_space<vmem>>
        %dma_wait3A_141 = arith.constant 0 : i32
        %dma_wait3A_142 = arith.constant 0 : i32
        %dma_wait3A_143 = tpu.memref_slice %arg13[%dma_wait3A_141, %dma_wait3A_142] : memref<10240x128xf32, #tpu.memory_space<vmem_shared>> -> memref<10240x128xf32, #tpu.memory_space<vmem_shared>>
        tpu.wait_indirect_dma semaphore(%run_scoped3A_131 : memref<!tpu.dma_semaphore, #tpu.memory_space<semaphore_mem>>) src(%arg11 : memref<128x128xf32, #tpu.memory_space<vmem>>) dst(%dma_wait3A_143 : memref<10240x128xf32, #tpu.memory_space<vmem_shared>>)
        tpu.yield
      }) : () -> ()
      %add3A_109 = arith.constant 1 : i32
      %add3A_110 = arith.addi %add3A_87, %add3A_109 : i32
      %lt3A_111 = arith.constant 10 : i32
      %lt3A_112 = arith.cmpi slt, %add3A_110, %lt3A_111 : i32
      %convert_element_type3A_113 = arith.extui %lt3A_112 : i1 to i32
      %cond3A_114 = arith.constant 0 : i32
      %cond3A_115 = arith.cmpi ne, %convert_element_type3A_113, %cond3A_114 : i32
      scf.if %cond3A_115 {
        %dma_wait3A_131 = arith.constant 0 : i32
        %dma_wait3A_132 = arith.constant 0 : i32
        %dma_wait3A_133 = tpu.memref_slice %arg3[%mul3A_2, %dma_wait3A_131, %dma_wait3A_132] : memref<320x8x128xi32, #tpu.memory_space<hbm>> -> memref<1x8x128xi32, #tpu.memory_space<hbm>>
        %dma_wait3A_134 = tpu.memref_squeeze %dma_wait3A_133 : memref<1x8x128xi32, #tpu.memory_space<hbm>> -> memref<8x128xi32, #tpu.memory_space<hbm>>
        %dma_wait3A_135 = arith.constant 0 : i32
        %dma_wait3A_136 = arith.constant 0 : i32
        %dma_wait3A_137 = tpu.memref_slice %arg3[%mul3A_2, %dma_wait3A_135, %dma_wait3A_136] : memref<320x8x128xi32, #tpu.memory_space<hbm>> -> memref<1x8x128xi32, #tpu.memory_space<hbm>>
        %dma_wait3A_138 = tpu.memref_squeeze %dma_wait3A_137 : memref<1x8x128xi32, #tpu.memory_space<hbm>> -> memref<8x128xi32, #tpu.memory_space<hbm>>
        tpu.wait_dma2 semaphore(%arg16 : memref<!tpu.dma_semaphore, #tpu.memory_space<semaphore_mem>>) src(%dma_wait3A_138 : memref<8x128xi32, #tpu.memory_space<hbm>>) dst(%arg7 : memref<8x128xi32, #tpu.memory_space<vmem>>)
        %dma_wait3A_139 = arith.constant 0 : i32
        %dma_wait3A_140 = arith.constant 0 : i32
        %dma_wait3A_141 = tpu.memref_slice %arg4[%mul3A_2, %dma_wait3A_139, %dma_wait3A_140] : memref<320x8x128xi32, #tpu.memory_space<hbm>> -> memref<1x8x128xi32, #tpu.memory_space<hbm>>
        %dma_wait3A_142 = tpu.memref_squeeze %dma_wait3A_141 : memref<1x8x128xi32, #tpu.memory_space<hbm>> -> memref<8x128xi32, #tpu.memory_space<hbm>>
        %dma_wait3A_143 = arith.constant 0 : i32
        %dma_wait3A_144 = arith.constant 0 : i32
        %dma_wait3A_145 = tpu.memref_slice %arg4[%mul3A_2, %dma_wait3A_143, %dma_wait3A_144] : memref<320x8x128xi32, #tpu.memory_space<hbm>> -> memref<1x8x128xi32, #tpu.memory_space<hbm>>
        %dma_wait3A_146 = tpu.memref_squeeze %dma_wait3A_145 : memref<1x8x128xi32, #tpu.memory_space<hbm>> -> memref<8x128xi32, #tpu.memory_space<hbm>>
        tpu.wait_dma2 semaphore(%arg16 : memref<!tpu.dma_semaphore, #tpu.memory_space<semaphore_mem>>) src(%dma_wait3A_146 : memref<8x128xi32, #tpu.memory_space<hbm>>) dst(%arg8 : memref<8x128xi32, #tpu.memory_space<vmem>>)
        %dma_start3A_147 = arith.constant 0 : i32
        %dma_start3A_148 = arith.constant 0 : i32
        %dma_start3A_149 = tpu.memref_slice %arg7[%dma_start3A_147, %dma_start3A_148] : memref<8x128xi32, #tpu.memory_space<vmem>> -> memref<1x128xi32, #tpu.memory_space<vmem>>
        %dma_start3A_150 = tpu.memref_squeeze %dma_start3A_149 : memref<1x128xi32, #tpu.memory_space<vmem>> -> memref<128xi32, #tpu.memory_space<vmem>>
        %dma_start3A_151 = arith.constant 0 : i32
        %dma_start3A_152 = arith.constant 0 : i32
        %dma_start3A_153 = tpu.memref_slice %arg2[%dma_start3A_151, %dma_start3A_152] : memref<10240x128xf32, #tpu.memory_space<hbm>> -> memref<10240x128xf32, #tpu.memory_space<hbm>>
        tpu.enqueue_indirect_dma source(%dma_start3A_153 : memref<10240x128xf32, #tpu.memory_space<hbm>>) target(%arg11 : memref<128x128xf32, #tpu.memory_space<vmem>>) offsets(%dma_start3A_150 : memref<128xi32, #tpu.memory_space<vmem>>) semaphore(%arg14 : memref<!tpu.dma_semaphore, #tpu.memory_space<semaphore_mem>>)
      } else {
      }
      %dma_wait3A_116 = arith.constant 7 : i32
      %dma_wait3A_117 = arith.constant 0 : i32
      %dma_wait3A_118 = tpu.memref_slice %arg9[%dma_wait3A_116, %dma_wait3A_117] : memref<8x128xi32, #tpu.memory_space<vmem>> -> memref<1x128xi32, #tpu.memory_space<vmem>>
      %dma_wait3A_119 = tpu.memref_squeeze %dma_wait3A_118 : memref<1x128xi32, #tpu.memory_space<vmem>> -> memref<128xi32, #tpu.memory_space<vmem>>
      %dma_wait3A_120 = arith.constant 0 : i32
      %dma_wait3A_121 = arith.constant 0 : i32
      %dma_wait3A_122 = tpu.memref_slice %arg2[%dma_wait3A_120, %dma_wait3A_121] : memref<10240x128xf32, #tpu.memory_space<hbm>> -> memref<10240x128xf32, #tpu.memory_space<hbm>>
      tpu.wait_indirect_dma semaphore(%arg15 : memref<!tpu.dma_semaphore, #tpu.memory_space<semaphore_mem>>) src(%dma_wait3A_122 : memref<10240x128xf32, #tpu.memory_space<hbm>>) dst(%arg12 : memref<128x128xf32, #tpu.memory_space<vmem>>)
      %run_scoped3A_123 = arith.constant 7 : i32
      "tpu.region"() ({
        %run_scoped3A_131 = tpu.sem_alloc : memref<!tpu.dma_semaphore, #tpu.memory_space<semaphore_mem>>
        %dma_start3A_132 = arith.constant 0 : i32
        %dma_start3A_133 = tpu.memref_slice %arg10[%run_scoped3A_123, %dma_start3A_132] : memref<8x128xi32, #tpu.memory_space<vmem>> -> memref<1x128xi32, #tpu.memory_space<vmem>>
        %dma_start3A_134 = tpu.memref_squeeze %dma_start3A_133 : memref<1x128xi32, #tpu.memory_space<vmem>> -> memref<128xi32, #tpu.memory_space<vmem>>
        %dma_start3A_135 = arith.constant 0 : i32
        %dma_start3A_136 = arith.constant 0 : i32
        %dma_start3A_137 = tpu.memref_slice %arg13[%dma_start3A_135, %dma_start3A_136] : memref<10240x128xf32, #tpu.memory_space<vmem_shared>> -> memref<10240x128xf32, #tpu.memory_space<vmem_shared>>
        tpu.enqueue_indirect_dma source(%arg12 : memref<128x128xf32, #tpu.memory_space<vmem>>) target(%dma_start3A_137 : memref<10240x128xf32, #tpu.memory_space<vmem_shared>>) offsets(%dma_start3A_134 : memref<128xi32, #tpu.memory_space<vmem>>) semaphore(%run_scoped3A_131 : memref<!tpu.dma_semaphore, #tpu.memory_space<semaphore_mem>>) {add = true}
        %dma_wait3A_138 = arith.constant 0 : i32
        %dma_wait3A_139 = tpu.memref_slice %arg10[%run_scoped3A_123, %dma_wait3A_138] : memref<8x128xi32, #tpu.memory_space<vmem>> -> memref<1x128xi32, #tpu.memory_space<vmem>>
        %dma_wait3A_140 = tpu.memref_squeeze %dma_wait3A_139 : memref<1x128xi32, #tpu.memory_space<vmem>> -> memref<128xi32, #tpu.memory_space<vmem>>
        %dma_wait3A_141 = arith.constant 0 : i32
        %dma_wait3A_142 = arith.constant 0 : i32
        %dma_wait3A_143 = tpu.memref_slice %arg13[%dma_wait3A_141, %dma_wait3A_142] : memref<10240x128xf32, #tpu.memory_space<vmem_shared>> -> memref<10240x128xf32, #tpu.memory_space<vmem_shared>>
        tpu.wait_indirect_dma semaphore(%run_scoped3A_131 : memref<!tpu.dma_semaphore, #tpu.memory_space<semaphore_mem>>) src(%arg12 : memref<128x128xf32, #tpu.memory_space<vmem>>) dst(%dma_wait3A_143 : memref<10240x128xf32, #tpu.memory_space<vmem_shared>>)
        tpu.yield
      }) : () -> ()
      %add3A_124 = arith.constant 2 : i32
      %add3A_125 = arith.addi %add3A_87, %add3A_124 : i32
      %lt3A_126 = arith.constant 10 : i32
      %lt3A_127 = arith.cmpi slt, %add3A_125, %lt3A_126 : i32
      %convert_element_type3A_128 = arith.extui %lt3A_127 : i1 to i32
      %cond3A_129 = arith.constant 0 : i32
      %cond3A_130 = arith.cmpi ne, %convert_element_type3A_128, %cond3A_129 : i32
      scf.if %cond3A_130 {
        %add3A_131 = arith.addi %mul3A_2, %add3A_87 : i32
        %add3A_132 = arith.constant 2 : i32
        %add3A_133 = arith.addi %add3A_131, %add3A_132 : i32
        %dma_start3A_134 = arith.constant 0 : i32
        %dma_start3A_135 = arith.constant 0 : i32
        %dma_start3A_136 = tpu.memref_slice %arg3[%add3A_133, %dma_start3A_134, %dma_start3A_135] : memref<320x8x128xi32, #tpu.memory_space<hbm>> -> memref<1x8x128xi32, #tpu.memory_space<hbm>>
        %dma_start3A_137 = tpu.memref_squeeze %dma_start3A_136 : memref<1x8x128xi32, #tpu.memory_space<hbm>> -> memref<8x128xi32, #tpu.memory_space<hbm>>
        %dma_start3A_138 = arith.constant 0 : i32
        %dma_start3A_139 = arith.constant 0 : i32
        %dma_start3A_140 = tpu.memref_slice %arg3[%add3A_133, %dma_start3A_138, %dma_start3A_139] : memref<320x8x128xi32, #tpu.memory_space<hbm>> -> memref<1x8x128xi32, #tpu.memory_space<hbm>>
        %dma_start3A_141 = tpu.memref_squeeze %dma_start3A_140 : memref<1x8x128xi32, #tpu.memory_space<hbm>> -> memref<8x128xi32, #tpu.memory_space<hbm>>
        tpu.enqueue_dma source(%dma_start3A_141 : memref<8x128xi32, #tpu.memory_space<hbm>>) target(%arg9 : memref<8x128xi32, #tpu.memory_space<vmem>>) target_semaphore(%arg16 : memref<!tpu.dma_semaphore, #tpu.memory_space<semaphore_mem>>)
        %add3A_142 = arith.addi %mul3A_2, %add3A_87 : i32
        %add3A_143 = arith.constant 2 : i32
        %add3A_144 = arith.addi %add3A_142, %add3A_143 : i32
        %dma_start3A_145 = arith.constant 0 : i32
        %dma_start3A_146 = arith.constant 0 : i32
        %dma_start3A_147 = tpu.memref_slice %arg4[%add3A_144, %dma_start3A_145, %dma_start3A_146] : memref<320x8x128xi32, #tpu.memory_space<hbm>> -> memref<1x8x128xi32, #tpu.memory_space<hbm>>
        %dma_start3A_148 = tpu.memref_squeeze %dma_start3A_147 : memref<1x8x128xi32, #tpu.memory_space<hbm>> -> memref<8x128xi32, #tpu.memory_space<hbm>>
        %dma_start3A_149 = arith.constant 0 : i32
        %dma_start3A_150 = arith.constant 0 : i32
        %dma_start3A_151 = tpu.memref_slice %arg4[%add3A_144, %dma_start3A_149, %dma_start3A_150] : memref<320x8x128xi32, #tpu.memory_space<hbm>> -> memref<1x8x128xi32, #tpu.memory_space<hbm>>
        %dma_start3A_152 = tpu.memref_squeeze %dma_start3A_151 : memref<1x8x128xi32, #tpu.memory_space<hbm>> -> memref<8x128xi32, #tpu.memory_space<hbm>>
        tpu.enqueue_dma source(%dma_start3A_152 : memref<8x128xi32, #tpu.memory_space<hbm>>) target(%arg10 : memref<8x128xi32, #tpu.memory_space<vmem>>) target_semaphore(%arg16 : memref<!tpu.dma_semaphore, #tpu.memory_space<semaphore_mem>>)
      } else {
      }
    }
    %scan3A_37 = arith.constant 5 : i32
    %barrier3A_38 = arith.constant 0 : index
    tpu.barrier barrier_id(%barrier3A_38)
    %mul3A_39 = arith.constant 640 : i32
    %mul3A_40 = arith.muli %arg1, %mul3A_39 : i32
    %mul3A_41 = arith.constant 640 : i32
    %mul3A_42 = arith.muli %arg1, %mul3A_41 : i32
    "tpu.region"() ({
      %run_scoped3A = tpu.sem_alloc : memref<!tpu.dma_semaphore, #tpu.memory_space<semaphore_mem>>
      %dma_start3A_43 = arith.constant 0 : i32
      %dma_start3A_44 = tpu.memref_slice %arg6[%arg0, %mul3A_42, %dma_start3A_43] : memref<2x10240x128xf32, #tpu.memory_space<hbm>> -> memref<1x640x128xf32, #tpu.memory_space<hbm>>
      %dma_start3A_45 = tpu.memref_squeeze %dma_start3A_44 : memref<1x640x128xf32, #tpu.memory_space<hbm>> -> memref<640x128xf32, #tpu.memory_space<hbm>>
      %dma_start3A_46 = arith.constant 0 : i32
      %dma_start3A_47 = tpu.memref_slice %arg13[%mul3A_40, %dma_start3A_46] : memref<10240x128xf32, #tpu.memory_space<vmem_shared>> -> memref<640x128xf32, #tpu.memory_space<vmem_shared>>
      tpu.enqueue_dma source(%dma_start3A_47 : memref<640x128xf32, #tpu.memory_space<vmem_shared>>) target(%dma_start3A_45 : memref<640x128xf32, #tpu.memory_space<hbm>>) target_semaphore(%run_scoped3A : memref<!tpu.dma_semaphore, #tpu.memory_space<semaphore_mem>>)
      %dma_wait3A = arith.constant 0 : i32
      %dma_wait3A_48 = tpu.memref_slice %arg6[%arg0, %mul3A_42, %dma_wait3A] : memref<2x10240x128xf32, #tpu.memory_space<hbm>> -> memref<1x640x128xf32, #tpu.memory_space<hbm>>
      %dma_wait3A_49 = tpu.memref_squeeze %dma_wait3A_48 : memref<1x640x128xf32, #tpu.memory_space<hbm>> -> memref<640x128xf32, #tpu.memory_space<hbm>>
      %dma_wait3A_50 = arith.constant 0 : i32
      %dma_wait3A_51 = tpu.memref_slice %arg13[%mul3A_40, %dma_wait3A_50] : memref<10240x128xf32, #tpu.memory_space<vmem_shared>> -> memref<640x128xf32, #tpu.memory_space<vmem_shared>>
      tpu.wait_dma2 semaphore(%run_scoped3A : memref<!tpu.dma_semaphore, #tpu.memory_space<semaphore_mem>>) src(%dma_wait3A_51 : memref<640x128xf32, #tpu.memory_space<vmem_shared>>) dst(%dma_wait3A_49 : memref<640x128xf32, #tpu.memory_space<hbm>>)
      tpu.yield
    }) : () -> ()
    return
  }
}

#map = affine_map<(d0, d1) -> (0, 0)>
#map1 = affine_map<(d0, d1) -> (0, 0, 0)>
module attributes {stable_mosaic.version = 14 : i64} {
  func.func @_scatter_body(%arg0: i32, %arg1: i32, %arg2: memref<10240x128xf32, #tpu.memory_space<hbm>>, %arg3: memref<320x8x128xi32, #tpu.memory_space<hbm>>, %arg4: memref<320x8x128xi32, #tpu.memory_space<hbm>>, %arg5: memref<10240x128xf32, #tpu.memory_space<hbm>>, %arg6: memref<2x10240x128xf32, #tpu.memory_space<hbm>>, %arg7: memref<8x128xi32, #tpu.memory_space<vmem>>, %arg8: memref<8x128xi32, #tpu.memory_space<vmem>>, %arg9: memref<8x128xi32, #tpu.memory_space<vmem>>, %arg10: memref<8x128xi32, #tpu.memory_space<vmem>>, %arg11: memref<128x128xf32, #tpu.memory_space<vmem>>, %arg12: memref<128x128xf32, #tpu.memory_space<vmem>>, %arg13: memref<10240x128xf32, #tpu.memory_space<vmem_shared>>, %arg14: memref<!tpu.dma_semaphore, #tpu.memory_space<semaphore_mem>>, %arg15: memref<!tpu.dma_semaphore, #tpu.memory_space<semaphore_mem>>, %arg16: memref<!tpu.dma_semaphore, #tpu.memory_space<semaphore_mem>>) attributes {dimension_semantics = [#tpu.dimension_semantics<core_parallel>, #tpu.dimension_semantics<subcore_parallel>], iteration_bounds = array<i64: 2, 16>, scalar_prefetch = 0 : i64, scratch_operands = 10 : i64, tpu.core_type = #tpu.core_type<sc_vector_subcore>, window_params = [{transform_indices = #map}, {transform_indices = #map1}, {transform_indices = #map1}, {transform_indices = #map}, {transform_indices = #map1}]} {
    %mul3A = arith.constant 2 : i32
    %mul3A_0 = arith.muli %arg1, %mul3A : i32
    %add3A = arith.addi %mul3A_0, %arg0 : i32
    %mul3A_1 = arith.constant 10 : i32
    %mul3A_2 = arith.muli %add3A, %mul3A_1 : i32
    "tpu.region"() ({
      %run_scoped3A = tpu.sem_alloc : memref<!tpu.dma_semaphore, #tpu.memory_space<semaphore_mem>>
      %dma_start3A_43 = arith.constant 0 : i32
      %dma_start3A_44 = arith.constant 0 : i32
      %dma_start3A_45 = tpu.memref_slice %arg3[%mul3A_2, %dma_start3A_43, %dma_start3A_44] : memref<320x8x128xi32, #tpu.memory_space<hbm>> -> memref<1x8x128xi32, #tpu.memory_space<hbm>>
      %dma_start3A_46 = tpu.memref_squeeze %dma_start3A_45 : memref<1x8x128xi32, #tpu.memory_space<hbm>> -> memref<8x128xi32, #tpu.memory_space<hbm>>
      %dma_start3A_47 = arith.constant 0 : i32
      %dma_start3A_48 = arith.constant 0 : i32
      %dma_start3A_49 = tpu.memref_slice %arg3[%mul3A_2, %dma_start3A_47, %dma_start3A_48] : memref<320x8x128xi32, #tpu.memory_space<hbm>> -> memref<1x8x128xi32, #tpu.memory_space<hbm>>
      %dma_start3A_50 = tpu.memref_squeeze %dma_start3A_49 : memref<1x8x128xi32, #tpu.memory_space<hbm>> -> memref<8x128xi32, #tpu.memory_space<hbm>>
      tpu.enqueue_dma source(%dma_start3A_50 : memref<8x128xi32, #tpu.memory_space<hbm>>) target(%arg7 : memref<8x128xi32, #tpu.memory_space<vmem>>) target_semaphore(%run_scoped3A : memref<!tpu.dma_semaphore, #tpu.memory_space<semaphore_mem>>)
      %dma_wait3A = arith.constant 0 : i32
      %dma_wait3A_51 = arith.constant 0 : i32
      %dma_wait3A_52 = tpu.memref_slice %arg3[%mul3A_2, %dma_wait3A, %dma_wait3A_51] : memref<320x8x128xi32, #tpu.memory_space<hbm>> -> memref<1x8x128xi32, #tpu.memory_space<hbm>>
      %dma_wait3A_53 = tpu.memref_squeeze %dma_wait3A_52 : memref<1x8x128xi32, #tpu.memory_space<hbm>> -> memref<8x128xi32, #tpu.memory_space<hbm>>
      %dma_wait3A_54 = arith.constant 0 : i32
      %dma_wait3A_55 = arith.constant 0 : i32
      %dma_wait3A_56 = tpu.memref_slice %arg3[%mul3A_2, %dma_wait3A_54, %dma_wait3A_55] : memref<320x8x128xi32, #tpu.memory_space<hbm>> -> memref<1x8x128xi32, #tpu.memory_space<hbm>>
      %dma_wait3A_57 = tpu.memref_squeeze %dma_wait3A_56 : memref<1x8x128xi32, #tpu.memory_space<hbm>> -> memref<8x128xi32, #tpu.memory_space<hbm>>
      tpu.wait_dma2 semaphore(%run_scoped3A : memref<!tpu.dma_semaphore, #tpu.memory_space<semaphore_mem>>) src(%dma_wait3A_57 : memref<8x128xi32, #tpu.memory_space<hbm>>) dst(%arg7 : memref<8x128xi32, #tpu.memory_space<vmem>>)
      tpu.yield
    }) : () -> ()
    "tpu.region"() ({
      %run_scoped3A = tpu.sem_alloc : memref<!tpu.dma_semaphore, #tpu.memory_space<semaphore_mem>>
      %dma_start3A_43 = arith.constant 0 : i32
      %dma_start3A_44 = arith.constant 0 : i32
      %dma_start3A_45 = tpu.memref_slice %arg4[%mul3A_2, %dma_start3A_43, %dma_start3A_44] : memref<320x8x128xi32, #tpu.memory_space<hbm>> -> memref<1x8x128xi32, #tpu.memory_space<hbm>>
      %dma_start3A_46 = tpu.memref_squeeze %dma_start3A_45 : memref<1x8x128xi32, #tpu.memory_space<hbm>> -> memref<8x128xi32, #tpu.memory_space<hbm>>
      %dma_start3A_47 = arith.constant 0 : i32
      %dma_start3A_48 = arith.constant 0 : i32
      %dma_start3A_49 = tpu.memref_slice %arg4[%mul3A_2, %dma_start3A_47, %dma_start3A_48] : memref<320x8x128xi32, #tpu.memory_space<hbm>> -> memref<1x8x128xi32, #tpu.memory_space<hbm>>
      %dma_start3A_50 = tpu.memref_squeeze %dma_start3A_49 : memref<1x8x128xi32, #tpu.memory_space<hbm>> -> memref<8x128xi32, #tpu.memory_space<hbm>>
      tpu.enqueue_dma source(%dma_start3A_50 : memref<8x128xi32, #tpu.memory_space<hbm>>) target(%arg8 : memref<8x128xi32, #tpu.memory_space<vmem>>) target_semaphore(%run_scoped3A : memref<!tpu.dma_semaphore, #tpu.memory_space<semaphore_mem>>)
      %dma_wait3A = arith.constant 0 : i32
      %dma_wait3A_51 = arith.constant 0 : i32
      %dma_wait3A_52 = tpu.memref_slice %arg4[%mul3A_2, %dma_wait3A, %dma_wait3A_51] : memref<320x8x128xi32, #tpu.memory_space<hbm>> -> memref<1x8x128xi32, #tpu.memory_space<hbm>>
      %dma_wait3A_53 = tpu.memref_squeeze %dma_wait3A_52 : memref<1x8x128xi32, #tpu.memory_space<hbm>> -> memref<8x128xi32, #tpu.memory_space<hbm>>
      %dma_wait3A_54 = arith.constant 0 : i32
      %dma_wait3A_55 = arith.constant 0 : i32
      %dma_wait3A_56 = tpu.memref_slice %arg4[%mul3A_2, %dma_wait3A_54, %dma_wait3A_55] : memref<320x8x128xi32, #tpu.memory_space<hbm>> -> memref<1x8x128xi32, #tpu.memory_space<hbm>>
      %dma_wait3A_57 = tpu.memref_squeeze %dma_wait3A_56 : memref<1x8x128xi32, #tpu.memory_space<hbm>> -> memref<8x128xi32, #tpu.memory_space<hbm>>
      tpu.wait_dma2 semaphore(%run_scoped3A : memref<!tpu.dma_semaphore, #tpu.memory_space<semaphore_mem>>) src(%dma_wait3A_57 : memref<8x128xi32, #tpu.memory_space<hbm>>) dst(%arg8 : memref<8x128xi32, #tpu.memory_space<vmem>>)
      tpu.yield
    }) : () -> ()
    %add3A_3 = arith.constant 1 : i32
    %add3A_4 = arith.addi %mul3A_2, %add3A_3 : i32
    %dma_start3A = arith.constant 0 : i32
    %dma_start3A_5 = arith.constant 0 : i32
    %dma_start3A_6 = tpu.memref_slice %arg3[%add3A_4, %dma_start3A, %dma_start3A_5] : memref<320x8x128xi32, #tpu.memory_space<hbm>> -> memref<1x8x128xi32, #tpu.memory_space<hbm>>
    %dma_start3A_7 = tpu.memref_squeeze %dma_start3A_6 : memref<1x8x128xi32, #tpu.memory_space<hbm>> -> memref<8x128xi32, #tpu.memory_space<hbm>>
    %dma_start3A_8 = arith.constant 0 : i32
    %dma_start3A_9 = arith.constant 0 : i32
    %dma_start3A_10 = tpu.memref_slice %arg3[%add3A_4, %dma_start3A_8, %dma_start3A_9] : memref<320x8x128xi32, #tpu.memory_space<hbm>> -> memref<1x8x128xi32, #tpu.memory_space<hbm>>
    %dma_start3A_11 = tpu.memref_squeeze %dma_start3A_10 : memref<1x8x128xi32, #tpu.memory_space<hbm>> -> memref<8x128xi32, #tpu.memory_space<hbm>>
    tpu.enqueue_dma source(%dma_start3A_11 : memref<8x128xi32, #tpu.memory_space<hbm>>) target(%arg9 : memref<8x128xi32, #tpu.memory_space<vmem>>) target_semaphore(%arg16 : memref<!tpu.dma_semaphore, #tpu.memory_space<semaphore_mem>>)
    %add3A_12 = arith.constant 1 : i32
    %add3A_13 = arith.addi %mul3A_2, %add3A_12 : i32
    %dma_start3A_14 = arith.constant 0 : i32
    %dma_start3A_15 = arith.constant 0 : i32
    %dma_start3A_16 = tpu.memref_slice %arg4[%add3A_13, %dma_start3A_14, %dma_start3A_15] : memref<320x8x128xi32, #tpu.memory_space<hbm>> -> memref<1x8x128xi32, #tpu.memory_space<hbm>>
    %dma_start3A_17 = tpu.memref_squeeze %dma_start3A_16 : memref<1x8x128xi32, #tpu.memory_space<hbm>> -> memref<8x128xi32, #tpu.memory_space<hbm>>
    %dma_start3A_18 = arith.constant 0 : i32
    %dma_start3A_19 = arith.constant 0 : i32
    %dma_start3A_20 = tpu.memref_slice %arg4[%add3A_13, %dma_start3A_18, %dma_start3A_19] : memref<320x8x128xi32, #tpu.memory_space<hbm>> -> memref<1x8x128xi32, #tpu.memory_space<hbm>>
    %dma_start3A_21 = tpu.memref_squeeze %dma_start3A_20 : memref<1x8x128xi32, #tpu.memory_space<hbm>> -> memref<8x128xi32, #tpu.memory_space<hbm>>
    tpu.enqueue_dma source(%dma_start3A_21 : memref<8x128xi32, #tpu.memory_space<hbm>>) target(%arg10 : memref<8x128xi32, #tpu.memory_space<vmem>>) target_semaphore(%arg16 : memref<!tpu.dma_semaphore, #tpu.memory_space<semaphore_mem>>)
    %mul3A_22 = arith.constant 640 : i32
    %mul3A_23 = arith.muli %arg1, %mul3A_22 : i32
    %mul3A_24 = arith.constant 640 : i32
    %mul3A_25 = arith.muli %arg1, %mul3A_24 : i32
    "tpu.region"() ({
      %run_scoped3A = tpu.sem_alloc : memref<!tpu.dma_semaphore, #tpu.memory_space<semaphore_mem>>
      %dma_start3A_43 = arith.constant 0 : i32
      %dma_start3A_44 = tpu.memref_slice %arg13[%mul3A_25, %dma_start3A_43] : memref<10240x128xf32, #tpu.memory_space<vmem_shared>> -> memref<640x128xf32, #tpu.memory_space<vmem_shared>>
      %dma_start3A_45 = arith.constant 0 : i32
      %dma_start3A_46 = tpu.memref_slice %arg5[%mul3A_23, %dma_start3A_45] : memref<10240x128xf32, #tpu.memory_space<hbm>> -> memref<640x128xf32, #tpu.memory_space<hbm>>
      tpu.enqueue_dma source(%dma_start3A_46 : memref<640x128xf32, #tpu.memory_space<hbm>>) target(%dma_start3A_44 : memref<640x128xf32, #tpu.memory_space<vmem_shared>>) target_semaphore(%run_scoped3A : memref<!tpu.dma_semaphore, #tpu.memory_space<semaphore_mem>>)
      %dma_wait3A = arith.constant 0 : i32
      %dma_wait3A_47 = tpu.memref_slice %arg13[%mul3A_25, %dma_wait3A] : memref<10240x128xf32, #tpu.memory_space<vmem_shared>> -> memref<640x128xf32, #tpu.memory_space<vmem_shared>>
      %dma_wait3A_48 = arith.constant 0 : i32
      %dma_wait3A_49 = tpu.memref_slice %arg5[%mul3A_23, %dma_wait3A_48] : memref<10240x128xf32, #tpu.memory_space<hbm>> -> memref<640x128xf32, #tpu.memory_space<hbm>>
      tpu.wait_dma2 semaphore(%run_scoped3A : memref<!tpu.dma_semaphore, #tpu.memory_space<semaphore_mem>>) src(%dma_wait3A_49 : memref<640x128xf32, #tpu.memory_space<hbm>>) dst(%dma_wait3A_47 : memref<640x128xf32, #tpu.memory_space<vmem_shared>>)
      tpu.yield
    }) : () -> ()
    %barrier3A = arith.constant 0 : index
    tpu.barrier barrier_id(%barrier3A)
    %dma_start3A_26 = arith.constant 0 : i32
    %dma_start3A_27 = arith.constant 0 : i32
    %dma_start3A_28 = tpu.memref_slice %arg7[%dma_start3A_26, %dma_start3A_27] : memref<8x128xi32, #tpu.memory_space<vmem>> -> memref<1x128xi32, #tpu.memory_space<vmem>>
    %dma_start3A_29 = tpu.memref_squeeze %dma_start3A_28 : memref<1x128xi32, #tpu.memory_space<vmem>> -> memref<128xi32, #tpu.memory_space<vmem>>
    %dma_start3A_30 = arith.constant 0 : i32
    %dma_start3A_31 = arith.constant 0 : i32
    %dma_start3A_32 = tpu.memref_slice %arg2[%dma_start3A_30, %dma_start3A_31] : memref<10240x128xf32, #tpu.memory_space<hbm>> -> memref<10240x128xf32, #tpu.memory_space<hbm>>
    tpu.enqueue_indirect_dma source(%dma_start3A_32 : memref<10240x128xf32, #tpu.memory_space<hbm>>) target(%arg11 : memref<128x128xf32, #tpu.memory_space<vmem>>) offsets(%dma_start3A_29 : memref<128xi32, #tpu.memory_space<vmem>>) semaphore(%arg14 : memref<!tpu.dma_semaphore, #tpu.memory_space<semaphore_mem>>)
    %scan3A = arith.constant 0 : i32
    %scan3A_33 = arith.constant 0 : i32
    %scan3A_34 = arith.constant 5 : i32
    %scan3A_35 = arith.addi %scan3A_33, %scan3A_34 : i32
    %scan3A_36 = arith.constant 1 : i32
    scf.for %scan3A_43 = %scan3A_33 to %scan3A_35 step %scan3A_36  : i32 {
      %mul3A_44 = arith.constant 2 : i32
      %mul3A_45 = arith.muli %mul3A_44, %scan3A_43 : i32
      %scan3A_46 = arith.constant 0 : i32
      %scan3A_47 = arith.constant 0 : i32
      %scan3A_48 = arith.constant 3 : i32
      %scan3A_49 = arith.addi %scan3A_47, %scan3A_48 : i32
      %scan3A_50 = arith.constant 1 : i32
      scf.for %scan3A_131 = %scan3A_47 to %scan3A_49 step %scan3A_50  : i32 {
        %mul3A_132 = arith.constant 2 : i32
        %mul3A_133 = arith.muli %mul3A_132, %scan3A_131 : i32
        %add3A_134 = arith.constant 1 : i32
        %add3A_135 = arith.addi %mul3A_133, %add3A_134 : i32
        %dma_start3A_136 = arith.constant 0 : i32
        %dma_start3A_137 = tpu.memref_slice %arg7[%add3A_135, %dma_start3A_136] : memref<8x128xi32, #tpu.memory_space<vmem>> -> memref<1x128xi32, #tpu.memory_space<vmem>>
        %dma_start3A_138 = tpu.memref_squeeze %dma_start3A_137 : memref<1x128xi32, #tpu.memory_space<vmem>> -> memref<128xi32, #tpu.memory_space<vmem>>
        %dma_start3A_139 = arith.constant 0 : i32
        %dma_start3A_140 = arith.constant 0 : i32
        %dma_start3A_141 = tpu.memref_slice %arg2[%dma_start3A_139, %dma_start3A_140] : memref<10240x128xf32, #tpu.memory_space<hbm>> -> memref<10240x128xf32, #tpu.memory_space<hbm>>
        tpu.enqueue_indirect_dma source(%dma_start3A_141 : memref<10240x128xf32, #tpu.memory_space<hbm>>) target(%arg12 : memref<128x128xf32, #tpu.memory_space<vmem>>) offsets(%dma_start3A_138 : memref<128xi32, #tpu.memory_space<vmem>>) semaphore(%arg15 : memref<!tpu.dma_semaphore, #tpu.memory_space<semaphore_mem>>)
        %dma_wait3A_142 = arith.constant 0 : i32
        %dma_wait3A_143 = tpu.memref_slice %arg7[%mul3A_133, %dma_wait3A_142] : memref<8x128xi32, #tpu.memory_space<vmem>> -> memref<1x128xi32, #tpu.memory_space<vmem>>
        %dma_wait3A_144 = tpu.memref_squeeze %dma_wait3A_143 : memref<1x128xi32, #tpu.memory_space<vmem>> -> memref<128xi32, #tpu.memory_space<vmem>>
        %dma_wait3A_145 = arith.constant 0 : i32
        %dma_wait3A_146 = arith.constant 0 : i32
        %dma_wait3A_147 = tpu.memref_slice %arg2[%dma_wait3A_145, %dma_wait3A_146] : memref<10240x128xf32, #tpu.memory_space<hbm>> -> memref<10240x128xf32, #tpu.memory_space<hbm>>
        tpu.wait_indirect_dma semaphore(%arg14 : memref<!tpu.dma_semaphore, #tpu.memory_space<semaphore_mem>>) src(%dma_wait3A_147 : memref<10240x128xf32, #tpu.memory_space<hbm>>) dst(%arg11 : memref<128x128xf32, #tpu.memory_space<vmem>>)
        "tpu.region"() ({
          %run_scoped3A_166 = tpu.sem_alloc : memref<!tpu.dma_semaphore, #tpu.memory_space<semaphore_mem>>
          %dma_start3A_167 = arith.constant 0 : i32
          %dma_start3A_168 = tpu.memref_slice %arg8[%mul3A_133, %dma_start3A_167] : memref<8x128xi32, #tpu.memory_space<vmem>> -> memref<1x128xi32, #tpu.memory_space<vmem>>
          %dma_start3A_169 = tpu.memref_squeeze %dma_start3A_168 : memref<1x128xi32, #tpu.memory_space<vmem>> -> memref<128xi32, #tpu.memory_space<vmem>>
          %dma_start3A_170 = arith.constant 0 : i32
          %dma_start3A_171 = arith.constant 0 : i32
          %dma_start3A_172 = tpu.memref_slice %arg13[%dma_start3A_170, %dma_start3A_171] : memref<10240x128xf32, #tpu.memory_space<vmem_shared>> -> memref<10240x128xf32, #tpu.memory_space<vmem_shared>>
          tpu.enqueue_indirect_dma source(%arg11 : memref<128x128xf32, #tpu.memory_space<vmem>>) target(%dma_start3A_172 : memref<10240x128xf32, #tpu.memory_space<vmem_shared>>) offsets(%dma_start3A_169 : memref<128xi32, #tpu.memory_space<vmem>>) semaphore(%run_scoped3A_166 : memref<!tpu.dma_semaphore, #tpu.memory_space<semaphore_mem>>) {add = true}
          %dma_wait3A_173 = arith.constant 0 : i32
          %dma_wait3A_174 = tpu.memref_slice %arg8[%mul3A_133, %dma_wait3A_173] : memref<8x128xi32, #tpu.memory_space<vmem>> -> memref<1x128xi32, #tpu.memory_space<vmem>>
          %dma_wait3A_175 = tpu.memref_squeeze %dma_wait3A_174 : memref<1x128xi32, #tpu.memory_space<vmem>> -> memref<128xi32, #tpu.memory_space<vmem>>
          %dma_wait3A_176 = arith.constant 0 : i32
          %dma_wait3A_177 = arith.constant 0 : i32
          %dma_wait3A_178 = tpu.memref_slice %arg13[%dma_wait3A_176, %dma_wait3A_177] : memref<10240x128xf32, #tpu.memory_space<vmem_shared>> -> memref<10240x128xf32, #tpu.memory_space<vmem_shared>>
          tpu.wait_indirect_dma semaphore(%run_scoped3A_166 : memref<!tpu.dma_semaphore, #tpu.memory_space<semaphore_mem>>) src(%arg11 : memref<128x128xf32, #tpu.memory_space<vmem>>) dst(%dma_wait3A_178 : memref<10240x128xf32, #tpu.memory_space<vmem_shared>>)
          tpu.yield
        }) : () -> ()
        %add3A_148 = arith.constant 2 : i32
        %add3A_149 = arith.addi %mul3A_133, %add3A_148 : i32
        %dma_start3A_150 = arith.constant 0 : i32
        %dma_start3A_151 = tpu.memref_slice %arg7[%add3A_149, %dma_start3A_150] : memref<8x128xi32, #tpu.memory_space<vmem>> -> memref<1x128xi32, #tpu.memory_space<vmem>>
        %dma_start3A_152 = tpu.memref_squeeze %dma_start3A_151 : memref<1x128xi32, #tpu.memory_space<vmem>> -> memref<128xi32, #tpu.memory_space<vmem>>
        %dma_start3A_153 = arith.constant 0 : i32
        %dma_start3A_154 = arith.constant 0 : i32
        %dma_start3A_155 = tpu.memref_slice %arg2[%dma_start3A_153, %dma_start3A_154] : memref<10240x128xf32, #tpu.memory_space<hbm>> -> memref<10240x128xf32, #tpu.memory_space<hbm>>
        tpu.enqueue_indirect_dma source(%dma_start3A_155 : memref<10240x128xf32, #tpu.memory_space<hbm>>) target(%arg11 : memref<128x128xf32, #tpu.memory_space<vmem>>) offsets(%dma_start3A_152 : memref<128xi32, #tpu.memory_space<vmem>>) semaphore(%arg14 : memref<!tpu.dma_semaphore, #tpu.memory_space<semaphore_mem>>)
        %add3A_156 = arith.constant 1 : i32
        %add3A_157 = arith.addi %mul3A_133, %add3A_156 : i32
        %dma_wait3A_158 = arith.constant 0 : i32
        %dma_wait3A_159 = tpu.memref_slice %arg7[%add3A_157, %dma_wait3A_158] : memref<8x128xi32, #tpu.memory_space<vmem>> -> memref<1x128xi32, #tpu.memory_space<vmem>>
        %dma_wait3A_160 = tpu.memref_squeeze %dma_wait3A_159 : memref<1x128xi32, #tpu.memory_space<vmem>> -> memref<128xi32, #tpu.memory_space<vmem>>
        %dma_wait3A_161 = arith.constant 0 : i32
        %dma_wait3A_162 = arith.constant 0 : i32
        %dma_wait3A_163 = tpu.memref_slice %arg2[%dma_wait3A_161, %dma_wait3A_162] : memref<10240x128xf32, #tpu.memory_space<hbm>> -> memref<10240x128xf32, #tpu.memory_space<hbm>>
        tpu.wait_indirect_dma semaphore(%arg15 : memref<!tpu.dma_semaphore, #tpu.memory_space<semaphore_mem>>) src(%dma_wait3A_163 : memref<10240x128xf32, #tpu.memory_space<hbm>>) dst(%arg12 : memref<128x128xf32, #tpu.memory_space<vmem>>)
        %add3A_164 = arith.constant 1 : i32
        %add3A_165 = arith.addi %mul3A_133, %add3A_164 : i32
        "tpu.region"() ({
          %run_scoped3A_166 = tpu.sem_alloc : memref<!tpu.dma_semaphore, #tpu.memory_space<semaphore_mem>>
          %dma_start3A_167 = arith.constant 0 : i32
          %dma_start3A_168 = tpu.memref_slice %arg8[%add3A_165, %dma_start3A_167] : memref<8x128xi32, #tpu.memory_space<vmem>> -> memref<1x128xi32, #tpu.memory_space<vmem>>
          %dma_start3A_169 = tpu.memref_squeeze %dma_start3A_168 : memref<1x128xi32, #tpu.memory_space<vmem>> -> memref<128xi32, #tpu.memory_space<vmem>>
          %dma_start3A_170 = arith.constant 0 : i32
          %dma_start3A_171 = arith.constant 0 : i32
          %dma_start3A_172 = tpu.memref_slice %arg13[%dma_start3A_170, %dma_start3A_171] : memref<10240x128xf32, #tpu.memory_space<vmem_shared>> -> memref<10240x128xf32, #tpu.memory_space<vmem_shared>>
          tpu.enqueue_indirect_dma source(%arg12 : memref<128x128xf32, #tpu.memory_space<vmem>>) target(%dma_start3A_172 : memref<10240x128xf32, #tpu.memory_space<vmem_shared>>) offsets(%dma_start3A_169 : memref<128xi32, #tpu.memory_space<vmem>>) semaphore(%run_scoped3A_166 : memref<!tpu.dma_semaphore, #tpu.memory_space<semaphore_mem>>) {add = true}
          %dma_wait3A_173 = arith.constant 0 : i32
          %dma_wait3A_174 = tpu.memref_slice %arg8[%add3A_165, %dma_wait3A_173] : memref<8x128xi32, #tpu.memory_space<vmem>> -> memref<1x128xi32, #tpu.memory_space<vmem>>
          %dma_wait3A_175 = tpu.memref_squeeze %dma_wait3A_174 : memref<1x128xi32, #tpu.memory_space<vmem>> -> memref<128xi32, #tpu.memory_space<vmem>>
          %dma_wait3A_176 = arith.constant 0 : i32
          %dma_wait3A_177 = arith.constant 0 : i32
          %dma_wait3A_178 = tpu.memref_slice %arg13[%dma_wait3A_176, %dma_wait3A_177] : memref<10240x128xf32, #tpu.memory_space<vmem_shared>> -> memref<10240x128xf32, #tpu.memory_space<vmem_shared>>
          tpu.wait_indirect_dma semaphore(%run_scoped3A_166 : memref<!tpu.dma_semaphore, #tpu.memory_space<semaphore_mem>>) src(%arg12 : memref<128x128xf32, #tpu.memory_space<vmem>>) dst(%dma_wait3A_178 : memref<10240x128xf32, #tpu.memory_space<vmem_shared>>)
          tpu.yield
        }) : () -> ()
      }
      %scan3A_51 = arith.constant 3 : i32
      %dma_start3A_52 = arith.constant 7 : i32
      %dma_start3A_53 = arith.constant 0 : i32
      %dma_start3A_54 = tpu.memref_slice %arg7[%dma_start3A_52, %dma_start3A_53] : memref<8x128xi32, #tpu.memory_space<vmem>> -> memref<1x128xi32, #tpu.memory_space<vmem>>
      %dma_start3A_55 = tpu.memref_squeeze %dma_start3A_54 : memref<1x128xi32, #tpu.memory_space<vmem>> -> memref<128xi32, #tpu.memory_space<vmem>>
      %dma_start3A_56 = arith.constant 0 : i32
      %dma_start3A_57 = arith.constant 0 : i32
      %dma_start3A_58 = tpu.memref_slice %arg2[%dma_start3A_56, %dma_start3A_57] : memref<10240x128xf32, #tpu.memory_space<hbm>> -> memref<10240x128xf32, #tpu.memory_space<hbm>>
      tpu.enqueue_indirect_dma source(%dma_start3A_58 : memref<10240x128xf32, #tpu.memory_space<hbm>>) target(%arg12 : memref<128x128xf32, #tpu.memory_space<vmem>>) offsets(%dma_start3A_55 : memref<128xi32, #tpu.memory_space<vmem>>) semaphore(%arg15 : memref<!tpu.dma_semaphore, #tpu.memory_space<semaphore_mem>>)
      %dma_wait3A = arith.constant 6 : i32
      %dma_wait3A_59 = arith.constant 0 : i32
      %dma_wait3A_60 = tpu.memref_slice %arg7[%dma_wait3A, %dma_wait3A_59] : memref<8x128xi32, #tpu.memory_space<vmem>> -> memref<1x128xi32, #tpu.memory_space<vmem>>
      %dma_wait3A_61 = tpu.memref_squeeze %dma_wait3A_60 : memref<1x128xi32, #tpu.memory_space<vmem>> -> memref<128xi32, #tpu.memory_space<vmem>>
      %dma_wait3A_62 = arith.constant 0 : i32
      %dma_wait3A_63 = arith.constant 0 : i32
      %dma_wait3A_64 = tpu.memref_slice %arg2[%dma_wait3A_62, %dma_wait3A_63] : memref<10240x128xf32, #tpu.memory_space<hbm>> -> memref<10240x128xf32, #tpu.memory_space<hbm>>
      tpu.wait_indirect_dma semaphore(%arg14 : memref<!tpu.dma_semaphore, #tpu.memory_space<semaphore_mem>>) src(%dma_wait3A_64 : memref<10240x128xf32, #tpu.memory_space<hbm>>) dst(%arg11 : memref<128x128xf32, #tpu.memory_space<vmem>>)
      %run_scoped3A = arith.constant 6 : i32
      "tpu.region"() ({
        %run_scoped3A_131 = tpu.sem_alloc : memref<!tpu.dma_semaphore, #tpu.memory_space<semaphore_mem>>
        %dma_start3A_132 = arith.constant 0 : i32
        %dma_start3A_133 = tpu.memref_slice %arg8[%run_scoped3A, %dma_start3A_132] : memref<8x128xi32, #tpu.memory_space<vmem>> -> memref<1x128xi32, #tpu.memory_space<vmem>>
        %dma_start3A_134 = tpu.memref_squeeze %dma_start3A_133 : memref<1x128xi32, #tpu.memory_space<vmem>> -> memref<128xi32, #tpu.memory_space<vmem>>
        %dma_start3A_135 = arith.constant 0 : i32
        %dma_start3A_136 = arith.constant 0 : i32
        %dma_start3A_137 = tpu.memref_slice %arg13[%dma_start3A_135, %dma_start3A_136] : memref<10240x128xf32, #tpu.memory_space<vmem_shared>> -> memref<10240x128xf32, #tpu.memory_space<vmem_shared>>
        tpu.enqueue_indirect_dma source(%arg11 : memref<128x128xf32, #tpu.memory_space<vmem>>) target(%dma_start3A_137 : memref<10240x128xf32, #tpu.memory_space<vmem_shared>>) offsets(%dma_start3A_134 : memref<128xi32, #tpu.memory_space<vmem>>) semaphore(%run_scoped3A_131 : memref<!tpu.dma_semaphore, #tpu.memory_space<semaphore_mem>>) {add = true}
        %dma_wait3A_138 = arith.constant 0 : i32
        %dma_wait3A_139 = tpu.memref_slice %arg8[%run_scoped3A, %dma_wait3A_138] : memref<8x128xi32, #tpu.memory_space<vmem>> -> memref<1x128xi32, #tpu.memory_space<vmem>>
        %dma_wait3A_140 = tpu.memref_squeeze %dma_wait3A_139 : memref<1x128xi32, #tpu.memory_space<vmem>> -> memref<128xi32, #tpu.memory_space<vmem>>
        %dma_wait3A_141 = arith.constant 0 : i32
        %dma_wait3A_142 = arith.constant 0 : i32
        %dma_wait3A_143 = tpu.memref_slice %arg13[%dma_wait3A_141, %dma_wait3A_142] : memref<10240x128xf32, #tpu.memory_space<vmem_shared>> -> memref<10240x128xf32, #tpu.memory_space<vmem_shared>>
        tpu.wait_indirect_dma semaphore(%run_scoped3A_131 : memref<!tpu.dma_semaphore, #tpu.memory_space<semaphore_mem>>) src(%arg11 : memref<128x128xf32, #tpu.memory_space<vmem>>) dst(%dma_wait3A_143 : memref<10240x128xf32, #tpu.memory_space<vmem_shared>>)
        tpu.yield
      }) : () -> ()
      %add3A_65 = arith.constant 1 : i32
      %add3A_66 = arith.addi %mul3A_45, %add3A_65 : i32
      %lt3A = arith.constant 10 : i32
      %lt3A_67 = arith.cmpi slt, %add3A_66, %lt3A : i32
      %convert_element_type3A = arith.extui %lt3A_67 : i1 to i32
      %cond3A = arith.constant 0 : i32
      %cond3A_68 = arith.cmpi ne, %convert_element_type3A, %cond3A : i32
      scf.if %cond3A_68 {
        %dma_wait3A_131 = arith.constant 0 : i32
        %dma_wait3A_132 = arith.constant 0 : i32
        %dma_wait3A_133 = tpu.memref_slice %arg3[%mul3A_2, %dma_wait3A_131, %dma_wait3A_132] : memref<320x8x128xi32, #tpu.memory_space<hbm>> -> memref<1x8x128xi32, #tpu.memory_space<hbm>>
        %dma_wait3A_134 = tpu.memref_squeeze %dma_wait3A_133 : memref<1x8x128xi32, #tpu.memory_space<hbm>> -> memref<8x128xi32, #tpu.memory_space<hbm>>
        %dma_wait3A_135 = arith.constant 0 : i32
        %dma_wait3A_136 = arith.constant 0 : i32
        %dma_wait3A_137 = tpu.memref_slice %arg3[%mul3A_2, %dma_wait3A_135, %dma_wait3A_136] : memref<320x8x128xi32, #tpu.memory_space<hbm>> -> memref<1x8x128xi32, #tpu.memory_space<hbm>>
        %dma_wait3A_138 = tpu.memref_squeeze %dma_wait3A_137 : memref<1x8x128xi32, #tpu.memory_space<hbm>> -> memref<8x128xi32, #tpu.memory_space<hbm>>
        tpu.wait_dma2 semaphore(%arg16 : memref<!tpu.dma_semaphore, #tpu.memory_space<semaphore_mem>>) src(%dma_wait3A_138 : memref<8x128xi32, #tpu.memory_space<hbm>>) dst(%arg9 : memref<8x128xi32, #tpu.memory_space<vmem>>)
        %dma_wait3A_139 = arith.constant 0 : i32
        %dma_wait3A_140 = arith.constant 0 : i32
        %dma_wait3A_141 = tpu.memref_slice %arg4[%mul3A_2, %dma_wait3A_139, %dma_wait3A_140] : memref<320x8x128xi32, #tpu.memory_space<hbm>> -> memref<1x8x128xi32, #tpu.memory_space<hbm>>
        %dma_wait3A_142 = tpu.memref_squeeze %dma_wait3A_141 : memref<1x8x128xi32, #tpu.memory_space<hbm>> -> memref<8x128xi32, #tpu.memory_space<hbm>>
        %dma_wait3A_143 = arith.constant 0 : i32
        %dma_wait3A_144 = arith.constant 0 : i32
        %dma_wait3A_145 = tpu.memref_slice %arg4[%mul3A_2, %dma_wait3A_143, %dma_wait3A_144] : memref<320x8x128xi32, #tpu.memory_space<hbm>> -> memref<1x8x128xi32, #tpu.memory_space<hbm>>
        %dma_wait3A_146 = tpu.memref_squeeze %dma_wait3A_145 : memref<1x8x128xi32, #tpu.memory_space<hbm>> -> memref<8x128xi32, #tpu.memory_space<hbm>>
        tpu.wait_dma2 semaphore(%arg16 : memref<!tpu.dma_semaphore, #tpu.memory_space<semaphore_mem>>) src(%dma_wait3A_146 : memref<8x128xi32, #tpu.memory_space<hbm>>) dst(%arg10 : memref<8x128xi32, #tpu.memory_space<vmem>>)
        %dma_start3A_147 = arith.constant 0 : i32
        %dma_start3A_148 = arith.constant 0 : i32
        %dma_start3A_149 = tpu.memref_slice %arg9[%dma_start3A_147, %dma_start3A_148] : memref<8x128xi32, #tpu.memory_space<vmem>> -> memref<1x128xi32, #tpu.memory_space<vmem>>
        %dma_start3A_150 = tpu.memref_squeeze %dma_start3A_149 : memref<1x128xi32, #tpu.memory_space<vmem>> -> memref<128xi32, #tpu.memory_space<vmem>>
        %dma_start3A_151 = arith.constant 0 : i32
        %dma_start3A_152 = arith.constant 0 : i32
        %dma_start3A_153 = tpu.memref_slice %arg2[%dma_start3A_151, %dma_start3A_152] : memref<10240x128xf32, #tpu.memory_space<hbm>> -> memref<10240x128xf32, #tpu.memory_space<hbm>>
        tpu.enqueue_indirect_dma source(%dma_start3A_153 : memref<10240x128xf32, #tpu.memory_space<hbm>>) target(%arg11 : memref<128x128xf32, #tpu.memory_space<vmem>>) offsets(%dma_start3A_150 : memref<128xi32, #tpu.memory_space<vmem>>) semaphore(%arg14 : memref<!tpu.dma_semaphore, #tpu.memory_space<semaphore_mem>>)
      } else {
      }
      %dma_wait3A_69 = arith.constant 7 : i32
      %dma_wait3A_70 = arith.constant 0 : i32
      %dma_wait3A_71 = tpu.memref_slice %arg7[%dma_wait3A_69, %dma_wait3A_70] : memref<8x128xi32, #tpu.memory_space<vmem>> -> memref<1x128xi32, #tpu.memory_space<vmem>>
      %dma_wait3A_72 = tpu.memref_squeeze %dma_wait3A_71 : memref<1x128xi32, #tpu.memory_space<vmem>> -> memref<128xi32, #tpu.memory_space<vmem>>
      %dma_wait3A_73 = arith.constant 0 : i32
      %dma_wait3A_74 = arith.constant 0 : i32
      %dma_wait3A_75 = tpu.memref_slice %arg2[%dma_wait3A_73, %dma_wait3A_74] : memref<10240x128xf32, #tpu.memory_space<hbm>> -> memref<10240x128xf32, #tpu.memory_space<hbm>>
      tpu.wait_indirect_dma semaphore(%arg15 : memref<!tpu.dma_semaphore, #tpu.memory_space<semaphore_mem>>) src(%dma_wait3A_75 : memref<10240x128xf32, #tpu.memory_space<hbm>>) dst(%arg12 : memref<128x128xf32, #tpu.memory_space<vmem>>)
      %run_scoped3A_76 = arith.constant 7 : i32
      "tpu.region"() ({
        %run_scoped3A_131 = tpu.sem_alloc : memref<!tpu.dma_semaphore, #tpu.memory_space<semaphore_mem>>
        %dma_start3A_132 = arith.constant 0 : i32
        %dma_start3A_133 = tpu.memref_slice %arg8[%run_scoped3A_76, %dma_start3A_132] : memref<8x128xi32, #tpu.memory_space<vmem>> -> memref<1x128xi32, #tpu.memory_space<vmem>>
        %dma_start3A_134 = tpu.memref_squeeze %dma_start3A_133 : memref<1x128xi32, #tpu.memory_space<vmem>> -> memref<128xi32, #tpu.memory_space<vmem>>
        %dma_start3A_135 = arith.constant 0 : i32
        %dma_start3A_136 = arith.constant 0 : i32
        %dma_start3A_137 = tpu.memref_slice %arg13[%dma_start3A_135, %dma_start3A_136] : memref<10240x128xf32, #tpu.memory_space<vmem_shared>> -> memref<10240x128xf32, #tpu.memory_space<vmem_shared>>
        tpu.enqueue_indirect_dma source(%arg12 : memref<128x128xf32, #tpu.memory_space<vmem>>) target(%dma_start3A_137 : memref<10240x128xf32, #tpu.memory_space<vmem_shared>>) offsets(%dma_start3A_134 : memref<128xi32, #tpu.memory_space<vmem>>) semaphore(%run_scoped3A_131 : memref<!tpu.dma_semaphore, #tpu.memory_space<semaphore_mem>>) {add = true}
        %dma_wait3A_138 = arith.constant 0 : i32
        %dma_wait3A_139 = tpu.memref_slice %arg8[%run_scoped3A_76, %dma_wait3A_138] : memref<8x128xi32, #tpu.memory_space<vmem>> -> memref<1x128xi32, #tpu.memory_space<vmem>>
        %dma_wait3A_140 = tpu.memref_squeeze %dma_wait3A_139 : memref<1x128xi32, #tpu.memory_space<vmem>> -> memref<128xi32, #tpu.memory_space<vmem>>
        %dma_wait3A_141 = arith.constant 0 : i32
        %dma_wait3A_142 = arith.constant 0 : i32
        %dma_wait3A_143 = tpu.memref_slice %arg13[%dma_wait3A_141, %dma_wait3A_142] : memref<10240x128xf32, #tpu.memory_space<vmem_shared>> -> memref<10240x128xf32, #tpu.memory_space<vmem_shared>>
        tpu.wait_indirect_dma semaphore(%run_scoped3A_131 : memref<!tpu.dma_semaphore, #tpu.memory_space<semaphore_mem>>) src(%arg12 : memref<128x128xf32, #tpu.memory_space<vmem>>) dst(%dma_wait3A_143 : memref<10240x128xf32, #tpu.memory_space<vmem_shared>>)
        tpu.yield
      }) : () -> ()
      %add3A_77 = arith.constant 2 : i32
      %add3A_78 = arith.addi %mul3A_45, %add3A_77 : i32
      %lt3A_79 = arith.constant 10 : i32
      %lt3A_80 = arith.cmpi slt, %add3A_78, %lt3A_79 : i32
      %convert_element_type3A_81 = arith.extui %lt3A_80 : i1 to i32
      %cond3A_82 = arith.constant 0 : i32
      %cond3A_83 = arith.cmpi ne, %convert_element_type3A_81, %cond3A_82 : i32
      scf.if %cond3A_83 {
        %add3A_131 = arith.addi %mul3A_2, %mul3A_45 : i32
        %add3A_132 = arith.constant 2 : i32
        %add3A_133 = arith.addi %add3A_131, %add3A_132 : i32
        %dma_start3A_134 = arith.constant 0 : i32
        %dma_start3A_135 = arith.constant 0 : i32
        %dma_start3A_136 = tpu.memref_slice %arg3[%add3A_133, %dma_start3A_134, %dma_start3A_135] : memref<320x8x128xi32, #tpu.memory_space<hbm>> -> memref<1x8x128xi32, #tpu.memory_space<hbm>>
        %dma_start3A_137 = tpu.memref_squeeze %dma_start3A_136 : memref<1x8x128xi32, #tpu.memory_space<hbm>> -> memref<8x128xi32, #tpu.memory_space<hbm>>
        %dma_start3A_138 = arith.constant 0 : i32
        %dma_start3A_139 = arith.constant 0 : i32
        %dma_start3A_140 = tpu.memref_slice %arg3[%add3A_133, %dma_start3A_138, %dma_start3A_139] : memref<320x8x128xi32, #tpu.memory_space<hbm>> -> memref<1x8x128xi32, #tpu.memory_space<hbm>>
        %dma_start3A_141 = tpu.memref_squeeze %dma_start3A_140 : memref<1x8x128xi32, #tpu.memory_space<hbm>> -> memref<8x128xi32, #tpu.memory_space<hbm>>
        tpu.enqueue_dma source(%dma_start3A_141 : memref<8x128xi32, #tpu.memory_space<hbm>>) target(%arg7 : memref<8x128xi32, #tpu.memory_space<vmem>>) target_semaphore(%arg16 : memref<!tpu.dma_semaphore, #tpu.memory_space<semaphore_mem>>)
        %add3A_142 = arith.addi %mul3A_2, %mul3A_45 : i32
        %add3A_143 = arith.constant 2 : i32
        %add3A_144 = arith.addi %add3A_142, %add3A_143 : i32
        %dma_start3A_145 = arith.constant 0 : i32
        %dma_start3A_146 = arith.constant 0 : i32
        %dma_start3A_147 = tpu.memref_slice %arg4[%add3A_144, %dma_start3A_145, %dma_start3A_146] : memref<320x8x128xi32, #tpu.memory_space<hbm>> -> memref<1x8x128xi32, #tpu.memory_space<hbm>>
        %dma_start3A_148 = tpu.memref_squeeze %dma_start3A_147 : memref<1x8x128xi32, #tpu.memory_space<hbm>> -> memref<8x128xi32, #tpu.memory_space<hbm>>
        %dma_start3A_149 = arith.constant 0 : i32
        %dma_start3A_150 = arith.constant 0 : i32
        %dma_start3A_151 = tpu.memref_slice %arg4[%add3A_144, %dma_start3A_149, %dma_start3A_150] : memref<320x8x128xi32, #tpu.memory_space<hbm>> -> memref<1x8x128xi32, #tpu.memory_space<hbm>>
        %dma_start3A_152 = tpu.memref_squeeze %dma_start3A_151 : memref<1x8x128xi32, #tpu.memory_space<hbm>> -> memref<8x128xi32, #tpu.memory_space<hbm>>
        tpu.enqueue_dma source(%dma_start3A_152 : memref<8x128xi32, #tpu.memory_space<hbm>>) target(%arg8 : memref<8x128xi32, #tpu.memory_space<vmem>>) target_semaphore(%arg16 : memref<!tpu.dma_semaphore, #tpu.memory_space<semaphore_mem>>)
      } else {
      }
      %mul3A_84 = arith.constant 2 : i32
      %mul3A_85 = arith.muli %mul3A_84, %scan3A_43 : i32
      %add3A_86 = arith.constant 1 : i32
      %add3A_87 = arith.addi %mul3A_85, %add3A_86 : i32
      %scan3A_88 = arith.constant 0 : i32
      %scan3A_89 = arith.constant 0 : i32
      %scan3A_90 = arith.constant 3 : i32
      %scan3A_91 = arith.addi %scan3A_89, %scan3A_90 : i32
      %scan3A_92 = arith.constant 1 : i32
      scf.for %scan3A_131 = %scan3A_89 to %scan3A_91 step %scan3A_92  : i32 {
        %mul3A_132 = arith.constant 2 : i32
        %mul3A_133 = arith.muli %mul3A_132, %scan3A_131 : i32
        %add3A_134 = arith.constant 1 : i32
        %add3A_135 = arith.addi %mul3A_133, %add3A_134 : i32
        %dma_start3A_136 = arith.constant 0 : i32
        %dma_start3A_137 = tpu.memref_slice %arg9[%add3A_135, %dma_start3A_136] : memref<8x128xi32, #tpu.memory_space<vmem>> -> memref<1x128xi32, #tpu.memory_space<vmem>>
        %dma_start3A_138 = tpu.memref_squeeze %dma_start3A_137 : memref<1x128xi32, #tpu.memory_space<vmem>> -> memref<128xi32, #tpu.memory_space<vmem>>
        %dma_start3A_139 = arith.constant 0 : i32
        %dma_start3A_140 = arith.constant 0 : i32
        %dma_start3A_141 = tpu.memref_slice %arg2[%dma_start3A_139, %dma_start3A_140] : memref<10240x128xf32, #tpu.memory_space<hbm>> -> memref<10240x128xf32, #tpu.memory_space<hbm>>
        tpu.enqueue_indirect_dma source(%dma_start3A_141 : memref<10240x128xf32, #tpu.memory_space<hbm>>) target(%arg12 : memref<128x128xf32, #tpu.memory_space<vmem>>) offsets(%dma_start3A_138 : memref<128xi32, #tpu.memory_space<vmem>>) semaphore(%arg15 : memref<!tpu.dma_semaphore, #tpu.memory_space<semaphore_mem>>)
        %dma_wait3A_142 = arith.constant 0 : i32
        %dma_wait3A_143 = tpu.memref_slice %arg9[%mul3A_133, %dma_wait3A_142] : memref<8x128xi32, #tpu.memory_space<vmem>> -> memref<1x128xi32, #tpu.memory_space<vmem>>
        %dma_wait3A_144 = tpu.memref_squeeze %dma_wait3A_143 : memref<1x128xi32, #tpu.memory_space<vmem>> -> memref<128xi32, #tpu.memory_space<vmem>>
        %dma_wait3A_145 = arith.constant 0 : i32
        %dma_wait3A_146 = arith.constant 0 : i32
        %dma_wait3A_147 = tpu.memref_slice %arg2[%dma_wait3A_145, %dma_wait3A_146] : memref<10240x128xf32, #tpu.memory_space<hbm>> -> memref<10240x128xf32, #tpu.memory_space<hbm>>
        tpu.wait_indirect_dma semaphore(%arg14 : memref<!tpu.dma_semaphore, #tpu.memory_space<semaphore_mem>>) src(%dma_wait3A_147 : memref<10240x128xf32, #tpu.memory_space<hbm>>) dst(%arg11 : memref<128x128xf32, #tpu.memory_space<vmem>>)
        "tpu.region"() ({
          %run_scoped3A_166 = tpu.sem_alloc : memref<!tpu.dma_semaphore, #tpu.memory_space<semaphore_mem>>
          %dma_start3A_167 = arith.constant 0 : i32
          %dma_start3A_168 = tpu.memref_slice %arg10[%mul3A_133, %dma_start3A_167] : memref<8x128xi32, #tpu.memory_space<vmem>> -> memref<1x128xi32, #tpu.memory_space<vmem>>
          %dma_start3A_169 = tpu.memref_squeeze %dma_start3A_168 : memref<1x128xi32, #tpu.memory_space<vmem>> -> memref<128xi32, #tpu.memory_space<vmem>>
          %dma_start3A_170 = arith.constant 0 : i32
          %dma_start3A_171 = arith.constant 0 : i32
          %dma_start3A_172 = tpu.memref_slice %arg13[%dma_start3A_170, %dma_start3A_171] : memref<10240x128xf32, #tpu.memory_space<vmem_shared>> -> memref<10240x128xf32, #tpu.memory_space<vmem_shared>>
          tpu.enqueue_indirect_dma source(%arg11 : memref<128x128xf32, #tpu.memory_space<vmem>>) target(%dma_start3A_172 : memref<10240x128xf32, #tpu.memory_space<vmem_shared>>) offsets(%dma_start3A_169 : memref<128xi32, #tpu.memory_space<vmem>>) semaphore(%run_scoped3A_166 : memref<!tpu.dma_semaphore, #tpu.memory_space<semaphore_mem>>) {add = true}
          %dma_wait3A_173 = arith.constant 0 : i32
          %dma_wait3A_174 = tpu.memref_slice %arg10[%mul3A_133, %dma_wait3A_173] : memref<8x128xi32, #tpu.memory_space<vmem>> -> memref<1x128xi32, #tpu.memory_space<vmem>>
          %dma_wait3A_175 = tpu.memref_squeeze %dma_wait3A_174 : memref<1x128xi32, #tpu.memory_space<vmem>> -> memref<128xi32, #tpu.memory_space<vmem>>
          %dma_wait3A_176 = arith.constant 0 : i32
          %dma_wait3A_177 = arith.constant 0 : i32
          %dma_wait3A_178 = tpu.memref_slice %arg13[%dma_wait3A_176, %dma_wait3A_177] : memref<10240x128xf32, #tpu.memory_space<vmem_shared>> -> memref<10240x128xf32, #tpu.memory_space<vmem_shared>>
          tpu.wait_indirect_dma semaphore(%run_scoped3A_166 : memref<!tpu.dma_semaphore, #tpu.memory_space<semaphore_mem>>) src(%arg11 : memref<128x128xf32, #tpu.memory_space<vmem>>) dst(%dma_wait3A_178 : memref<10240x128xf32, #tpu.memory_space<vmem_shared>>)
          tpu.yield
        }) : () -> ()
        %add3A_148 = arith.constant 2 : i32
        %add3A_149 = arith.addi %mul3A_133, %add3A_148 : i32
        %dma_start3A_150 = arith.constant 0 : i32
        %dma_start3A_151 = tpu.memref_slice %arg9[%add3A_149, %dma_start3A_150] : memref<8x128xi32, #tpu.memory_space<vmem>> -> memref<1x128xi32, #tpu.memory_space<vmem>>
        %dma_start3A_152 = tpu.memref_squeeze %dma_start3A_151 : memref<1x128xi32, #tpu.memory_space<vmem>> -> memref<128xi32, #tpu.memory_space<vmem>>
        %dma_start3A_153 = arith.constant 0 : i32
        %dma_start3A_154 = arith.constant 0 : i32
        %dma_start3A_155 = tpu.memref_slice %arg2[%dma_start3A_153, %dma_start3A_154] : memref<10240x128xf32, #tpu.memory_space<hbm>> -> memref<10240x128xf32, #tpu.memory_space<hbm>>
        tpu.enqueue_indirect_dma source(%dma_start3A_155 : memref<10240x128xf32, #tpu.memory_space<hbm>>) target(%arg11 : memref<128x128xf32, #tpu.memory_space<vmem>>) offsets(%dma_start3A_152 : memref<128xi32, #tpu.memory_space<vmem>>) semaphore(%arg14 : memref<!tpu.dma_semaphore, #tpu.memory_space<semaphore_mem>>)
        %add3A_156 = arith.constant 1 : i32
        %add3A_157 = arith.addi %mul3A_133, %add3A_156 : i32
        %dma_wait3A_158 = arith.constant 0 : i32
        %dma_wait3A_159 = tpu.memref_slice %arg9[%add3A_157, %dma_wait3A_158] : memref<8x128xi32, #tpu.memory_space<vmem>> -> memref<1x128xi32, #tpu.memory_space<vmem>>
        %dma_wait3A_160 = tpu.memref_squeeze %dma_wait3A_159 : memref<1x128xi32, #tpu.memory_space<vmem>> -> memref<128xi32, #tpu.memory_space<vmem>>
        %dma_wait3A_161 = arith.constant 0 : i32
        %dma_wait3A_162 = arith.constant 0 : i32
        %dma_wait3A_163 = tpu.memref_slice %arg2[%dma_wait3A_161, %dma_wait3A_162] : memref<10240x128xf32, #tpu.memory_space<hbm>> -> memref<10240x128xf32, #tpu.memory_space<hbm>>
        tpu.wait_indirect_dma semaphore(%arg15 : memref<!tpu.dma_semaphore, #tpu.memory_space<semaphore_mem>>) src(%dma_wait3A_163 : memref<10240x128xf32, #tpu.memory_space<hbm>>) dst(%arg12 : memref<128x128xf32, #tpu.memory_space<vmem>>)
        %add3A_164 = arith.constant 1 : i32
        %add3A_165 = arith.addi %mul3A_133, %add3A_164 : i32
        "tpu.region"() ({
          %run_scoped3A_166 = tpu.sem_alloc : memref<!tpu.dma_semaphore, #tpu.memory_space<semaphore_mem>>
          %dma_start3A_167 = arith.constant 0 : i32
          %dma_start3A_168 = tpu.memref_slice %arg10[%add3A_165, %dma_start3A_167] : memref<8x128xi32, #tpu.memory_space<vmem>> -> memref<1x128xi32, #tpu.memory_space<vmem>>
          %dma_start3A_169 = tpu.memref_squeeze %dma_start3A_168 : memref<1x128xi32, #tpu.memory_space<vmem>> -> memref<128xi32, #tpu.memory_space<vmem>>
          %dma_start3A_170 = arith.constant 0 : i32
          %dma_start3A_171 = arith.constant 0 : i32
          %dma_start3A_172 = tpu.memref_slice %arg13[%dma_start3A_170, %dma_start3A_171] : memref<10240x128xf32, #tpu.memory_space<vmem_shared>> -> memref<10240x128xf32, #tpu.memory_space<vmem_shared>>
          tpu.enqueue_indirect_dma source(%arg12 : memref<128x128xf32, #tpu.memory_space<vmem>>) target(%dma_start3A_172 : memref<10240x128xf32, #tpu.memory_space<vmem_shared>>) offsets(%dma_start3A_169 : memref<128xi32, #tpu.memory_space<vmem>>) semaphore(%run_scoped3A_166 : memref<!tpu.dma_semaphore, #tpu.memory_space<semaphore_mem>>) {add = true}
          %dma_wait3A_173 = arith.constant 0 : i32
          %dma_wait3A_174 = tpu.memref_slice %arg10[%add3A_165, %dma_wait3A_173] : memref<8x128xi32, #tpu.memory_space<vmem>> -> memref<1x128xi32, #tpu.memory_space<vmem>>
          %dma_wait3A_175 = tpu.memref_squeeze %dma_wait3A_174 : memref<1x128xi32, #tpu.memory_space<vmem>> -> memref<128xi32, #tpu.memory_space<vmem>>
          %dma_wait3A_176 = arith.constant 0 : i32
          %dma_wait3A_177 = arith.constant 0 : i32
          %dma_wait3A_178 = tpu.memref_slice %arg13[%dma_wait3A_176, %dma_wait3A_177] : memref<10240x128xf32, #tpu.memory_space<vmem_shared>> -> memref<10240x128xf32, #tpu.memory_space<vmem_shared>>
          tpu.wait_indirect_dma semaphore(%run_scoped3A_166 : memref<!tpu.dma_semaphore, #tpu.memory_space<semaphore_mem>>) src(%arg12 : memref<128x128xf32, #tpu.memory_space<vmem>>) dst(%dma_wait3A_178 : memref<10240x128xf32, #tpu.memory_space<vmem_shared>>)
          tpu.yield
        }) : () -> ()
      }
      %scan3A_93 = arith.constant 3 : i32
      %dma_start3A_94 = arith.constant 7 : i32
      %dma_start3A_95 = arith.constant 0 : i32
      %dma_start3A_96 = tpu.memref_slice %arg9[%dma_start3A_94, %dma_start3A_95] : memref<8x128xi32, #tpu.memory_space<vmem>> -> memref<1x128xi32, #tpu.memory_space<vmem>>
      %dma_start3A_97 = tpu.memref_squeeze %dma_start3A_96 : memref<1x128xi32, #tpu.memory_space<vmem>> -> memref<128xi32, #tpu.memory_space<vmem>>
      %dma_start3A_98 = arith.constant 0 : i32
      %dma_start3A_99 = arith.constant 0 : i32
      %dma_start3A_100 = tpu.memref_slice %arg2[%dma_start3A_98, %dma_start3A_99] : memref<10240x128xf32, #tpu.memory_space<hbm>> -> memref<10240x128xf32, #tpu.memory_space<hbm>>
      tpu.enqueue_indirect_dma source(%dma_start3A_100 : memref<10240x128xf32, #tpu.memory_space<hbm>>) target(%arg12 : memref<128x128xf32, #tpu.memory_space<vmem>>) offsets(%dma_start3A_97 : memref<128xi32, #tpu.memory_space<vmem>>) semaphore(%arg15 : memref<!tpu.dma_semaphore, #tpu.memory_space<semaphore_mem>>)
      %dma_wait3A_101 = arith.constant 6 : i32
      %dma_wait3A_102 = arith.constant 0 : i32
      %dma_wait3A_103 = tpu.memref_slice %arg9[%dma_wait3A_101, %dma_wait3A_102] : memref<8x128xi32, #tpu.memory_space<vmem>> -> memref<1x128xi32, #tpu.memory_space<vmem>>
      %dma_wait3A_104 = tpu.memref_squeeze %dma_wait3A_103 : memref<1x128xi32, #tpu.memory_space<vmem>> -> memref<128xi32, #tpu.memory_space<vmem>>
      %dma_wait3A_105 = arith.constant 0 : i32
      %dma_wait3A_106 = arith.constant 0 : i32
      %dma_wait3A_107 = tpu.memref_slice %arg2[%dma_wait3A_105, %dma_wait3A_106] : memref<10240x128xf32, #tpu.memory_space<hbm>> -> memref<10240x128xf32, #tpu.memory_space<hbm>>
      tpu.wait_indirect_dma semaphore(%arg14 : memref<!tpu.dma_semaphore, #tpu.memory_space<semaphore_mem>>) src(%dma_wait3A_107 : memref<10240x128xf32, #tpu.memory_space<hbm>>) dst(%arg11 : memref<128x128xf32, #tpu.memory_space<vmem>>)
      %run_scoped3A_108 = arith.constant 6 : i32
      "tpu.region"() ({
        %run_scoped3A_131 = tpu.sem_alloc : memref<!tpu.dma_semaphore, #tpu.memory_space<semaphore_mem>>
        %dma_start3A_132 = arith.constant 0 : i32
        %dma_start3A_133 = tpu.memref_slice %arg10[%run_scoped3A_108, %dma_start3A_132] : memref<8x128xi32, #tpu.memory_space<vmem>> -> memref<1x128xi32, #tpu.memory_space<vmem>>
        %dma_start3A_134 = tpu.memref_squeeze %dma_start3A_133 : memref<1x128xi32, #tpu.memory_space<vmem>> -> memref<128xi32, #tpu.memory_space<vmem>>
        %dma_start3A_135 = arith.constant 0 : i32
        %dma_start3A_136 = arith.constant 0 : i32
        %dma_start3A_137 = tpu.memref_slice %arg13[%dma_start3A_135, %dma_start3A_136] : memref<10240x128xf32, #tpu.memory_space<vmem_shared>> -> memref<10240x128xf32, #tpu.memory_space<vmem_shared>>
        tpu.enqueue_indirect_dma source(%arg11 : memref<128x128xf32, #tpu.memory_space<vmem>>) target(%dma_start3A_137 : memref<10240x128xf32, #tpu.memory_space<vmem_shared>>) offsets(%dma_start3A_134 : memref<128xi32, #tpu.memory_space<vmem>>) semaphore(%run_scoped3A_131 : memref<!tpu.dma_semaphore, #tpu.memory_space<semaphore_mem>>) {add = true}
        %dma_wait3A_138 = arith.constant 0 : i32
        %dma_wait3A_139 = tpu.memref_slice %arg10[%run_scoped3A_108, %dma_wait3A_138] : memref<8x128xi32, #tpu.memory_space<vmem>> -> memref<1x128xi32, #tpu.memory_space<vmem>>
        %dma_wait3A_140 = tpu.memref_squeeze %dma_wait3A_139 : memref<1x128xi32, #tpu.memory_space<vmem>> -> memref<128xi32, #tpu.memory_space<vmem>>
        %dma_wait3A_141 = arith.constant 0 : i32
        %dma_wait3A_142 = arith.constant 0 : i32
        %dma_wait3A_143 = tpu.memref_slice %arg13[%dma_wait3A_141, %dma_wait3A_142] : memref<10240x128xf32, #tpu.memory_space<vmem_shared>> -> memref<10240x128xf32, #tpu.memory_space<vmem_shared>>
        tpu.wait_indirect_dma semaphore(%run_scoped3A_131 : memref<!tpu.dma_semaphore, #tpu.memory_space<semaphore_mem>>) src(%arg11 : memref<128x128xf32, #tpu.memory_space<vmem>>) dst(%dma_wait3A_143 : memref<10240x128xf32, #tpu.memory_space<vmem_shared>>)
        tpu.yield
      }) : () -> ()
      %add3A_109 = arith.constant 1 : i32
      %add3A_110 = arith.addi %add3A_87, %add3A_109 : i32
      %lt3A_111 = arith.constant 10 : i32
      %lt3A_112 = arith.cmpi slt, %add3A_110, %lt3A_111 : i32
      %convert_element_type3A_113 = arith.extui %lt3A_112 : i1 to i32
      %cond3A_114 = arith.constant 0 : i32
      %cond3A_115 = arith.cmpi ne, %convert_element_type3A_113, %cond3A_114 : i32
      scf.if %cond3A_115 {
        %dma_wait3A_131 = arith.constant 0 : i32
        %dma_wait3A_132 = arith.constant 0 : i32
        %dma_wait3A_133 = tpu.memref_slice %arg3[%mul3A_2, %dma_wait3A_131, %dma_wait3A_132] : memref<320x8x128xi32, #tpu.memory_space<hbm>> -> memref<1x8x128xi32, #tpu.memory_space<hbm>>
        %dma_wait3A_134 = tpu.memref_squeeze %dma_wait3A_133 : memref<1x8x128xi32, #tpu.memory_space<hbm>> -> memref<8x128xi32, #tpu.memory_space<hbm>>
        %dma_wait3A_135 = arith.constant 0 : i32
        %dma_wait3A_136 = arith.constant 0 : i32
        %dma_wait3A_137 = tpu.memref_slice %arg3[%mul3A_2, %dma_wait3A_135, %dma_wait3A_136] : memref<320x8x128xi32, #tpu.memory_space<hbm>> -> memref<1x8x128xi32, #tpu.memory_space<hbm>>
        %dma_wait3A_138 = tpu.memref_squeeze %dma_wait3A_137 : memref<1x8x128xi32, #tpu.memory_space<hbm>> -> memref<8x128xi32, #tpu.memory_space<hbm>>
        tpu.wait_dma2 semaphore(%arg16 : memref<!tpu.dma_semaphore, #tpu.memory_space<semaphore_mem>>) src(%dma_wait3A_138 : memref<8x128xi32, #tpu.memory_space<hbm>>) dst(%arg7 : memref<8x128xi32, #tpu.memory_space<vmem>>)
        %dma_wait3A_139 = arith.constant 0 : i32
        %dma_wait3A_140 = arith.constant 0 : i32
        %dma_wait3A_141 = tpu.memref_slice %arg4[%mul3A_2, %dma_wait3A_139, %dma_wait3A_140] : memref<320x8x128xi32, #tpu.memory_space<hbm>> -> memref<1x8x128xi32, #tpu.memory_space<hbm>>
        %dma_wait3A_142 = tpu.memref_squeeze %dma_wait3A_141 : memref<1x8x128xi32, #tpu.memory_space<hbm>> -> memref<8x128xi32, #tpu.memory_space<hbm>>
        %dma_wait3A_143 = arith.constant 0 : i32
        %dma_wait3A_144 = arith.constant 0 : i32
        %dma_wait3A_145 = tpu.memref_slice %arg4[%mul3A_2, %dma_wait3A_143, %dma_wait3A_144] : memref<320x8x128xi32, #tpu.memory_space<hbm>> -> memref<1x8x128xi32, #tpu.memory_space<hbm>>
        %dma_wait3A_146 = tpu.memref_squeeze %dma_wait3A_145 : memref<1x8x128xi32, #tpu.memory_space<hbm>> -> memref<8x128xi32, #tpu.memory_space<hbm>>
        tpu.wait_dma2 semaphore(%arg16 : memref<!tpu.dma_semaphore, #tpu.memory_space<semaphore_mem>>) src(%dma_wait3A_146 : memref<8x128xi32, #tpu.memory_space<hbm>>) dst(%arg8 : memref<8x128xi32, #tpu.memory_space<vmem>>)
        %dma_start3A_147 = arith.constant 0 : i32
        %dma_start3A_148 = arith.constant 0 : i32
        %dma_start3A_149 = tpu.memref_slice %arg7[%dma_start3A_147, %dma_start3A_148] : memref<8x128xi32, #tpu.memory_space<vmem>> -> memref<1x128xi32, #tpu.memory_space<vmem>>
        %dma_start3A_150 = tpu.memref_squeeze %dma_start3A_149 : memref<1x128xi32, #tpu.memory_space<vmem>> -> memref<128xi32, #tpu.memory_space<vmem>>
        %dma_start3A_151 = arith.constant 0 : i32
        %dma_start3A_152 = arith.constant 0 : i32
        %dma_start3A_153 = tpu.memref_slice %arg2[%dma_start3A_151, %dma_start3A_152] : memref<10240x128xf32, #tpu.memory_space<hbm>> -> memref<10240x128xf32, #tpu.memory_space<hbm>>
        tpu.enqueue_indirect_dma source(%dma_start3A_153 : memref<10240x128xf32, #tpu.memory_space<hbm>>) target(%arg11 : memref<128x128xf32, #tpu.memory_space<vmem>>) offsets(%dma_start3A_150 : memref<128xi32, #tpu.memory_space<vmem>>) semaphore(%arg14 : memref<!tpu.dma_semaphore, #tpu.memory_space<semaphore_mem>>)
      } else {
      }
      %dma_wait3A_116 = arith.constant 7 : i32
      %dma_wait3A_117 = arith.constant 0 : i32
      %dma_wait3A_118 = tpu.memref_slice %arg9[%dma_wait3A_116, %dma_wait3A_117] : memref<8x128xi32, #tpu.memory_space<vmem>> -> memref<1x128xi32, #tpu.memory_space<vmem>>
      %dma_wait3A_119 = tpu.memref_squeeze %dma_wait3A_118 : memref<1x128xi32, #tpu.memory_space<vmem>> -> memref<128xi32, #tpu.memory_space<vmem>>
      %dma_wait3A_120 = arith.constant 0 : i32
      %dma_wait3A_121 = arith.constant 0 : i32
      %dma_wait3A_122 = tpu.memref_slice %arg2[%dma_wait3A_120, %dma_wait3A_121] : memref<10240x128xf32, #tpu.memory_space<hbm>> -> memref<10240x128xf32, #tpu.memory_space<hbm>>
      tpu.wait_indirect_dma semaphore(%arg15 : memref<!tpu.dma_semaphore, #tpu.memory_space<semaphore_mem>>) src(%dma_wait3A_122 : memref<10240x128xf32, #tpu.memory_space<hbm>>) dst(%arg12 : memref<128x128xf32, #tpu.memory_space<vmem>>)
      %run_scoped3A_123 = arith.constant 7 : i32
      "tpu.region"() ({
        %run_scoped3A_131 = tpu.sem_alloc : memref<!tpu.dma_semaphore, #tpu.memory_space<semaphore_mem>>
        %dma_start3A_132 = arith.constant 0 : i32
        %dma_start3A_133 = tpu.memref_slice %arg10[%run_scoped3A_123, %dma_start3A_132] : memref<8x128xi32, #tpu.memory_space<vmem>> -> memref<1x128xi32, #tpu.memory_space<vmem>>
        %dma_start3A_134 = tpu.memref_squeeze %dma_start3A_133 : memref<1x128xi32, #tpu.memory_space<vmem>> -> memref<128xi32, #tpu.memory_space<vmem>>
        %dma_start3A_135 = arith.constant 0 : i32
        %dma_start3A_136 = arith.constant 0 : i32
        %dma_start3A_137 = tpu.memref_slice %arg13[%dma_start3A_135, %dma_start3A_136] : memref<10240x128xf32, #tpu.memory_space<vmem_shared>> -> memref<10240x128xf32, #tpu.memory_space<vmem_shared>>
        tpu.enqueue_indirect_dma source(%arg12 : memref<128x128xf32, #tpu.memory_space<vmem>>) target(%dma_start3A_137 : memref<10240x128xf32, #tpu.memory_space<vmem_shared>>) offsets(%dma_start3A_134 : memref<128xi32, #tpu.memory_space<vmem>>) semaphore(%run_scoped3A_131 : memref<!tpu.dma_semaphore, #tpu.memory_space<semaphore_mem>>) {add = true}
        %dma_wait3A_138 = arith.constant 0 : i32
        %dma_wait3A_139 = tpu.memref_slice %arg10[%run_scoped3A_123, %dma_wait3A_138] : memref<8x128xi32, #tpu.memory_space<vmem>> -> memref<1x128xi32, #tpu.memory_space<vmem>>
        %dma_wait3A_140 = tpu.memref_squeeze %dma_wait3A_139 : memref<1x128xi32, #tpu.memory_space<vmem>> -> memref<128xi32, #tpu.memory_space<vmem>>
        %dma_wait3A_141 = arith.constant 0 : i32
        %dma_wait3A_142 = arith.constant 0 : i32
        %dma_wait3A_143 = tpu.memref_slice %arg13[%dma_wait3A_141, %dma_wait3A_142] : memref<10240x128xf32, #tpu.memory_space<vmem_shared>> -> memref<10240x128xf32, #tpu.memory_space<vmem_shared>>
        tpu.wait_indirect_dma semaphore(%run_scoped3A_131 : memref<!tpu.dma_semaphore, #tpu.memory_space<semaphore_mem>>) src(%arg12 : memref<128x128xf32, #tpu.memory_space<vmem>>) dst(%dma_wait3A_143 : memref<10240x128xf32, #tpu.memory_space<vmem_shared>>)
        tpu.yield
      }) : () -> ()
      %add3A_124 = arith.constant 2 : i32
      %add3A_125 = arith.addi %add3A_87, %add3A_124 : i32
      %lt3A_126 = arith.constant 10 : i32
      %lt3A_127 = arith.cmpi slt, %add3A_125, %lt3A_126 : i32
      %convert_element_type3A_128 = arith.extui %lt3A_127 : i1 to i32
      %cond3A_129 = arith.constant 0 : i32
      %cond3A_130 = arith.cmpi ne, %convert_element_type3A_128, %cond3A_129 : i32
      scf.if %cond3A_130 {
        %add3A_131 = arith.addi %mul3A_2, %add3A_87 : i32
        %add3A_132 = arith.constant 2 : i32
        %add3A_133 = arith.addi %add3A_131, %add3A_132 : i32
        %dma_start3A_134 = arith.constant 0 : i32
        %dma_start3A_135 = arith.constant 0 : i32
        %dma_start3A_136 = tpu.memref_slice %arg3[%add3A_133, %dma_start3A_134, %dma_start3A_135] : memref<320x8x128xi32, #tpu.memory_space<hbm>> -> memref<1x8x128xi32, #tpu.memory_space<hbm>>
        %dma_start3A_137 = tpu.memref_squeeze %dma_start3A_136 : memref<1x8x128xi32, #tpu.memory_space<hbm>> -> memref<8x128xi32, #tpu.memory_space<hbm>>
        %dma_start3A_138 = arith.constant 0 : i32
        %dma_start3A_139 = arith.constant 0 : i32
        %dma_start3A_140 = tpu.memref_slice %arg3[%add3A_133, %dma_start3A_138, %dma_start3A_139] : memref<320x8x128xi32, #tpu.memory_space<hbm>> -> memref<1x8x128xi32, #tpu.memory_space<hbm>>
        %dma_start3A_141 = tpu.memref_squeeze %dma_start3A_140 : memref<1x8x128xi32, #tpu.memory_space<hbm>> -> memref<8x128xi32, #tpu.memory_space<hbm>>
        tpu.enqueue_dma source(%dma_start3A_141 : memref<8x128xi32, #tpu.memory_space<hbm>>) target(%arg9 : memref<8x128xi32, #tpu.memory_space<vmem>>) target_semaphore(%arg16 : memref<!tpu.dma_semaphore, #tpu.memory_space<semaphore_mem>>)
        %add3A_142 = arith.addi %mul3A_2, %add3A_87 : i32
        %add3A_143 = arith.constant 2 : i32
        %add3A_144 = arith.addi %add3A_142, %add3A_143 : i32
        %dma_start3A_145 = arith.constant 0 : i32
        %dma_start3A_146 = arith.constant 0 : i32
        %dma_start3A_147 = tpu.memref_slice %arg4[%add3A_144, %dma_start3A_145, %dma_start3A_146] : memref<320x8x128xi32, #tpu.memory_space<hbm>> -> memref<1x8x128xi32, #tpu.memory_space<hbm>>
        %dma_start3A_148 = tpu.memref_squeeze %dma_start3A_147 : memref<1x8x128xi32, #tpu.memory_space<hbm>> -> memref<8x128xi32, #tpu.memory_space<hbm>>
        %dma_start3A_149 = arith.constant 0 : i32
        %dma_start3A_150 = arith.constant 0 : i32
        %dma_start3A_151 = tpu.memref_slice %arg4[%add3A_144, %dma_start3A_149, %dma_start3A_150] : memref<320x8x128xi32, #tpu.memory_space<hbm>> -> memref<1x8x128xi32, #tpu.memory_space<hbm>>
        %dma_start3A_152 = tpu.memref_squeeze %dma_start3A_151 : memref<1x8x128xi32, #tpu.memory_space<hbm>> -> memref<8x128xi32, #tpu.memory_space<hbm>>
        tpu.enqueue_dma source(%dma_start3A_152 : memref<8x128xi32, #tpu.memory_space<hbm>>) target(%arg10 : memref<8x128xi32, #tpu.memory_space<vmem>>) target_semaphore(%arg16 : memref<!tpu.dma_semaphore, #tpu.memory_space<semaphore_mem>>)
      } else {
      }
    }
    %scan3A_37 = arith.constant 5 : i32
    %barrier3A_38 = arith.constant 0 : index
    tpu.barrier barrier_id(%barrier3A_38)
    %mul3A_39 = arith.constant 640 : i32
    %mul3A_40 = arith.muli %arg1, %mul3A_39 : i32
    %mul3A_41 = arith.constant 640 : i32
    %mul3A_42 = arith.muli %arg1, %mul3A_41 : i32
    "tpu.region"() ({
      %run_scoped3A = tpu.sem_alloc : memref<!tpu.dma_semaphore, #tpu.memory_space<semaphore_mem>>
      %dma_start3A_43 = arith.constant 0 : i32
      %dma_start3A_44 = tpu.memref_slice %arg6[%arg0, %mul3A_42, %dma_start3A_43] : memref<2x10240x128xf32, #tpu.memory_space<hbm>> -> memref<1x640x128xf32, #tpu.memory_space<hbm>>
      %dma_start3A_45 = tpu.memref_squeeze %dma_start3A_44 : memref<1x640x128xf32, #tpu.memory_space<hbm>> -> memref<640x128xf32, #tpu.memory_space<hbm>>
      %dma_start3A_46 = arith.constant 0 : i32
      %dma_start3A_47 = tpu.memref_slice %arg13[%mul3A_40, %dma_start3A_46] : memref<10240x128xf32, #tpu.memory_space<vmem_shared>> -> memref<640x128xf32, #tpu.memory_space<vmem_shared>>
      tpu.enqueue_dma source(%dma_start3A_47 : memref<640x128xf32, #tpu.memory_space<vmem_shared>>) target(%dma_start3A_45 : memref<640x128xf32, #tpu.memory_space<hbm>>) target_semaphore(%run_scoped3A : memref<!tpu.dma_semaphore, #tpu.memory_space<semaphore_mem>>)
      %dma_wait3A = arith.constant 0 : i32
      %dma_wait3A_48 = tpu.memref_slice %arg6[%arg0, %mul3A_42, %dma_wait3A] : memref<2x10240x128xf32, #tpu.memory_space<hbm>> -> memref<1x640x128xf32, #tpu.memory_space<hbm>>
      %dma_wait3A_49 = tpu.memref_squeeze %dma_wait3A_48 : memref<1x640x128xf32, #tpu.memory_space<hbm>> -> memref<640x128xf32, #tpu.memory_space<hbm>>
      %dma_wait3A_50 = arith.constant 0 : i32
      %dma_wait3A_51 = tpu.memref_slice %arg13[%mul3A_40, %dma_wait3A_50] : memref<10240x128xf32, #tpu.memory_space<vmem_shared>> -> memref<640x128xf32, #tpu.memory_space<vmem_shared>>
      tpu.wait_dma2 semaphore(%run_scoped3A : memref<!tpu.dma_semaphore, #tpu.memory_space<semaphore_mem>>) src(%dma_wait3A_51 : memref<640x128xf32, #tpu.memory_space<vmem_shared>>) dst(%dma_wait3A_49 : memref<640x128xf32, #tpu.memory_space<hbm>>)
      tpu.yield
    }) : () -> ()
    return
  }
}

#map = affine_map<(d0, d1) -> (0, 0)>
#map1 = affine_map<(d0, d1) -> (0, 0, 0)>
module attributes {stable_mosaic.version = 14 : i64} {
  func.func @_deg_body(%arg0: i32, %arg1: i32, %arg2: memref<128x128xf32, #tpu.memory_space<hbm>>, %arg3: memref<320x8x128xi32, #tpu.memory_space<hbm>>, %arg4: memref<10240x128xf32, #tpu.memory_space<hbm>>, %arg5: memref<2x10240x128xf32, #tpu.memory_space<hbm>>, %arg6: memref<8x128xi32, #tpu.memory_space<vmem>>, %arg7: memref<8x128xi32, #tpu.memory_space<vmem>>, %arg8: memref<128x128xf32, #tpu.memory_space<vmem>>, %arg9: memref<10240x128xf32, #tpu.memory_space<vmem_shared>>, %arg10: memref<!tpu.dma_semaphore, #tpu.memory_space<semaphore_mem>>) attributes {dimension_semantics = [#tpu.dimension_semantics<core_parallel>, #tpu.dimension_semantics<subcore_parallel>], iteration_bounds = array<i64: 2, 16>, scalar_prefetch = 0 : i64, scratch_operands = 5 : i64, tpu.core_type = #tpu.core_type<sc_vector_subcore>, window_params = [{transform_indices = #map}, {transform_indices = #map1}, {transform_indices = #map}, {transform_indices = #map1}]} {
    %mul3A = arith.constant 2 : i32
    %mul3A_0 = arith.muli %arg1, %mul3A : i32
    %add3A = arith.addi %mul3A_0, %arg0 : i32
    %mul3A_1 = arith.constant 10 : i32
    %mul3A_2 = arith.muli %add3A, %mul3A_1 : i32
    "tpu.region"() ({
      %run_scoped3A = tpu.sem_alloc : memref<!tpu.dma_semaphore, #tpu.memory_space<semaphore_mem>>
      tpu.enqueue_dma source(%arg2 : memref<128x128xf32, #tpu.memory_space<hbm>>) target(%arg8 : memref<128x128xf32, #tpu.memory_space<vmem>>) target_semaphore(%run_scoped3A : memref<!tpu.dma_semaphore, #tpu.memory_space<semaphore_mem>>)
      tpu.wait_dma2 semaphore(%run_scoped3A : memref<!tpu.dma_semaphore, #tpu.memory_space<semaphore_mem>>) src(%arg2 : memref<128x128xf32, #tpu.memory_space<hbm>>) dst(%arg8 : memref<128x128xf32, #tpu.memory_space<vmem>>)
      tpu.yield
    }) : () -> ()
    "tpu.region"() ({
      %run_scoped3A = tpu.sem_alloc : memref<!tpu.dma_semaphore, #tpu.memory_space<semaphore_mem>>
      %dma_start3A_26 = arith.constant 0 : i32
      %dma_start3A_27 = arith.constant 0 : i32
      %dma_start3A_28 = tpu.memref_slice %arg3[%mul3A_2, %dma_start3A_26, %dma_start3A_27] : memref<320x8x128xi32, #tpu.memory_space<hbm>> -> memref<1x8x128xi32, #tpu.memory_space<hbm>>
      %dma_start3A_29 = tpu.memref_squeeze %dma_start3A_28 : memref<1x8x128xi32, #tpu.memory_space<hbm>> -> memref<8x128xi32, #tpu.memory_space<hbm>>
      %dma_start3A_30 = arith.constant 0 : i32
      %dma_start3A_31 = arith.constant 0 : i32
      %dma_start3A_32 = tpu.memref_slice %arg3[%mul3A_2, %dma_start3A_30, %dma_start3A_31] : memref<320x8x128xi32, #tpu.memory_space<hbm>> -> memref<1x8x128xi32, #tpu.memory_space<hbm>>
      %dma_start3A_33 = tpu.memref_squeeze %dma_start3A_32 : memref<1x8x128xi32, #tpu.memory_space<hbm>> -> memref<8x128xi32, #tpu.memory_space<hbm>>
      tpu.enqueue_dma source(%dma_start3A_33 : memref<8x128xi32, #tpu.memory_space<hbm>>) target(%arg6 : memref<8x128xi32, #tpu.memory_space<vmem>>) target_semaphore(%run_scoped3A : memref<!tpu.dma_semaphore, #tpu.memory_space<semaphore_mem>>)
      %dma_wait3A = arith.constant 0 : i32
      %dma_wait3A_34 = arith.constant 0 : i32
      %dma_wait3A_35 = tpu.memref_slice %arg3[%mul3A_2, %dma_wait3A, %dma_wait3A_34] : memref<320x8x128xi32, #tpu.memory_space<hbm>> -> memref<1x8x128xi32, #tpu.memory_space<hbm>>
      %dma_wait3A_36 = tpu.memref_squeeze %dma_wait3A_35 : memref<1x8x128xi32, #tpu.memory_space<hbm>> -> memref<8x128xi32, #tpu.memory_space<hbm>>
      %dma_wait3A_37 = arith.constant 0 : i32
      %dma_wait3A_38 = arith.constant 0 : i32
      %dma_wait3A_39 = tpu.memref_slice %arg3[%mul3A_2, %dma_wait3A_37, %dma_wait3A_38] : memref<320x8x128xi32, #tpu.memory_space<hbm>> -> memref<1x8x128xi32, #tpu.memory_space<hbm>>
      %dma_wait3A_40 = tpu.memref_squeeze %dma_wait3A_39 : memref<1x8x128xi32, #tpu.memory_space<hbm>> -> memref<8x128xi32, #tpu.memory_space<hbm>>
      tpu.wait_dma2 semaphore(%run_scoped3A : memref<!tpu.dma_semaphore, #tpu.memory_space<semaphore_mem>>) src(%dma_wait3A_40 : memref<8x128xi32, #tpu.memory_space<hbm>>) dst(%arg6 : memref<8x128xi32, #tpu.memory_space<vmem>>)
      tpu.yield
    }) : () -> ()
    %add3A_3 = arith.constant 1 : i32
    %add3A_4 = arith.addi %mul3A_2, %add3A_3 : i32
    %dma_start3A = arith.constant 0 : i32
    %dma_start3A_5 = arith.constant 0 : i32
    %dma_start3A_6 = tpu.memref_slice %arg3[%add3A_4, %dma_start3A, %dma_start3A_5] : memref<320x8x128xi32, #tpu.memory_space<hbm>> -> memref<1x8x128xi32, #tpu.memory_space<hbm>>
    %dma_start3A_7 = tpu.memref_squeeze %dma_start3A_6 : memref<1x8x128xi32, #tpu.memory_space<hbm>> -> memref<8x128xi32, #tpu.memory_space<hbm>>
    %dma_start3A_8 = arith.constant 0 : i32
    %dma_start3A_9 = arith.constant 0 : i32
    %dma_start3A_10 = tpu.memref_slice %arg3[%add3A_4, %dma_start3A_8, %dma_start3A_9] : memref<320x8x128xi32, #tpu.memory_space<hbm>> -> memref<1x8x128xi32, #tpu.memory_space<hbm>>
    %dma_start3A_11 = tpu.memref_squeeze %dma_start3A_10 : memref<1x8x128xi32, #tpu.memory_space<hbm>> -> memref<8x128xi32, #tpu.memory_space<hbm>>
    tpu.enqueue_dma source(%dma_start3A_11 : memref<8x128xi32, #tpu.memory_space<hbm>>) target(%arg7 : memref<8x128xi32, #tpu.memory_space<vmem>>) target_semaphore(%arg10 : memref<!tpu.dma_semaphore, #tpu.memory_space<semaphore_mem>>)
    %mul3A_12 = arith.constant 640 : i32
    %mul3A_13 = arith.muli %arg1, %mul3A_12 : i32
    %mul3A_14 = arith.constant 640 : i32
    %mul3A_15 = arith.muli %arg1, %mul3A_14 : i32
    "tpu.region"() ({
      %run_scoped3A = tpu.sem_alloc : memref<!tpu.dma_semaphore, #tpu.memory_space<semaphore_mem>>
      %dma_start3A_26 = arith.constant 0 : i32
      %dma_start3A_27 = tpu.memref_slice %arg9[%mul3A_15, %dma_start3A_26] : memref<10240x128xf32, #tpu.memory_space<vmem_shared>> -> memref<640x128xf32, #tpu.memory_space<vmem_shared>>
      %dma_start3A_28 = arith.constant 0 : i32
      %dma_start3A_29 = tpu.memref_slice %arg4[%mul3A_13, %dma_start3A_28] : memref<10240x128xf32, #tpu.memory_space<hbm>> -> memref<640x128xf32, #tpu.memory_space<hbm>>
      tpu.enqueue_dma source(%dma_start3A_29 : memref<640x128xf32, #tpu.memory_space<hbm>>) target(%dma_start3A_27 : memref<640x128xf32, #tpu.memory_space<vmem_shared>>) target_semaphore(%run_scoped3A : memref<!tpu.dma_semaphore, #tpu.memory_space<semaphore_mem>>)
      %dma_wait3A = arith.constant 0 : i32
      %dma_wait3A_30 = tpu.memref_slice %arg9[%mul3A_15, %dma_wait3A] : memref<10240x128xf32, #tpu.memory_space<vmem_shared>> -> memref<640x128xf32, #tpu.memory_space<vmem_shared>>
      %dma_wait3A_31 = arith.constant 0 : i32
      %dma_wait3A_32 = tpu.memref_slice %arg4[%mul3A_13, %dma_wait3A_31] : memref<10240x128xf32, #tpu.memory_space<hbm>> -> memref<640x128xf32, #tpu.memory_space<hbm>>
      tpu.wait_dma2 semaphore(%run_scoped3A : memref<!tpu.dma_semaphore, #tpu.memory_space<semaphore_mem>>) src(%dma_wait3A_32 : memref<640x128xf32, #tpu.memory_space<hbm>>) dst(%dma_wait3A_30 : memref<640x128xf32, #tpu.memory_space<vmem_shared>>)
      tpu.yield
    }) : () -> ()
    %barrier3A = arith.constant 0 : index
    tpu.barrier barrier_id(%barrier3A)
    %scan3A = arith.constant 0 : i32
    %scan3A_16 = arith.constant 0 : i32
    %scan3A_17 = arith.constant 5 : i32
    %scan3A_18 = arith.addi %scan3A_16, %scan3A_17 : i32
    %scan3A_19 = arith.constant 1 : i32
    scf.for %scan3A_26 = %scan3A_16 to %scan3A_18 step %scan3A_19  : i32 {
      %mul3A_27 = arith.constant 2 : i32
      %mul3A_28 = arith.muli %mul3A_27, %scan3A_26 : i32
      %scan3A_29 = arith.constant 0 : i32
      %scan3A_30 = arith.constant 0 : i32
      %scan3A_31 = arith.constant 8 : i32
      %scan3A_32 = arith.addi %scan3A_30, %scan3A_31 : i32
      %scan3A_33 = arith.constant 1 : i32
      scf.for %scan3A_70 = %scan3A_30 to %scan3A_32 step %scan3A_33  : i32 {
        "tpu.region"() ({
          %run_scoped3A = tpu.sem_alloc : memref<!tpu.dma_semaphore, #tpu.memory_space<semaphore_mem>>
          %dma_start3A_71 = arith.constant 0 : i32
          %dma_start3A_72 = tpu.memref_slice %arg6[%scan3A_70, %dma_start3A_71] : memref<8x128xi32, #tpu.memory_space<vmem>> -> memref<1x128xi32, #tpu.memory_space<vmem>>
          %dma_start3A_73 = tpu.memref_squeeze %dma_start3A_72 : memref<1x128xi32, #tpu.memory_space<vmem>> -> memref<128xi32, #tpu.memory_space<vmem>>
          %dma_start3A_74 = arith.constant 0 : i32
          %dma_start3A_75 = arith.constant 0 : i32
          %dma_start3A_76 = tpu.memref_slice %arg9[%dma_start3A_74, %dma_start3A_75] : memref<10240x128xf32, #tpu.memory_space<vmem_shared>> -> memref<10240x128xf32, #tpu.memory_space<vmem_shared>>
          tpu.enqueue_indirect_dma source(%arg8 : memref<128x128xf32, #tpu.memory_space<vmem>>) target(%dma_start3A_76 : memref<10240x128xf32, #tpu.memory_space<vmem_shared>>) offsets(%dma_start3A_73 : memref<128xi32, #tpu.memory_space<vmem>>) semaphore(%run_scoped3A : memref<!tpu.dma_semaphore, #tpu.memory_space<semaphore_mem>>) {add = true}
          %dma_wait3A = arith.constant 0 : i32
          %dma_wait3A_77 = tpu.memref_slice %arg6[%scan3A_70, %dma_wait3A] : memref<8x128xi32, #tpu.memory_space<vmem>> -> memref<1x128xi32, #tpu.memory_space<vmem>>
          %dma_wait3A_78 = tpu.memref_squeeze %dma_wait3A_77 : memref<1x128xi32, #tpu.memory_space<vmem>> -> memref<128xi32, #tpu.memory_space<vmem>>
          %dma_wait3A_79 = arith.constant 0 : i32
          %dma_wait3A_80 = arith.constant 0 : i32
          %dma_wait3A_81 = tpu.memref_slice %arg9[%dma_wait3A_79, %dma_wait3A_80] : memref<10240x128xf32, #tpu.memory_space<vmem_shared>> -> memref<10240x128xf32, #tpu.memory_space<vmem_shared>>
          tpu.wait_indirect_dma semaphore(%run_scoped3A : memref<!tpu.dma_semaphore, #tpu.memory_space<semaphore_mem>>) src(%arg8 : memref<128x128xf32, #tpu.memory_space<vmem>>) dst(%dma_wait3A_81 : memref<10240x128xf32, #tpu.memory_space<vmem_shared>>)
          tpu.yield
        }) : () -> ()
      }
      %scan3A_34 = arith.constant 8 : i32
      %add3A_35 = arith.constant 1 : i32
      %add3A_36 = arith.addi %mul3A_28, %add3A_35 : i32
      %lt3A = arith.constant 10 : i32
      %lt3A_37 = arith.cmpi slt, %add3A_36, %lt3A : i32
      %convert_element_type3A = arith.extui %lt3A_37 : i1 to i32
      %cond3A = arith.constant 0 : i32
      %cond3A_38 = arith.cmpi ne, %convert_element_type3A, %cond3A : i32
      scf.if %cond3A_38 {
        %dma_wait3A = arith.constant 0 : i32
        %dma_wait3A_70 = arith.constant 0 : i32
        %dma_wait3A_71 = tpu.memref_slice %arg3[%mul3A_2, %dma_wait3A, %dma_wait3A_70] : memref<320x8x128xi32, #tpu.memory_space<hbm>> -> memref<1x8x128xi32, #tpu.memory_space<hbm>>
        %dma_wait3A_72 = tpu.memref_squeeze %dma_wait3A_71 : memref<1x8x128xi32, #tpu.memory_space<hbm>> -> memref<8x128xi32, #tpu.memory_space<hbm>>
        %dma_wait3A_73 = arith.constant 0 : i32
        %dma_wait3A_74 = arith.constant 0 : i32
        %dma_wait3A_75 = tpu.memref_slice %arg3[%mul3A_2, %dma_wait3A_73, %dma_wait3A_74] : memref<320x8x128xi32, #tpu.memory_space<hbm>> -> memref<1x8x128xi32, #tpu.memory_space<hbm>>
        %dma_wait3A_76 = tpu.memref_squeeze %dma_wait3A_75 : memref<1x8x128xi32, #tpu.memory_space<hbm>> -> memref<8x128xi32, #tpu.memory_space<hbm>>
        tpu.wait_dma2 semaphore(%arg10 : memref<!tpu.dma_semaphore, #tpu.memory_space<semaphore_mem>>) src(%dma_wait3A_76 : memref<8x128xi32, #tpu.memory_space<hbm>>) dst(%arg7 : memref<8x128xi32, #tpu.memory_space<vmem>>)
      } else {
      }
      %add3A_39 = arith.constant 2 : i32
      %add3A_40 = arith.addi %mul3A_28, %add3A_39 : i32
      %lt3A_41 = arith.constant 10 : i32
      %lt3A_42 = arith.cmpi slt, %add3A_40, %lt3A_41 : i32
      %convert_element_type3A_43 = arith.extui %lt3A_42 : i1 to i32
      %cond3A_44 = arith.constant 0 : i32
      %cond3A_45 = arith.cmpi ne, %convert_element_type3A_43, %cond3A_44 : i32
      scf.if %cond3A_45 {
        %add3A_70 = arith.addi %mul3A_2, %mul3A_28 : i32
        %add3A_71 = arith.constant 2 : i32
        %add3A_72 = arith.addi %add3A_70, %add3A_71 : i32
        %dma_start3A_73 = arith.constant 0 : i32
        %dma_start3A_74 = arith.constant 0 : i32
        %dma_start3A_75 = tpu.memref_slice %arg3[%add3A_72, %dma_start3A_73, %dma_start3A_74] : memref<320x8x128xi32, #tpu.memory_space<hbm>> -> memref<1x8x128xi32, #tpu.memory_space<hbm>>
        %dma_start3A_76 = tpu.memref_squeeze %dma_start3A_75 : memref<1x8x128xi32, #tpu.memory_space<hbm>> -> memref<8x128xi32, #tpu.memory_space<hbm>>
        %dma_start3A_77 = arith.constant 0 : i32
        %dma_start3A_78 = arith.constant 0 : i32
        %dma_start3A_79 = tpu.memref_slice %arg3[%add3A_72, %dma_start3A_77, %dma_start3A_78] : memref<320x8x128xi32, #tpu.memory_space<hbm>> -> memref<1x8x128xi32, #tpu.memory_space<hbm>>
        %dma_start3A_80 = tpu.memref_squeeze %dma_start3A_79 : memref<1x8x128xi32, #tpu.memory_space<hbm>> -> memref<8x128xi32, #tpu.memory_space<hbm>>
        tpu.enqueue_dma source(%dma_start3A_80 : memref<8x128xi32, #tpu.memory_space<hbm>>) target(%arg6 : memref<8x128xi32, #tpu.memory_space<vmem>>) target_semaphore(%arg10 : memref<!tpu.dma_semaphore, #tpu.memory_space<semaphore_mem>>)
      } else {
      }
      %mul3A_46 = arith.constant 2 : i32
      %mul3A_47 = arith.muli %mul3A_46, %scan3A_26 : i32
      %add3A_48 = arith.constant 1 : i32
      %add3A_49 = arith.addi %mul3A_47, %add3A_48 : i32
      %scan3A_50 = arith.constant 0 : i32
      %scan3A_51 = arith.constant 0 : i32
      %scan3A_52 = arith.constant 8 : i32
      %scan3A_53 = arith.addi %scan3A_51, %scan3A_52 : i32
      %scan3A_54 = arith.constant 1 : i32
      scf.for %scan3A_70 = %scan3A_51 to %scan3A_53 step %scan3A_54  : i32 {
        "tpu.region"() ({
          %run_scoped3A = tpu.sem_alloc : memref<!tpu.dma_semaphore, #tpu.memory_space<semaphore_mem>>
          %dma_start3A_71 = arith.constant 0 : i32
          %dma_start3A_72 = tpu.memref_slice %arg7[%scan3A_70, %dma_start3A_71] : memref<8x128xi32, #tpu.memory_space<vmem>> -> memref<1x128xi32, #tpu.memory_space<vmem>>
          %dma_start3A_73 = tpu.memref_squeeze %dma_start3A_72 : memref<1x128xi32, #tpu.memory_space<vmem>> -> memref<128xi32, #tpu.memory_space<vmem>>
          %dma_start3A_74 = arith.constant 0 : i32
          %dma_start3A_75 = arith.constant 0 : i32
          %dma_start3A_76 = tpu.memref_slice %arg9[%dma_start3A_74, %dma_start3A_75] : memref<10240x128xf32, #tpu.memory_space<vmem_shared>> -> memref<10240x128xf32, #tpu.memory_space<vmem_shared>>
          tpu.enqueue_indirect_dma source(%arg8 : memref<128x128xf32, #tpu.memory_space<vmem>>) target(%dma_start3A_76 : memref<10240x128xf32, #tpu.memory_space<vmem_shared>>) offsets(%dma_start3A_73 : memref<128xi32, #tpu.memory_space<vmem>>) semaphore(%run_scoped3A : memref<!tpu.dma_semaphore, #tpu.memory_space<semaphore_mem>>) {add = true}
          %dma_wait3A = arith.constant 0 : i32
          %dma_wait3A_77 = tpu.memref_slice %arg7[%scan3A_70, %dma_wait3A] : memref<8x128xi32, #tpu.memory_space<vmem>> -> memref<1x128xi32, #tpu.memory_space<vmem>>
          %dma_wait3A_78 = tpu.memref_squeeze %dma_wait3A_77 : memref<1x128xi32, #tpu.memory_space<vmem>> -> memref<128xi32, #tpu.memory_space<vmem>>
          %dma_wait3A_79 = arith.constant 0 : i32
          %dma_wait3A_80 = arith.constant 0 : i32
          %dma_wait3A_81 = tpu.memref_slice %arg9[%dma_wait3A_79, %dma_wait3A_80] : memref<10240x128xf32, #tpu.memory_space<vmem_shared>> -> memref<10240x128xf32, #tpu.memory_space<vmem_shared>>
          tpu.wait_indirect_dma semaphore(%run_scoped3A : memref<!tpu.dma_semaphore, #tpu.memory_space<semaphore_mem>>) src(%arg8 : memref<128x128xf32, #tpu.memory_space<vmem>>) dst(%dma_wait3A_81 : memref<10240x128xf32, #tpu.memory_space<vmem_shared>>)
          tpu.yield
        }) : () -> ()
      }
      %scan3A_55 = arith.constant 8 : i32
      %add3A_56 = arith.constant 1 : i32
      %add3A_57 = arith.addi %add3A_49, %add3A_56 : i32
      %lt3A_58 = arith.constant 10 : i32
      %lt3A_59 = arith.cmpi slt, %add3A_57, %lt3A_58 : i32
      %convert_element_type3A_60 = arith.extui %lt3A_59 : i1 to i32
      %cond3A_61 = arith.constant 0 : i32
      %cond3A_62 = arith.cmpi ne, %convert_element_type3A_60, %cond3A_61 : i32
      scf.if %cond3A_62 {
        %dma_wait3A = arith.constant 0 : i32
        %dma_wait3A_70 = arith.constant 0 : i32
        %dma_wait3A_71 = tpu.memref_slice %arg3[%mul3A_2, %dma_wait3A, %dma_wait3A_70] : memref<320x8x128xi32, #tpu.memory_space<hbm>> -> memref<1x8x128xi32, #tpu.memory_space<hbm>>
        %dma_wait3A_72 = tpu.memref_squeeze %dma_wait3A_71 : memref<1x8x128xi32, #tpu.memory_space<hbm>> -> memref<8x128xi32, #tpu.memory_space<hbm>>
        %dma_wait3A_73 = arith.constant 0 : i32
        %dma_wait3A_74 = arith.constant 0 : i32
        %dma_wait3A_75 = tpu.memref_slice %arg3[%mul3A_2, %dma_wait3A_73, %dma_wait3A_74] : memref<320x8x128xi32, #tpu.memory_space<hbm>> -> memref<1x8x128xi32, #tpu.memory_space<hbm>>
        %dma_wait3A_76 = tpu.memref_squeeze %dma_wait3A_75 : memref<1x8x128xi32, #tpu.memory_space<hbm>> -> memref<8x128xi32, #tpu.memory_space<hbm>>
        tpu.wait_dma2 semaphore(%arg10 : memref<!tpu.dma_semaphore, #tpu.memory_space<semaphore_mem>>) src(%dma_wait3A_76 : memref<8x128xi32, #tpu.memory_space<hbm>>) dst(%arg6 : memref<8x128xi32, #tpu.memory_space<vmem>>)
      } else {
      }
      %add3A_63 = arith.constant 2 : i32
      %add3A_64 = arith.addi %add3A_49, %add3A_63 : i32
      %lt3A_65 = arith.constant 10 : i32
      %lt3A_66 = arith.cmpi slt, %add3A_64, %lt3A_65 : i32
      %convert_element_type3A_67 = arith.extui %lt3A_66 : i1 to i32
      %cond3A_68 = arith.constant 0 : i32
      %cond3A_69 = arith.cmpi ne, %convert_element_type3A_67, %cond3A_68 : i32
      scf.if %cond3A_69 {
        %add3A_70 = arith.addi %mul3A_2, %add3A_49 : i32
        %add3A_71 = arith.constant 2 : i32
        %add3A_72 = arith.addi %add3A_70, %add3A_71 : i32
        %dma_start3A_73 = arith.constant 0 : i32
        %dma_start3A_74 = arith.constant 0 : i32
        %dma_start3A_75 = tpu.memref_slice %arg3[%add3A_72, %dma_start3A_73, %dma_start3A_74] : memref<320x8x128xi32, #tpu.memory_space<hbm>> -> memref<1x8x128xi32, #tpu.memory_space<hbm>>
        %dma_start3A_76 = tpu.memref_squeeze %dma_start3A_75 : memref<1x8x128xi32, #tpu.memory_space<hbm>> -> memref<8x128xi32, #tpu.memory_space<hbm>>
        %dma_start3A_77 = arith.constant 0 : i32
        %dma_start3A_78 = arith.constant 0 : i32
        %dma_start3A_79 = tpu.memref_slice %arg3[%add3A_72, %dma_start3A_77, %dma_start3A_78] : memref<320x8x128xi32, #tpu.memory_space<hbm>> -> memref<1x8x128xi32, #tpu.memory_space<hbm>>
        %dma_start3A_80 = tpu.memref_squeeze %dma_start3A_79 : memref<1x8x128xi32, #tpu.memory_space<hbm>> -> memref<8x128xi32, #tpu.memory_space<hbm>>
        tpu.enqueue_dma source(%dma_start3A_80 : memref<8x128xi32, #tpu.memory_space<hbm>>) target(%arg7 : memref<8x128xi32, #tpu.memory_space<vmem>>) target_semaphore(%arg10 : memref<!tpu.dma_semaphore, #tpu.memory_space<semaphore_mem>>)
      } else {
      }
    }
    %scan3A_20 = arith.constant 5 : i32
    %barrier3A_21 = arith.constant 0 : index
    tpu.barrier barrier_id(%barrier3A_21)
    %mul3A_22 = arith.constant 640 : i32
    %mul3A_23 = arith.muli %arg1, %mul3A_22 : i32
    %mul3A_24 = arith.constant 640 : i32
    %mul3A_25 = arith.muli %arg1, %mul3A_24 : i32
    "tpu.region"() ({
      %run_scoped3A = tpu.sem_alloc : memref<!tpu.dma_semaphore, #tpu.memory_space<semaphore_mem>>
      %dma_start3A_26 = arith.constant 0 : i32
      %dma_start3A_27 = tpu.memref_slice %arg5[%arg0, %mul3A_25, %dma_start3A_26] : memref<2x10240x128xf32, #tpu.memory_space<hbm>> -> memref<1x640x128xf32, #tpu.memory_space<hbm>>
      %dma_start3A_28 = tpu.memref_squeeze %dma_start3A_27 : memref<1x640x128xf32, #tpu.memory_space<hbm>> -> memref<640x128xf32, #tpu.memory_space<hbm>>
      %dma_start3A_29 = arith.constant 0 : i32
      %dma_start3A_30 = tpu.memref_slice %arg9[%mul3A_23, %dma_start3A_29] : memref<10240x128xf32, #tpu.memory_space<vmem_shared>> -> memref<640x128xf32, #tpu.memory_space<vmem_shared>>
      tpu.enqueue_dma source(%dma_start3A_30 : memref<640x128xf32, #tpu.memory_space<vmem_shared>>) target(%dma_start3A_28 : memref<640x128xf32, #tpu.memory_space<hbm>>) target_semaphore(%run_scoped3A : memref<!tpu.dma_semaphore, #tpu.memory_space<semaphore_mem>>)
      %dma_wait3A = arith.constant 0 : i32
      %dma_wait3A_31 = tpu.memref_slice %arg5[%arg0, %mul3A_25, %dma_wait3A] : memref<2x10240x128xf32, #tpu.memory_space<hbm>> -> memref<1x640x128xf32, #tpu.memory_space<hbm>>
      %dma_wait3A_32 = tpu.memref_squeeze %dma_wait3A_31 : memref<1x640x128xf32, #tpu.memory_space<hbm>> -> memref<640x128xf32, #tpu.memory_space<hbm>>
      %dma_wait3A_33 = arith.constant 0 : i32
      %dma_wait3A_34 = tpu.memref_slice %arg9[%mul3A_23, %dma_wait3A_33] : memref<10240x128xf32, #tpu.memory_space<vmem_shared>> -> memref<640x128xf32, #tpu.memory_space<vmem_shared>>
      tpu.wait_dma2 semaphore(%run_scoped3A : memref<!tpu.dma_semaphore, #tpu.memory_space<semaphore_mem>>) src(%dma_wait3A_34 : memref<640x128xf32, #tpu.memory_space<vmem_shared>>) dst(%dma_wait3A_32 : memref<640x128xf32, #tpu.memory_space<hbm>>)
      tpu.yield
    }) : () -> ()
    return
  }
}

module attributes {stable_mosaic.version = 14 : i64} {
  func.func @_stage_a_body(%arg0: i32, %arg1: memref<1024x128xf32, #tpu.memory_space<vmem>>, %arg2: memref<128x128xf32, #tpu.memory_space<vmem>>, %arg3: memref<1024x128xf32, #tpu.memory_space<vmem>>, %arg4: memref<1024x128xf32, #tpu.memory_space<vmem>>, %arg5: memref<1024x128xf32, #tpu.memory_space<vmem>>, %arg6: memref<1024x128xf32, #tpu.memory_space<vmem>>) attributes {dimension_semantics = [#tpu.dimension_semantics<arbitrary>], iteration_bounds = array<i64: 10>, scalar_prefetch = 0 : i64, scratch_operands = 0 : i64, tpu.core_type = #tpu.core_type<tc>, window_params = [{transform_indices = @transform_0, window_bounds = array<i64: 1024, 128>}, {pipeline_mode = #tpu.pipeline_mode<synchronous>, transform_indices = @transform_1, window_bounds = array<i64: 128, 128>}, {transform_indices = @transform_2, window_bounds = array<i64: 1024, 128>}, {transform_indices = @transform_3, window_bounds = array<i64: 1024, 128>}, {transform_indices = @transform_4, window_bounds = array<i64: 1024, 128>}, {transform_indices = @transform_5, window_bounds = array<i64: 1024, 128>}]} {
    %get3A = arith.constant 0 : index
    %get3A_0 = arith.constant 0 : index
    %get3A_1 = vector.load %arg3[%get3A, %get3A_0] : memref<1024x128xf32, #tpu.memory_space<vmem>>, vector<1024x1xf32>
    %get3A_2 = arith.constant 0 : index
    %get3A_3 = arith.constant 0 : index
    %get3A_4 = vector.load %arg4[%get3A_2, %get3A_3] : memref<1024x128xf32, #tpu.memory_space<vmem>>, vector<1024x1xf32>
    %add3A = arith.addf %get3A_1, %get3A_4 : vector<1024x1xf32>
    %add3A_5 = arith.constant 1.000000e+00 : f32
    %add3A_6 = vector.broadcast %add3A_5 : f32 to vector<1024x1xf32>
    %add3A_7 = arith.addf %add3A, %add3A_6 : vector<1024x1xf32>
    %rsqrt3A = math.rsqrt %add3A_7 : vector<1024x1xf32>
    %broadcast_in_dim3A = vector.shape_cast %rsqrt3A : vector<1024x1xf32> to vector<1024x1xf32>
    %broadcast_in_dim3A_8 = vector.broadcast %broadcast_in_dim3A : vector<1024x1xf32> to vector<1024x128xf32>
    %swap3A = arith.constant 0 : index
    %swap3A_9 = arith.constant 0 : index
    %swap3A_10 = vector.load %arg6[%swap3A, %swap3A_9] : memref<1024x128xf32, #tpu.memory_space<vmem>>, vector<1024x128xf32>
    tpu.vector_store %arg6[%swap3A, %swap3A_9], %broadcast_in_dim3A_8 {strides = array<i32>} : memref<1024x128xf32, #tpu.memory_space<vmem>>, vector<1024x128xf32>,
    %get3A_11 = arith.constant 0 : index
    %get3A_12 = arith.constant 0 : index
    %get3A_13 = vector.load %arg1[%get3A_11, %get3A_12] : memref<1024x128xf32, #tpu.memory_space<vmem>>, vector<1024x128xf32>
    %get3A_14 = arith.constant 0 : index
    %get3A_15 = arith.constant 0 : index
    %get3A_16 = vector.load %arg2[%get3A_14, %get3A_15] : memref<128x128xf32, #tpu.memory_space<vmem>>, vector<128x128xf32>
    %dot_general3A = arith.constant dense<0.000000e+00> : vector<1024x128xf32>
    %dot_general3A_17 = tpu.matmul %get3A_13, %get3A_16, %dot_general3A {dimension_numbers = #tpu.dot_dimension_numbers<[1], [0], [0], [1], [0, 0, 1, 1], [], []>, transpose_lhs_hint = false} : vector<1024x128xf32>, vector<128x128xf32>, vector<1024x128xf32> -> vector<1024x128xf32>
    %mul3A = arith.mulf %dot_general3A_17, %broadcast_in_dim3A_8 : vector<1024x128xf32>
    %swap3A_18 = arith.constant 0 : index
    %swap3A_19 = arith.constant 0 : index
    %swap3A_20 = vector.load %arg5[%swap3A_18, %swap3A_19] : memref<1024x128xf32, #tpu.memory_space<vmem>>, vector<1024x128xf32>
    tpu.vector_store %arg5[%swap3A_18, %swap3A_19], %mul3A {strides = array<i32>} : memref<1024x128xf32, #tpu.memory_space<vmem>>, vector<1024x128xf32>,
    return
  }
  func.func @transform_0(%arg0: i32) -> (i32, i32) {
    %c0_i32 = arith.constant 0 : i32
    %c0_i32_0 = arith.constant 0 : i32
    return %arg0, %c0_i32 : i32, i32
  }
  func.func @transform_1(%arg0: i32) -> (i32, i32) {
    %c0_i32 = arith.constant 0 : i32
    %c0_i32_0 = arith.constant 0 : i32
    %c0_i32_1 = arith.constant 0 : i32
    return %c0_i32, %c0_i32_0 : i32, i32
  }
  func.func @transform_2(%arg0: i32) -> (i32, i32) {
    %c0_i32 = arith.constant 0 : i32
    %c0_i32_0 = arith.constant 0 : i32
    return %arg0, %c0_i32 : i32, i32
  }
  func.func @transform_3(%arg0: i32) -> (i32, i32) {
    %c0_i32 = arith.constant 0 : i32
    %c0_i32_0 = arith.constant 0 : i32
    return %arg0, %c0_i32 : i32, i32
  }
  func.func @transform_4(%arg0: i32) -> (i32, i32) {
    %c0_i32 = arith.constant 0 : i32
    %c0_i32_0 = arith.constant 0 : i32
    return %arg0, %c0_i32 : i32, i32
  }
  func.func @transform_5(%arg0: i32) -> (i32, i32) {
    %c0_i32 = arith.constant 0 : i32
    %c0_i32_0 = arith.constant 0 : i32
    return %arg0, %c0_i32 : i32, i32
  }
}

module attributes {stable_mosaic.version = 14 : i64} {
  func.func @_stage_b_body(%arg0: i32, %arg1: memref<1024x128xf32, #tpu.memory_space<vmem>>, %arg2: memref<1024x128xf32, #tpu.memory_space<vmem>>, %arg3: memref<1024x128xf32, #tpu.memory_space<vmem>>, %arg4: memref<1024x128xf32, #tpu.memory_space<vmem>>, %arg5: memref<128x128xf32, #tpu.memory_space<vmem>>, %arg6: memref<1x128xf32, #tpu.memory_space<vmem>>, %arg7: memref<1024x128xf32, #tpu.memory_space<vmem>>) attributes {dimension_semantics = [#tpu.dimension_semantics<arbitrary>], iteration_bounds = array<i64: 10>, scalar_prefetch = 0 : i64, scratch_operands = 0 : i64, tpu.core_type = #tpu.core_type<tc>, window_params = [{transform_indices = @transform_0, window_bounds = array<i64: 1024, 128>}, {transform_indices = @transform_1, window_bounds = array<i64: 1024, 128>}, {transform_indices = @transform_2, window_bounds = array<i64: 1024, 128>}, {transform_indices = @transform_3, window_bounds = array<i64: 1024, 128>}, {pipeline_mode = #tpu.pipeline_mode<synchronous>, transform_indices = @transform_4, window_bounds = array<i64: 128, 128>}, {pipeline_mode = #tpu.pipeline_mode<synchronous>, transform_indices = @transform_5, window_bounds = array<i64: 1, 128>}, {transform_indices = @transform_6, window_bounds = array<i64: 1024, 128>}]} {
    %get3A = arith.constant 0 : index
    %get3A_0 = arith.constant 0 : index
    %get3A_1 = vector.load %arg4[%get3A, %get3A_0] : memref<1024x128xf32, #tpu.memory_space<vmem>>, vector<1024x128xf32>
    %get3A_2 = arith.constant 0 : index
    %get3A_3 = arith.constant 0 : index
    %get3A_4 = vector.load %arg1[%get3A_2, %get3A_3] : memref<1024x128xf32, #tpu.memory_space<vmem>>, vector<1024x128xf32>
    %get3A_5 = arith.constant 0 : index
    %get3A_6 = arith.constant 0 : index
    %get3A_7 = vector.load %arg2[%get3A_5, %get3A_6] : memref<1024x128xf32, #tpu.memory_space<vmem>>, vector<1024x128xf32>
    %add3A = arith.addf %get3A_4, %get3A_7 : vector<1024x128xf32>
    %get3A_8 = arith.constant 0 : index
    %get3A_9 = arith.constant 0 : index
    %get3A_10 = vector.load %arg3[%get3A_8, %get3A_9] : memref<1024x128xf32, #tpu.memory_space<vmem>>, vector<1024x128xf32>
    %add3A_11 = arith.addf %add3A, %get3A_10 : vector<1024x128xf32>
    %mul3A = arith.mulf %get3A_1, %add3A_11 : vector<1024x128xf32>
    %get3A_12 = arith.constant 0 : index
    %get3A_13 = arith.constant 0 : index
    %get3A_14 = vector.load %arg6[%get3A_12, %get3A_13] : memref<1x128xf32, #tpu.memory_space<vmem>>, vector<1x128xf32>
    %add3A_15 = vector.broadcast %get3A_14 : vector<1x128xf32> to vector<1024x128xf32>
    %add3A_16 = arith.addf %mul3A, %add3A_15 : vector<1024x128xf32>
    %logistic3A = arith.negf %add3A_16 : vector<1024x128xf32>
    %logistic3A_17 = math.exp %logistic3A : vector<1024x128xf32>
    %logistic3A_18 = arith.constant 1.000000e+00 : f32
    %logistic3A_19 = vector.broadcast %logistic3A_18 : f32 to vector<1024x128xf32>
    %logistic3A_20 = arith.addf %logistic3A_19, %logistic3A_17 : vector<1024x128xf32>
    %logistic3A_21 = arith.divf %logistic3A_19, %logistic3A_20 : vector<1024x128xf32>
    %get3A_22 = arith.constant 0 : index
    %get3A_23 = arith.constant 0 : index
    %get3A_24 = vector.load %arg5[%get3A_22, %get3A_23] : memref<128x128xf32, #tpu.memory_space<vmem>>, vector<128x128xf32>
    %dot_general3A = arith.constant dense<0.000000e+00> : vector<1024x128xf32>
    %dot_general3A_25 = tpu.matmul %logistic3A_21, %get3A_24, %dot_general3A {dimension_numbers = #tpu.dot_dimension_numbers<[1], [0], [0], [1], [0, 0, 1, 1], [], []>, transpose_lhs_hint = false} : vector<1024x128xf32>, vector<128x128xf32>, vector<1024x128xf32> -> vector<1024x128xf32>
    %mul3A_26 = arith.mulf %dot_general3A_25, %get3A_1 : vector<1024x128xf32>
    %swap3A = arith.constant 0 : index
    %swap3A_27 = arith.constant 0 : index
    %swap3A_28 = vector.load %arg7[%swap3A, %swap3A_27] : memref<1024x128xf32, #tpu.memory_space<vmem>>, vector<1024x128xf32>
    tpu.vector_store %arg7[%swap3A, %swap3A_27], %mul3A_26 {strides = array<i32>} : memref<1024x128xf32, #tpu.memory_space<vmem>>, vector<1024x128xf32>,
    return
  }
  func.func @transform_0(%arg0: i32) -> (i32, i32) {
    %c0_i32 = arith.constant 0 : i32
    %c0_i32_0 = arith.constant 0 : i32
    return %arg0, %c0_i32 : i32, i32
  }
  func.func @transform_1(%arg0: i32) -> (i32, i32) {
    %c0_i32 = arith.constant 0 : i32
    %c0_i32_0 = arith.constant 0 : i32
    return %arg0, %c0_i32 : i32, i32
  }
  func.func @transform_2(%arg0: i32) -> (i32, i32) {
    %c0_i32 = arith.constant 0 : i32
    %c0_i32_0 = arith.constant 0 : i32
    return %arg0, %c0_i32 : i32, i32
  }
  func.func @transform_3(%arg0: i32) -> (i32, i32) {
    %c0_i32 = arith.constant 0 : i32
    %c0_i32_0 = arith.constant 0 : i32
    return %arg0, %c0_i32 : i32, i32
  }
  func.func @transform_4(%arg0: i32) -> (i32, i32) {
    %c0_i32 = arith.constant 0 : i32
    %c0_i32_0 = arith.constant 0 : i32
    %c0_i32_1 = arith.constant 0 : i32
    return %c0_i32, %c0_i32_0 : i32, i32
  }
  func.func @transform_5(%arg0: i32) -> (i32, i32) {
    %c0_i32 = arith.constant 0 : i32
    %c0_i32_0 = arith.constant 0 : i32
    %c0_i32_1 = arith.constant 0 : i32
    return %c0_i32, %c0_i32_0 : i32, i32
  }
  func.func @transform_6(%arg0: i32) -> (i32, i32) {
    %c0_i32 = arith.constant 0 : i32
    %c0_i32_0 = arith.constant 0 : i32
    return %arg0, %c0_i32 : i32, i32
  }
}

module attributes {stable_mosaic.version = 14 : i64} {
  func.func @_stage_c_body(%arg0: i32, %arg1: memref<1024x128xf32, #tpu.memory_space<vmem>>, %arg2: memref<1024x128xf32, #tpu.memory_space<vmem>>, %arg3: memref<1024x128xf32, #tpu.memory_space<vmem>>, %arg4: memref<1024x128xf32, #tpu.memory_space<vmem>>, %arg5: memref<1x128xf32, #tpu.memory_space<vmem>>, %arg6: memref<128x128xf32, #tpu.memory_space<vmem>>, %arg7: memref<1x128xf32, #tpu.memory_space<vmem>>, %arg8: memref<1x128xf32, #tpu.memory_space<vmem>>, %arg9: memref<1x128xf32, #tpu.memory_space<vmem>>, %arg10: memref<128x128xf32, #tpu.memory_space<vmem>>, %arg11: memref<1x128xf32, #tpu.memory_space<vmem>>, %arg12: memref<1024x128xf32, #tpu.memory_space<vmem>>) attributes {dimension_semantics = [#tpu.dimension_semantics<arbitrary>], iteration_bounds = array<i64: 10>, scalar_prefetch = 0 : i64, scratch_operands = 0 : i64, tpu.core_type = #tpu.core_type<tc>, window_params = [{transform_indices = @transform_0, window_bounds = array<i64: 1024, 128>}, {transform_indices = @transform_1, window_bounds = array<i64: 1024, 128>}, {transform_indices = @transform_2, window_bounds = array<i64: 1024, 128>}, {transform_indices = @transform_3, window_bounds = array<i64: 1024, 128>}, {pipeline_mode = #tpu.pipeline_mode<synchronous>, transform_indices = @transform_4, window_bounds = array<i64: 1, 128>}, {pipeline_mode = #tpu.pipeline_mode<synchronous>, transform_indices = @transform_5, window_bounds = array<i64: 128, 128>}, {pipeline_mode = #tpu.pipeline_mode<synchronous>, transform_indices = @transform_6, window_bounds = array<i64: 1, 128>}, {pipeline_mode = #tpu.pipeline_mode<synchronous>, transform_indices = @transform_7, window_bounds = array<i64: 1, 128>}, {pipeline_mode = #tpu.pipeline_mode<synchronous>, transform_indices = @transform_8, window_bounds = array<i64: 1, 128>}, {pipeline_mode = #tpu.pipeline_mode<synchronous>, transform_indices = @transform_9, window_bounds = array<i64: 128, 128>}, {pipeline_mode = #tpu.pipeline_mode<synchronous>, transform_indices = @transform_10, window_bounds = array<i64: 1, 128>}, {transform_indices = @transform_11, window_bounds = array<i64: 1024, 128>}]} {
    %get3A = arith.constant 0 : index
    %get3A_0 = arith.constant 0 : index
    %get3A_1 = vector.load %arg4[%get3A, %get3A_0] : memref<1024x128xf32, #tpu.memory_space<vmem>>, vector<1024x128xf32>
    %get3A_2 = arith.constant 0 : index
    %get3A_3 = arith.constant 0 : index
    %get3A_4 = vector.load %arg1[%get3A_2, %get3A_3] : memref<1024x128xf32, #tpu.memory_space<vmem>>, vector<1024x128xf32>
    %get3A_5 = arith.constant 0 : index
    %get3A_6 = arith.constant 0 : index
    %get3A_7 = vector.load %arg2[%get3A_5, %get3A_6] : memref<1024x128xf32, #tpu.memory_space<vmem>>, vector<1024x128xf32>
    %add3A = arith.addf %get3A_4, %get3A_7 : vector<1024x128xf32>
    %get3A_8 = arith.constant 0 : index
    %get3A_9 = arith.constant 0 : index
    %get3A_10 = vector.load %arg3[%get3A_8, %get3A_9] : memref<1024x128xf32, #tpu.memory_space<vmem>>, vector<1024x128xf32>
    %add3A_11 = arith.addf %add3A, %get3A_10 : vector<1024x128xf32>
    %mul3A = arith.mulf %get3A_1, %add3A_11 : vector<1024x128xf32>
    %get3A_12 = arith.constant 0 : index
    %get3A_13 = arith.constant 0 : index
    %get3A_14 = vector.load %arg5[%get3A_12, %get3A_13] : memref<1x128xf32, #tpu.memory_space<vmem>>, vector<1x128xf32>
    %add3A_15 = vector.broadcast %get3A_14 : vector<1x128xf32> to vector<1024x128xf32>
    %add3A_16 = arith.addf %mul3A, %add3A_15 : vector<1024x128xf32>
    %max3A = arith.constant 0.000000e+00 : f32
    %max3A_17 = vector.broadcast %max3A : f32 to vector<1024x128xf32>
    %max3A_18 = arith.maximumf %add3A_16, %max3A_17 : vector<1024x128xf32>
    %get3A_19 = arith.constant 0 : index
    %get3A_20 = arith.constant 0 : index
    %get3A_21 = vector.load %arg6[%get3A_19, %get3A_20] : memref<128x128xf32, #tpu.memory_space<vmem>>, vector<128x128xf32>
    %dot_general3A = arith.constant dense<0.000000e+00> : vector<1024x128xf32>
    %dot_general3A_22 = tpu.matmul %max3A_18, %get3A_21, %dot_general3A {dimension_numbers = #tpu.dot_dimension_numbers<[1], [0], [0], [1], [0, 0, 1, 1], [], []>, transpose_lhs_hint = false} : vector<1024x128xf32>, vector<128x128xf32>, vector<1024x128xf32> -> vector<1024x128xf32>
    %get3A_23 = arith.constant 0 : index
    %get3A_24 = arith.constant 0 : index
    %get3A_25 = vector.load %arg7[%get3A_23, %get3A_24] : memref<1x128xf32, #tpu.memory_space<vmem>>, vector<1x128xf32>
    %add3A_26 = vector.broadcast %get3A_25 : vector<1x128xf32> to vector<1024x128xf32>
    %add3A_27 = arith.addf %dot_general3A_22, %add3A_26 : vector<1024x128xf32>
    %reduce_sum3A = arith.constant dense<0.000000e+00> : vector<1024xf32>
    %reduce_sum3A_28 = vector.multi_reduction <add>, %add3A_27, %reduce_sum3A [1] : vector<1024x128xf32> to vector<1024xf32>
    %broadcast_in_dim3A = vector.shape_cast %reduce_sum3A_28 : vector<1024xf32> to vector<1024x1xf32>
    %div3A = arith.constant 1.280000e+02 : f32
    %div3A_29 = vector.broadcast %div3A : f32 to vector<1024x1xf32>
    %div3A_30 = arith.divf %broadcast_in_dim3A, %div3A_29 : vector<1024x1xf32>
    %sub3A = vector.broadcast %div3A_30 : vector<1024x1xf32> to vector<1024x128xf32>
    %sub3A_31 = arith.subf %add3A_27, %sub3A : vector<1024x128xf32>
    %integer_pow3A = arith.mulf %sub3A_31, %sub3A_31 : vector<1024x128xf32>
    %reduce_sum3A_32 = arith.constant dense<0.000000e+00> : vector<1024xf32>
    %reduce_sum3A_33 = vector.multi_reduction <add>, %integer_pow3A, %reduce_sum3A_32 [1] : vector<1024x128xf32> to vector<1024xf32>
    %broadcast_in_dim3A_34 = vector.shape_cast %reduce_sum3A_33 : vector<1024xf32> to vector<1024x1xf32>
    %div3A_35 = arith.constant 1.280000e+02 : f32
    %div3A_36 = vector.broadcast %div3A_35 : f32 to vector<1024x1xf32>
    %div3A_37 = arith.divf %broadcast_in_dim3A_34, %div3A_36 : vector<1024x1xf32>
    %sub3A_38 = vector.broadcast %div3A_30 : vector<1024x1xf32> to vector<1024x128xf32>
    %sub3A_39 = arith.subf %add3A_27, %sub3A_38 : vector<1024x128xf32>
    %add3A_40 = arith.constant 9.99999974E-6 : f32
    %add3A_41 = vector.broadcast %add3A_40 : f32 to vector<1024x1xf32>
    %add3A_42 = arith.addf %div3A_37, %add3A_41 : vector<1024x1xf32>
    %rsqrt3A = math.rsqrt %add3A_42 : vector<1024x1xf32>
    %mul3A_43 = vector.broadcast %rsqrt3A : vector<1024x1xf32> to vector<1024x128xf32>
    %mul3A_44 = arith.mulf %sub3A_39, %mul3A_43 : vector<1024x128xf32>
    %get3A_45 = arith.constant 0 : index
    %get3A_46 = arith.constant 0 : index
    %get3A_47 = vector.load %arg8[%get3A_45, %get3A_46] : memref<1x128xf32, #tpu.memory_space<vmem>>, vector<1x128xf32>
    %mul3A_48 = vector.broadcast %get3A_47 : vector<1x128xf32> to vector<1024x128xf32>
    %mul3A_49 = arith.mulf %mul3A_44, %mul3A_48 : vector<1024x128xf32>
    %get3A_50 = arith.constant 0 : index
    %get3A_51 = arith.constant 0 : index
    %get3A_52 = vector.load %arg9[%get3A_50, %get3A_51] : memref<1x128xf32, #tpu.memory_space<vmem>>, vector<1x128xf32>
    %add3A_53 = vector.broadcast %get3A_52 : vector<1x128xf32> to vector<1024x128xf32>
    %add3A_54 = arith.addf %mul3A_49, %add3A_53 : vector<1024x128xf32>
    %get3A_55 = arith.constant 0 : index
    %get3A_56 = arith.constant 0 : index
    %get3A_57 = vector.load %arg10[%get3A_55, %get3A_56] : memref<128x128xf32, #tpu.memory_space<vmem>>, vector<128x128xf32>
    %dot_general3A_58 = arith.constant dense<0.000000e+00> : vector<1024x128xf32>
    %dot_general3A_59 = tpu.matmul %add3A_54, %get3A_57, %dot_general3A_58 {dimension_numbers = #tpu.dot_dimension_numbers<[1], [0], [0], [1], [0, 0, 1, 1], [], []>, transpose_lhs_hint = false} : vector<1024x128xf32>, vector<128x128xf32>, vector<1024x128xf32> -> vector<1024x128xf32>
    %get3A_60 = arith.constant 0 : index
    %get3A_61 = arith.constant 0 : index
    %get3A_62 = vector.load %arg11[%get3A_60, %get3A_61] : memref<1x128xf32, #tpu.memory_space<vmem>>, vector<1x128xf32>
    %add3A_63 = vector.broadcast %get3A_62 : vector<1x128xf32> to vector<1024x128xf32>
    %add3A_64 = arith.addf %dot_general3A_59, %add3A_63 : vector<1024x128xf32>
    %reduce_max3A = arith.constant dense<0xFF800000> : vector<1024xf32>
    %reduce_max3A_65 = vector.multi_reduction <maximumf>, %add3A_64, %reduce_max3A [1] : vector<1024x128xf32> to vector<1024xf32>
    %broadcast_in_dim3A_66 = vector.shape_cast %reduce_max3A_65 : vector<1024xf32> to vector<1024x1xf32>
    %sub3A_67 = vector.broadcast %broadcast_in_dim3A_66 : vector<1024x1xf32> to vector<1024x128xf32>
    %sub3A_68 = arith.subf %add3A_64, %sub3A_67 : vector<1024x128xf32>
    %exp3A = math.exp %sub3A_68 : vector<1024x128xf32>
    %reduce_sum3A_69 = arith.constant dense<0.000000e+00> : vector<1024xf32>
    %reduce_sum3A_70 = vector.multi_reduction <add>, %exp3A, %reduce_sum3A_69 [1] : vector<1024x128xf32> to vector<1024xf32>
    %broadcast_in_dim3A_71 = vector.shape_cast %reduce_sum3A_70 : vector<1024xf32> to vector<1024x1xf32>
    %div3A_72 = vector.broadcast %broadcast_in_dim3A_71 : vector<1024x1xf32> to vector<1024x128xf32>
    %div3A_73 = arith.divf %exp3A, %div3A_72 : vector<1024x128xf32>
    %swap3A = arith.constant 0 : index
    %swap3A_74 = arith.constant 0 : index
    %swap3A_75 = vector.load %arg12[%swap3A, %swap3A_74] : memref<1024x128xf32, #tpu.memory_space<vmem>>, vector<1024x128xf32>
    tpu.vector_store %arg12[%swap3A, %swap3A_74], %div3A_73 {strides = array<i32>} : memref<1024x128xf32, #tpu.memory_space<vmem>>, vector<1024x128xf32>,
    return
  }
  func.func @transform_0(%arg0: i32) -> (i32, i32) {
    %c0_i32 = arith.constant 0 : i32
    %c0_i32_0 = arith.constant 0 : i32
    return %arg0, %c0_i32 : i32, i32
  }
  func.func @transform_1(%arg0: i32) -> (i32, i32) {
    %c0_i32 = arith.constant 0 : i32
    %c0_i32_0 = arith.constant 0 : i32
    return %arg0, %c0_i32 : i32, i32
  }
  func.func @transform_2(%arg0: i32) -> (i32, i32) {
    %c0_i32 = arith.constant 0 : i32
    %c0_i32_0 = arith.constant 0 : i32
    return %arg0, %c0_i32 : i32, i32
  }
  func.func @transform_3(%arg0: i32) -> (i32, i32) {
    %c0_i32 = arith.constant 0 : i32
    %c0_i32_0 = arith.constant 0 : i32
    return %arg0, %c0_i32 : i32, i32
  }
  func.func @transform_4(%arg0: i32) -> (i32, i32) {
    %c0_i32 = arith.constant 0 : i32
    %c0_i32_0 = arith.constant 0 : i32
    %c0_i32_1 = arith.constant 0 : i32
    return %c0_i32, %c0_i32_0 : i32, i32
  }
  func.func @transform_5(%arg0: i32) -> (i32, i32) {
    %c0_i32 = arith.constant 0 : i32
    %c0_i32_0 = arith.constant 0 : i32
    %c0_i32_1 = arith.constant 0 : i32
    return %c0_i32, %c0_i32_0 : i32, i32
  }
  func.func @transform_6(%arg0: i32) -> (i32, i32) {
    %c0_i32 = arith.constant 0 : i32
    %c0_i32_0 = arith.constant 0 : i32
    %c0_i32_1 = arith.constant 0 : i32
    return %c0_i32, %c0_i32_0 : i32, i32
  }
  func.func @transform_7(%arg0: i32) -> (i32, i32) {
    %c0_i32 = arith.constant 0 : i32
    %c0_i32_0 = arith.constant 0 : i32
    %c0_i32_1 = arith.constant 0 : i32
    return %c0_i32, %c0_i32_0 : i32, i32
  }
  func.func @transform_8(%arg0: i32) -> (i32, i32) {
    %c0_i32 = arith.constant 0 : i32
    %c0_i32_0 = arith.constant 0 : i32
    %c0_i32_1 = arith.constant 0 : i32
    return %c0_i32, %c0_i32_0 : i32, i32
  }
  func.func @transform_9(%arg0: i32) -> (i32, i32) {
    %c0_i32 = arith.constant 0 : i32
    %c0_i32_0 = arith.constant 0 : i32
    %c0_i32_1 = arith.constant 0 : i32
    return %c0_i32, %c0_i32_0 : i32, i32
  }
  func.func @transform_10(%arg0: i32) -> (i32, i32) {
    %c0_i32 = arith.constant 0 : i32
    %c0_i32_0 = arith.constant 0 : i32
    %c0_i32_1 = arith.constant 0 : i32
    return %c0_i32, %c0_i32_0 : i32, i32
  }
  func.func @transform_11(%arg0: i32) -> (i32, i32) {
    %c0_i32 = arith.constant 0 : i32
    %c0_i32_0 = arith.constant 0 : i32
    return %arg0, %c0_i32 : i32, i32
  }
}

</mosaic_0001>

<sc_bundles>
// kernel: kernel.11.cloned.1.call-start
scs
__scs_entry_jumppad:
0x0: {  	(pc) =	sbr.rel $0x88, $3  }
0x1: {  	(tag) =	ssettag $0x0;
	lr =	simm.s32 $0x1  }
0x2: {  	[smem:$0x3F95] =	sst lr;
	_ =	strace $0xD0000000  }
0x3: {  	_ = 	snop  }
0x4: {  	_ = 	snop  }
0x5: {  	_ = 	snop  }
0x6: {  	_ = 	snop  }
0x7: {  	_ = 	snop  }
__scs_overlays_trampoline_lowered:
0x8: {  	[smem:$0x3FA4] =	sst s0  }
0x9: {  	[smem:$0x3FA5] =	sst s1  }
0xa: {  	[smem:$0x3FA6] =	sst s2  }
0xb: {  	[smem:$0x3FA7] =	sst s3  }
0xc: {  	[smem:$0x3FA8] =	sst s4  }
0xd: {  	[smem:$0x3FA9] =	sst s5  }
0xe: {  	[smem:$0x3FAA] =	sst s6  }
0xf: {  	[smem:$0x3FAB] =	sst s7  }
0x10: {  	[smem:$0x3FAC] =	sst s8  }
0x11: {  	[smem:$0x3FAD] =	sst s9;
	s0 =	simm.s32 @!p0 $0x0  }
0x12: {  	s1 =	sld [smem:$0x3F93];
	s0 =	simm.s32 @p0 $0x1  }
0x13: {  	[smem:$0x3FAE] =	sst s0;
	s0 =	simm.s32 @!p1 $0x0  }
0x14: {  	s2 =	sld [smem:$0x3F92];
	s0 =	simm.s32 @p1 $0x1  }
0x15: {  	[smem:$0x3FAF] =	sst s0;
	s0 =	simm.s32 @!p2 $0x0  }
0x16: {  	s3 =	sld [smem:$0x3FDB];
	s0 =	simm.s32 @p2 $0x1  }
0x17: {  	s4 =	simm.s32 $0x1BF5;
	[smem:$0x3FB1] =	sst s0  }
0x18: {  	s0 =	sld [smem:$0x3F94];
	_ =	swait.ge [sflag:s4], $0x0  }
0x19: {  	s7 =	sld [smem:$0x3F95]  }
0x1a: {  	s8 =	sadd.s32 $0xFFFFE003, lr  }
0x1b: {  	s9 =	sadd.s32 $0xFFFFFEF7, lr;
	s5 =	simm.s32 $0xFFFFFFFF;
	p2 =	slt.u32 s8, $0xFFFFF086  }
0x1c: {  	p1 =	slt.u32 s9, $0xF7A;
	s5 =	simm.s32 @!p2 $0x0  }
0x1d: {  	s5 =	simm.s32 @p1 $0x1;
	p0 =	seq.s32 s7, s2  }
0x1e: {  	s7 =	smul.u32 @!p0 $0xF7A, s2;
	p2 =	seq.s32 @!p0 s5, $0x0  }
0x1f: {  	s9 =	smul.u32 $0xF7A, s1;
	s8 =	simm.s32 @!p0 $0x1BF5;
	p2 =	por !p2, p0  }
0x20: {  	[sflag:s8] =	ssyncset.s32 @!p0 $0xFFFFF086;
	s6 =	sadd.s32 @!p0 s3, s7;
	s7 =	simm.s32 @!p0 $0x108  }
0x21: {  	s3 =	sadd.s32 s3, s9;
	s6 =	sadd.s32 @!p0 $0x88, s6;
	s7 =	simm.s32 @p2 $0x1082  }
0x22: {  	[simem:s7], [sflag:s8] =	dma.local @!p0 [hbm:s6], $0xF7A  }
0x23: {  	s9 =	sor.u32 $0xD0000000, s2;
	s6 =	simm.s32 $0x108;
	_ =	swait.ge @!p0 [sflag:s8], $0x0  }
0x24: {  	s3 =	sadd.s32 $0x88, s3;
	s6 =	simm.s32 @!p1 $0x1082;
	[sflag:s4] =	ssyncset.s32 $0xFFFFF086  }
0x25: {  	[simem:s6], [sflag:s4] =	dma.local [hbm:s3], $0xF7A  }
0x26: {  	[smem:$0x3F95] =	sst s1;
	(tag) =	ssettag s2;
	_ =	strace s9  }
0x27: {  	s1 =	sld [smem:$0x3FA5]  }
0x28: {  	s2 =	sld [smem:$0x3FA6]  }
0x29: {  	s4 =	sld [smem:$0x3FA8]  }
0x2a: {  	p0 =	seq.s32 s5, $0x0;
	s5 =	sld [smem:$0x3FA9]  }
0x2b: {  	s6 =	sld [smem:$0x3FAA]  }
0x2c: {  	s7 =	sld [smem:$0x3FAB]  }
0x2d: {  	s3 =	simm.s32 $0x108;
	s8 =	sld [smem:$0x3FAC]  }
0x2e: {  	s3 =	simm.s32 @!p0 $0x1082;
	s9 =	sld [smem:$0x3FAD]  }
0x2f: {  	lr =	sadd.s32 s0, s3;
	s0 =	sld [smem:$0x3FA4]  }
0x30: {  	s3 =	sld [smem:$0x3FA7]  }
0x31: {  	[smem:$0x3FB0] =	sst s10  }
0x32: {  	s10 =	sld [smem:$0x3FAE];
	_ =	sdelay $0x3  }
0x33: {  	p0 =	seq.s32 s10, $0x1;
	s10 =	sld [smem:$0x3FB0];
	_ =	sdelay $0x3  }
0x34: {  	[smem:$0x3FB0] =	sst s10  }
0x35: {  	s10 =	sld [smem:$0x3FAF];
	_ =	sdelay $0x3  }
0x36: {  	p1 =	seq.s32 s10, $0x1;
	s10 =	sld [smem:$0x3FB0];
	_ =	sdelay $0x3  }
0x37: {  	[smem:$0x3FB0] =	sst s10  }
0x38: {  	s10 =	sld [smem:$0x3FB1]  }
0x39: {  	_ = 	snop;
	(pc) =	sbr.ind lr, $3  }
0x3a: {  	_ = 	snop  }
0x3b: {  	_ = 	snop  }
0x3c: {  	p2 =	seq.s32 s10, $0x1;
	s10 =	sld [smem:$0x3FB0]  }
0x3d: {  	_ =	shalt  }
0x3e: {  	_ =	shalt  }
0x3f: {  	_ =	shalt  }
0x40: {  	_ =	shalt  }
0x41: {  	_ =	shalt  }
0x42: {  	_ =	shalt  }
0x43: {  	_ =	shalt  }
0x44: {  	_ =	shalt  }
0x45: {  	_ =	shalt  }
0x46: {  	_ =	shalt  }
0x47: {  	_ =	shalt  }
0x48: {  	_ =	shalt  }
0x49: {  	_ =	shalt  }
0x4a: {  	_ =	shalt  }
0x4b: {  	_ =	shalt  }
0x4c: {  	_ =	shalt  }
0x4d: {  	_ =	shalt  }
0x4e: {  	_ =	shalt  }
0x4f: {  	_ =	shalt  }
0x50: {  	_ =	shalt  }
0x51: {  	_ =	shalt  }
0x52: {  	_ =	shalt  }
0x53: {  	_ =	shalt  }
0x54: {  	_ =	shalt  }
0x55: {  	_ =	shalt  }
0x56: {  	_ =	shalt  }
0x57: {  	_ =	shalt  }
0x58: {  	_ =	shalt  }
0x59: {  	_ =	shalt  }
0x5a: {  	_ =	shalt  }
0x5b: {  	_ =	shalt  }
0x5c: {  	_ =	shalt  }
0x5d: {  	_ =	shalt  }
0x5e: {  	_ =	shalt  }
0x5f: {  	_ =	shalt  }
0x60: {  	_ =	shalt  }
0x61: {  	_ =	shalt  }
0x62: {  	_ =	shalt  }
0x63: {  	_ =	shalt  }
0x64: {  	_ =	shalt  }
0x65: {  	_ =	shalt  }
0x66: {  	_ =	shalt  }
0x67: {  	_ =	shalt  }
0x68: {  	_ =	shalt  }
0x69: {  	_ =	shalt  }
0x6a: {  	_ =	shalt  }
0x6b: {  	_ =	shalt  }
0x6c: {  	_ =	shalt  }
0x6d: {  	_ =	shalt  }
0x6e: {  	_ =	shalt  }
0x6f: {  	_ =	shalt  }
0x70: {  	_ =	shalt  }
0x71: {  	_ =	shalt  }
0x72: {  	_ =	shalt  }
0x73: {  	_ =	shalt  }
0x74: {  	_ =	shalt  }
0x75: {  	_ =	shalt  }
0x76: {  	_ =	shalt  }
0x77: {  	_ =	shalt  }
0x78: {  	_ =	shalt  }
0x79: {  	_ =	shalt  }
0x7a: {  	_ =	shalt  }
0x7b: {  	_ =	shalt  }
0x7c: {  	_ =	shalt  }
0x7d: {  	_ =	shalt  }
0x7e: {  	_ =	shalt  }
0x7f: {  	_ =	shalt  }
0x80: {  	_ =	shalt  }
0x81: {  	_ =	shalt  }
0x82: {  	_ =	shalt  }
0x83: {  	_ =	shalt  }
0x84: {  	_ =	shalt  }
0x85: {  	_ =	shalt  }
0x86: {  	_ =	shalt  }
0x87: {  	_ =	shalt  }
.Lfunc_end0:
.L_simem_size_0:
called_computation.1_lowered:
.L_overlay_start_0:
0x88: {  	s2 =	sld [smem:$0x3FD9]  }
0x89: {  	s3 =	sld [smem:$0x3FFE];
	_ =	sdelay $0x1  }
0x8a: {  	s1 =	srdreg.scid  }
0x8b: {  	s0 =	sand.u32 $0x1, s1  }
0x8c: {  	s16 =	sshll.u32 s0, $0xA;
	s2 =	sadd.s32 s3, s2  }
0x8d: {  	s2 =	sadd.s32 s2, s16  }
0x8e: {  	[smem:$0x3FBC] =	sst s2  }
0x8f: {  	_ = 	snop  }
0x90: {  	(tm) =	ssettm $0x1  }
0x91: {  	s17 =	sld [smem:$0x3FFB];
	_ =	sdelay $0x3  }
0x92: {  	_ =	strace s17  }
0x93: {  	s2 =	sld [smem:$0x3FFC];
	_ =	sdelay $0x3  }
0x94: {  	_ =	strace s2  }
0x95: {  	s2 =	sld [smem:$0x3FFD];
	_ =	sdelay $0x3  }
0x96: {  	_ =	strace s2  }
0x97: {  	_ =	strace $0x8FFFFFFF  }
0x98: {  	s18 =	sld [smem:$0x3FDB];
	_ =	sdelay $0x1  }
0x99: {  	s19 =	simm.s32 $_scs_section_size  }
0x9a: {  	s4 =	simm.s32 $_size__tile_overlayer_lowered;
	s5 =	simm.s32 $_tile_overlayer_lowered  }
0x9b: {  	s22 =	simm.s32 $0x1BFF;
	s21 =	sshll.u32 s5, $0x1;
	s2 =	sadd.s32 s19, s18  }
0x9c: {  	s6 =	simm.s32 $0x0;
	s20 =	sshll.u32 s4, $0x1;
	s4 =	sadd.s32 s21, s2  }
0x9d: {  	[timem:s6], [sflag:s22] =	dma.local [hbm:s4], s20  }
0x9e: {  	_ =	swait.ge [sflag:s22], s20  }
0x9f: {  	s3 =	ssub.s32 $0x0, s20;
	[sflag:s22] =	ssyncset.done $0x0  }
0xa0: {  	[sflag:s22] =	ssyncadd.s32 s3;
	_ =	sdelay $0x1  }
0xa1: {  	s23 =	simm.s32 $0x1B8B  }
0xa2: {  	_ =	swait.ge [sflag:s23], $0x1  }
0xa3: {  	[sflag:s23] =	ssyncset.done $0x0  }
0xa4: {  	s25 =	simm.s32 $0x1B8E;
	s24 =	sld [smem:$0x3FFE];
	[sflag:s23] =	ssyncadd.s32 $0xFFFFFFFF  }
0xa5: {  	s26 =	simm.s32 $execute0_lowered;
	[smem:$0x3FD2] =	sst s25  }
0xa6: {  	s4 =	sshll.u32 s26, $0x1;
	_ =	strace $0x80000049;
	[dreg:$0x1] =	wrdreg $0xFFFFFFFF  }
0xa7: {  	s28 =	simm.s32 $_size_execute0_lowered;
	s2 =	sadd.s32 s2, s4;
	[dreg:$0x0] =	wrdreg $0x0  }
0xa8: {  	s4 =	sshll.u32 s28, $0x1;
	[dreg:$0x2] =	wrdreg s2  }
0xa9: {  	[dreg:$0x3] =	wrdreg s4  }
0xaa: {  	[dreg:$0x4] =	wrdreg $0xC0  }
0xab: {  	_ =	task [dreg:s6], $0x5FFFF  }
0xac: {  	[dreg:$0x1] =	wrdreg $0xFFFFFFFF  }
0xad: {  	[dreg:$0x0] =	wrdreg $0x60  }
0xae: {  	[dreg:$0x2] =	wrdreg s24  }
0xaf: {  	[dreg:$0x3] =	wrdreg $0x90000  }
0xb0: {  	[dreg:$0x4] =	wrdreg $0x9  }
0xb1: {  	_ =	task.clear_ibuf [dreg:s6], $0x5FFFF;
	_ =	strace $0x90000049  }
0xb2: {  	s29 =	simm.s32 $0x9;
	_ =	strace $0x8000004B  }
0xb3: {  	_ =	swait.ge [sflag:s29], $0x1  }
0xb4: {  	[sflag:s29] =	ssyncadd.s32 $0xFFFFFFFF  }
0xb5: {  	_ =	strace $0x9000004B  }
0xb6: {  	_ =	sfence  }
0xb7: {  	s30 =	sld [smem:$0x0];
	_ =	sdelay $0x2  }
0xb8: {  	s31 =	sshll.u32 s1, $0xD;
	s1 =	sshrl.u32 s1, $0x2  }
0xb9: {  	s3 =	sand.u32 $0x4000, s31;
	s1 =	sadd.s32 s1, s30  }
0xba: {  	s0 =	sor.u32 s3, s0;
	s1 =	sshll.u32 s1, $0x11  }
0xbb: {  	s0 =	sor.u32 s1, s0  }
0xbc: {  	s0 =	sadd.s32 $0x8F2B, s0  }
0xbd: {  	[sflag:s0] =	ssyncadd.remote.s32 $0x1  }
0xbe: {  	_ =	sfence.sel $0xFFFF  }
0xbf: {  	[dreg:$0x0] =	wrdreg $0xFFFFFFFF;
	(pc) =	sbr.abs _section_cstart, $3  }
0xc0: {  	[dreg:$0x1] =	wrdreg $0xFFFFFFFF  }
0xc1: {  	_ =	task.clear_ibuf [dreg:s6], $0x2FFFF;
	_ =	strace $0x9FFFFFFF  }
0xc2: {  	(tm) =	ssettm $0x7FFFFFFF  }
0xc3: {  	_ =	shalt  }
tec
execute0_lowered:
.L_overlay_start_1:
0x0: {  	(tag) =	ssettag $0x1  }
0x1: {  	s0 =	rddreg [dreg:$0x0]  }
0x2: {  	s2 =	rddreg [dreg:$0x1]  }
0x3: {  	s3 =	simm.s32 $0x0;
	s15 =	stileid.u32;
	s5 =	srdreg.scid  }
0x4: {  	s14 =	simm.s32 $0x4;
	s16 =	simm.s32 $0x800;
	s28 =	simm.s32 $0xD80  }
0x5: {  	s29 =	simm.s32 $0xA80;
	s30 =	simm.s32 $0xE00;
	s31 =	simm.s32 $0xB00  }
0x6: {  	[smem:$0x7FF] =	sst s3;
	s1 =	smul.u32 $0x14000, s15;
	s4 =	sadd.s32 $0x3FA00, s0  }
0x7: {  	s5 =	sand.u32 $0x1, s5;
	s6 =	sadd.s32 $0xDA00, s0;
	s19 =	smul.u32 $0x50000, s15  }
0x8: {  	s9 =	sadd.s32 $0x3A00, s0;
	s10 =	sshll.u32 s15, $0x1;
	s23 =	smul.u32 $0xA00, s15  }
0x9: {  	s26 =	sshll.u32 s15, $0x6;
	s15 =	simm.s32 $0x980;
	_ =	strace $0x8000004A  }
0xa: {  	s8 =	smul.u32 $0x140000, s5;
	s17 =	ssub.s32 $0x2, s5;
	s10 =	sor.u32 s5, s10  }
0xb: {  	s5 =	smul.u32 $0x500, s5;
	s7 =	sshrl.u32 s1, $0x3;
	s11 =	sshrl.u32 s17, $0x1  }
0xc: {  	s10 =	smul.u32 $0x500, s10;
	s24 =	sadd.s32 s23, s6;
	s25 =	sadd.s32 s23, s9  }
0xd: {  	s23 =	simm.s32 $0x1;
	s7 =	sadd.s32 s7, s0;
	s1 =	sadd.s32 s1, s8  }
0xe: {  	s18 =	ssub.s32 s17, s11;
	s8 =	sshrl.u32 s19, $0x2;
	s12 =	sadd.s32 s5, s24  }
0xf: {  	s13 =	sadd.s32 s5, s25;
	s17 =	simm.s32 $0xC00;
	s25 =	simm.s32 $0x2  }
0x10: {  	s19 =	simm.s32 $0xC80;
	s24 =	simm.s32 $0xD00;
	s5 =	simm.s32 $0xF00  }
0x11: {  	s1 =	sshrl.u32 s1, $0x3;
	s20 =	sadd.s32 s6, s10;
	s21 =	sadd.s32 s9, s10  }
0x12: {  	s10 =	sor.u32 $0x80, s10;
	s8 =	sadd.s32 s8, s2;
	[dreg:$0x3] =	wrdreg s20  }
0x13: {  	s7 =	sadd.s32 $0x17A00, s7;
	s0 =	sadd.s32 s1, s0;
	[dreg:$0x4] =	wrdreg s21  }
0x14: {  	s22 =	sadd.s32 s6, s10;
	s10 =	sadd.s32 s9, s10;
	[dreg:$0x7] =	wrdreg s7  }
0x15: {  	s1 =	smax.u32 s18, $0x1;
	s11 =	sshrl.u32 s8, $0x3;
	s20 =	simm.s32 $0x80  }
0x16: {  	s21 =	simm.s32 $0x1000;
	s9 =	simm.s32 $0x3;
	[dreg:$0x5] =	wrdreg s22  }
.Ltmp0:
0x17: {  	s18 =	simm.s32 $0x900;
	[dreg:$0x6] =	wrdreg s10;
	(pc) =	sbr.rel .LBB2_1-.Ltmp0, $4  }
0x18: {  	s6 =	simm.s32 $0xF80;
	s8 =	simm.s32 $0x0;
	[dreg:$0x9] =	wrdreg s1  }
0x19: {  	s0 =	sadd.s32 $0x8FA00, s0;
	s10 =	sor.u32 $0x1C04, s26;
	[dreg:$0xb] =	wrdreg s11  }
0x1a: {  	s22 =	simm.s32 $0x5000;
	s26 =	simm.s32 $0xA00;
	[dreg:$0x8] =	wrdreg s0  }
0x1b: {  	s1 =	simm.s32 $0xB80;
	s0 =	simm.s32 $0xE80;
	[dreg:$0xa] =	wrdreg s10  }
.LBB2_4:
0x1c: {  	_ =	swait.ge [sflag:s25], $0x4000  }
0x1d: {  	[sflag:s25] =	ssyncset.done $0x0  }
0x1e: {  	[sflag:s25] =	ssyncadd.s32 $0xFFFFC000  }
0x1f: {  	[spmem:s2] =	stream.indirect.scatter.add.f32 [tilespmem:s22], [sflag:$0x4], $0x80, s6, s20, $0xb8;
	[tilespmem:$0x1D000] =	vst v63  }
0x20: {  	_ =	swait.ge [sflag:s14], $0x4000  }
0x21: {  	[sflag:s14] =	ssyncset.done $0x0  }
0x22: {  	[sflag:s14] =	ssyncadd.s32 $0xFFFFC000  }
0x23: {  	[bflag:$0x0] =	sbarrier.arrive $0xFFFF  }
0x24: {  	s7 =	rddreg [dreg:$0x8]  }
0x25: {  	s10 =	rddreg [dreg:$0xa]  }
0x26: {  	s11 =	rddreg [dreg:$0xb]  }
0x27: {  	[hbm:s7], [sflag:s10] =	dma.local [spmem:s11], $0x2800  }
0x28: {  	_ =	swait.ge [sflag:s14], $0x2800  }
0x29: {  	s8 =	rddreg [dreg:$0xc]  }
0x2a: {  	s7 =	rddreg [dreg:$0x9];
	s8 =	sadd.s32 $0x1, s8  }
0x2b: {  	p0 =	sne.s32 s8, s7  }
.Ltmp1:
0x2c: {  	_ = 	snop;
	(pc) =	sbr.rel @!p0 .LBB2_5-.Ltmp1, $3  }
0x2d: {  	_ =	sdelay $0x1  }
0x2e: {  	[sflag:s14] =	ssyncset.done $0x0  }
0x2f: {  	[sflag:s14] =	ssyncadd.s32 $0xFFFFD800  }
.LBB2_1:
0x30: {  	[dreg:$0xc] =	wrdreg s8  }
0x31: {  	s7 =	rddreg [dreg:$0x3]  }
0x32: {  	[tilespmem:s3], [sflag:$0x4] =	stream.linear.gather [hbm4b:s7+s3], $0x400, $0x38;
	[tilespmem:$0x1D000] =	vst v63  }
0x33: {  	_ =	swait.ge [sflag:s14], $0x400  }
0x34: {  	[sflag:s14] =	ssyncset.done $0x0  }
0x35: {  	s8 =	simm.s32 $0x400;
	s7 =	rddreg [dreg:$0x4];
	[sflag:s14] =	ssyncadd.s32 $0xFFFFFC00  }
0x36: {  	[tilespmem:s8], [sflag:$0x4] =	stream.linear.gather [hbm4b:s7+s3], $0x400, $0x38;
	[tilespmem:$0x1D000] =	vst v63  }
0x37: {  	_ =	swait.ge [sflag:s14], $0x400  }
0x38: {  	[sflag:s14] =	ssyncset.done $0x0  }
0x39: {  	s8 =	rddreg [dreg:$0x5];
	[sflag:s14] =	ssyncadd.s32 $0xFFFFFC00  }
0x3a: {  	[tilespmem:s16], [sflag:$0x3] =	stream.linear.gather [hbm4b:s8+s3], $0x400, $0x38;
	[tilespmem:$0x1D000] =	vst v63  }
0x3b: {  	s8 =	rddreg [dreg:$0x6]  }
0x3c: {  	[tilespmem:s17], [sflag:$0x3] =	stream.linear.gather [hbm4b:s8+s3], $0x400, $0x38;
	[tilespmem:$0x1D000] =	vst v63  }
0x3d: {  	s8 =	rddreg [dreg:$0x7]  }
0x3e: {  	[spmem:s11], [sflag:s10] =	dma.local [hbm:s8], $0x2800  }
0x3f: {  	_ =	swait.ge [sflag:s14], $0x2800  }
0x40: {  	[sflag:s14] =	ssyncset.done $0x0  }
0x41: {  	[sflag:s14] =	ssyncadd.s32 $0xFFFFD800  }
0x42: {  	s7 =	simm.s32 $0x0;
	[bflag:$0x0] =	sbarrier.arrive $0xFFFF  }
0x43: {  	[tilespmem:s21], [sflag:$0x1] =	stream.indirect.gather [hbm4b:s4+s20], $0x80, s3, s20, $0xb8;
	[tilespmem:$0x1D000] =	vst v63  }
.LBB2_2:
0x44: {  	[tilespmem:s22], [sflag:$0x2] =	stream.indirect.gather [hbm4b:s4+s20], $0x80, s20, s20, $0xb8;
	[tilespmem:$0x1D000] =	vst v63  }
0x45: {  	_ =	swait.ge [sflag:s23], $0x4000  }
0x46: {  	[sflag:s23] =	ssyncset.done $0x0  }
0x47: {  	s8 =	simm.s32 $0x400;
	[sflag:s23] =	ssyncadd.s32 $0xFFFFC000  }
0x48: {  	[spmem:s2] =	stream.indirect.scatter.add.f32 [tilespmem:s21], [sflag:$0x4], $0x80, s8, s20, $0xb8;
	[tilespmem:$0x1D000] =	vst v63  }
0x49: {  	_ =	swait.ge [sflag:s14], $0x4000  }
0x4a: {  	[sflag:s14] =	ssyncset.done $0x0  }
0x4b: {  	s10 =	simm.s32 $0x100;
	[sflag:s14] =	ssyncadd.s32 $0xFFFFC000  }
0x4c: {  	[tilespmem:s21], [sflag:$0x1] =	stream.indirect.gather [hbm4b:s4+s20], $0x80, s10, s20, $0xb8;
	[tilespmem:$0x1D000] =	vst v63  }
0x4d: {  	_ =	swait.ge [sflag:s25], $0x4000  }
0x4e: {  	[sflag:s25] =	ssyncset.done $0x0  }
0x4f: {  	s11 =	simm.s32 $0x480;
	[sflag:s25] =	ssyncadd.s32 $0xFFFFC000  }
0x50: {  	[spmem:s2] =	stream.indirect.scatter.add.f32 [tilespmem:s22], [sflag:$0x4], $0x80, s11, s20, $0xb8;
	[tilespmem:$0x1D000] =	vst v63  }
0x51: {  	_ =	swait.ge [sflag:s14], $0x4000  }
0x52: {  	[sflag:s14] =	ssyncset.done $0x0  }
0x53: {  	s10 =	simm.s32 $0x180;
	[sflag:s14] =	ssyncadd.s32 $0xFFFFC000  }
0x54: {  	[tilespmem:s22], [sflag:$0x2] =	stream.indirect.gather [hbm4b:s4+s20], $0x80, s10, s20, $0xb8;
	[tilespmem:$0x1D000] =	vst v63  }
0x55: {  	_ =	swait.ge [sflag:s23], $0x4000  }
0x56: {  	[sflag:s23] =	ssyncset.done $0x0  }
0x57: {  	s11 =	simm.s32 $0x500;
	[sflag:s23] =	ssyncadd.s32 $0xFFFFC000  }
0x58: {  	[spmem:s2] =	stream.indirect.scatter.add.f32 [tilespmem:s21], [sflag:$0x4], $0x80, s11, s20, $0xb8;
	[tilespmem:$0x1D000] =	vst v63  }
0x59: {  	_ =	swait.ge [sflag:s14], $0x4000  }
0x5a: {  	[sflag:s14] =	ssyncset.done $0x0  }
0x5b: {  	s10 =	simm.s32 $0x200;
	[sflag:s14] =	ssyncadd.s32 $0xFFFFC000  }
0x5c: {  	[tilespmem:s21], [sflag:$0x1] =	stream.indirect.gather [hbm4b:s4+s20], $0x80, s10, s20, $0xb8;
	[tilespmem:$0x1D000] =	vst v63  }
0x5d: {  	_ =	swait.ge [sflag:s25], $0x4000  }
0x5e: {  	[sflag:s25] =	ssyncset.done $0x0  }
0x5f: {  	s11 =	simm.s32 $0x580;
	[sflag:s25] =	ssyncadd.s32 $0xFFFFC000  }
0x60: {  	[spmem:s2] =	stream.indirect.scatter.add.f32 [tilespmem:s22], [sflag:$0x4], $0x80, s11, s20, $0xb8;
	[tilespmem:$0x1D000] =	vst v63  }
0x61: {  	_ =	swait.ge [sflag:s14], $0x4000  }
0x62: {  	[sflag:s14] =	ssyncset.done $0x0  }
0x63: {  	s10 =	simm.s32 $0x280;
	[sflag:s14] =	ssyncadd.s32 $0xFFFFC000  }
0x64: {  	[tilespmem:s22], [sflag:$0x2] =	stream.indirect.gather [hbm4b:s4+s20], $0x80, s10, s20, $0xb8;
	[tilespmem:$0x1D000] =	vst v63  }
0x65: {  	_ =	swait.ge [sflag:s23], $0x4000  }
0x66: {  	[sflag:s23] =	ssyncset.done $0x0  }
0x67: {  	s11 =	simm.s32 $0x600;
	[sflag:s23] =	ssyncadd.s32 $0xFFFFC000  }
0x68: {  	[spmem:s2] =	stream.indirect.scatter.add.f32 [tilespmem:s21], [sflag:$0x4], $0x80, s11, s20, $0xb8;
	[tilespmem:$0x1D000] =	vst v63  }
0x69: {  	_ =	swait.ge [sflag:s14], $0x4000  }
0x6a: {  	[sflag:s14] =	ssyncset.done $0x0  }
0x6b: {  	s10 =	simm.s32 $0x300;
	[sflag:s14] =	ssyncadd.s32 $0xFFFFC000  }
0x6c: {  	[tilespmem:s21], [sflag:$0x1] =	stream.indirect.gather [hbm4b:s4+s20], $0x80, s10, s20, $0xb8;
	[tilespmem:$0x1D000] =	vst v63  }
0x6d: {  	_ =	swait.ge [sflag:s25], $0x4000  }
0x6e: {  	[sflag:s25] =	ssyncset.done $0x0  }
0x6f: {  	s11 =	simm.s32 $0x680;
	[sflag:s25] =	ssyncadd.s32 $0xFFFFC000  }
0x70: {  	[spmem:s2] =	stream.indirect.scatter.add.f32 [tilespmem:s22], [sflag:$0x4], $0x80, s11, s20, $0xb8;
	[tilespmem:$0x1D000] =	vst v63  }
0x71: {  	_ =	swait.ge [sflag:s14], $0x4000  }
0x72: {  	[sflag:s14] =	ssyncset.done $0x0  }
0x73: {  	s10 =	simm.s32 $0x380;
	[sflag:s14] =	ssyncadd.s32 $0xFFFFC000  }
0x74: {  	[tilespmem:s22], [sflag:$0x2] =	stream.indirect.gather [hbm4b:s4+s20], $0x80, s10, s20, $0xb8;
	[tilespmem:$0x1D000] =	vst v63  }
0x75: {  	_ =	swait.ge [sflag:s23], $0x4000  }
0x76: {  	[sflag:s23] =	ssyncset.done $0x0  }
0x77: {  	s11 =	simm.s32 $0x700;
	[sflag:s23] =	ssyncadd.s32 $0xFFFFC000  }
0x78: {  	[spmem:s2] =	stream.indirect.scatter.add.f32 [tilespmem:s21], [sflag:$0x4], $0x80, s11, s20, $0xb8;
	[tilespmem:$0x1D000] =	vst v63  }
0x79: {  	_ =	swait.ge [sflag:s14], $0x4000  }
0x7a: {  	[sflag:s14] =	ssyncset.done $0x0  }
0x7b: {  	[sflag:s14] =	ssyncadd.s32 $0xFFFFC000  }
0x7c: {  	_ =	swait.ge [sflag:s9], $0x400  }
0x7d: {  	[sflag:s9] =	ssyncset.done $0x0  }
0x7e: {  	[sflag:s9] =	ssyncadd.s32 $0xFFFFFC00  }
0x7f: {  	_ =	swait.ge [sflag:s9], $0x400  }
0x80: {  	[sflag:s9] =	ssyncset.done $0x0  }
0x81: {  	[sflag:s9] =	ssyncadd.s32 $0xFFFFFC00  }
0x82: {  	[tilespmem:s21], [sflag:$0x1] =	stream.indirect.gather [hbm4b:s4+s20], $0x80, s16, s20, $0xb8;
	[tilespmem:$0x1D000] =	vst v63  }
0x83: {  	_ =	swait.ge [sflag:s25], $0x4000  }
0x84: {  	[sflag:s25] =	ssyncset.done $0x0  }
0x85: {  	s10 =	simm.s32 $0x780;
	[sflag:s25] =	ssyncadd.s32 $0xFFFFC000  }
0x86: {  	[spmem:s2] =	stream.indirect.scatter.add.f32 [tilespmem:s22], [sflag:$0x4], $0x80, s10, s20, $0xb8;
	[tilespmem:$0x1D000] =	vst v63  }
0x87: {  	p0 =	seq.s32 s7, $0x400;
	_ =	swait.ge [sflag:s14], $0x4000  }
0x88: {  	s8 =	sadd.s32 @!p0 s7, s12;
	[sflag:s14] =	ssyncset.done $0x0  }
0x89: {  	s8 =	sadd.s32 @!p0 $0x100, s8;
	s10 =	simm.s32 @!p0 $0x0;
	[sflag:s14] =	ssyncadd.s32 $0xFFFFC000  }
0x8a: {  	[tilespmem:s10], [sflag:$0x3] =	stream.linear.gather @!p0 [hbm4b:s8+s10], $0x400, $0x38;
	[tilespmem:$0x1D000] =	vst v63  }
0x8b: {  	s8 =	sadd.s32 @!p0 s7, s13  }
0x8c: {  	s11 =	simm.s32 @!p0 $0x400;
	s8 =	sadd.s32 @!p0 $0x100, s8  }
0x8d: {  	[tilespmem:s11], [sflag:$0x3] =	stream.linear.gather @!p0 [hbm4b:s8+s10], $0x400, $0x38;
	[tilespmem:$0x1D000] =	vst v63  }
0x8e: {  	s11 =	simm.s32 $0x880  }
0x8f: {  	[tilespmem:s22], [sflag:$0x2] =	stream.indirect.gather [hbm4b:s4+s20], $0x80, s11, s20, $0xb8;
	[tilespmem:$0x1D000] =	vst v63  }
0x90: {  	_ =	swait.ge [sflag:s23], $0x4000  }
0x91: {  	[sflag:s23] =	ssyncset.done $0x0  }
0x92: {  	[sflag:s23] =	ssyncadd.s32 $0xFFFFC000  }
0x93: {  	[spmem:s2] =	stream.indirect.scatter.add.f32 [tilespmem:s21], [sflag:$0x4], $0x80, s17, s20, $0xb8;
	[tilespmem:$0x1D000] =	vst v63  }
0x94: {  	_ =	swait.ge [sflag:s14], $0x4000  }
0x95: {  	[sflag:s14] =	ssyncset.done $0x0  }
0x96: {  	[sflag:s14] =	ssyncadd.s32 $0xFFFFC000  }
0x97: {  	[tilespmem:s21], [sflag:$0x1] =	stream.indirect.gather [hbm4b:s4+s20], $0x80, s18, s20, $0xb8;
	[tilespmem:$0x1D000] =	vst v63  }
0x98: {  	_ =	swait.ge [sflag:s25], $0x4000  }
0x99: {  	[sflag:s25] =	ssyncset.done $0x0  }
0x9a: {  	[sflag:s25] =	ssyncadd.s32 $0xFFFFC000  }
0x9b: {  	[spmem:s2] =	stream.indirect.scatter.add.f32 [tilespmem:s22], [sflag:$0x4], $0x80, s19, s20, $0xb8;
	[tilespmem:$0x1D000] =	vst v63  }
0x9c: {  	_ =	swait.ge [sflag:s14], $0x4000  }
0x9d: {  	[sflag:s14] =	ssyncset.done $0x0  }
0x9e: {  	[sflag:s14] =	ssyncadd.s32 $0xFFFFC000  }
0x9f: {  	[tilespmem:s22], [sflag:$0x2] =	stream.indirect.gather [hbm4b:s4+s20], $0x80, s15, s20, $0xb8;
	[tilespmem:$0x1D000] =	vst v63  }
0xa0: {  	_ =	swait.ge [sflag:s23], $0x4000  }
0xa1: {  	[sflag:s23] =	ssyncset.done $0x0  }
0xa2: {  	[sflag:s23] =	ssyncadd.s32 $0xFFFFC000  }
0xa3: {  	[spmem:s2] =	stream.indirect.scatter.add.f32 [tilespmem:s21], [sflag:$0x4], $0x80, s24, s20, $0xb8;
	[tilespmem:$0x1D000] =	vst v63  }
0xa4: {  	_ =	swait.ge [sflag:s14], $0x4000  }
0xa5: {  	[sflag:s14] =	ssyncset.done $0x0  }
0xa6: {  	[sflag:s14] =	ssyncadd.s32 $0xFFFFC000  }
0xa7: {  	[tilespmem:s21], [sflag:$0x1] =	stream.indirect.gather [hbm4b:s4+s20], $0x80, s26, s20, $0xb8;
	[tilespmem:$0x1D000] =	vst v63  }
0xa8: {  	_ =	swait.ge [sflag:s25], $0x4000  }
0xa9: {  	[sflag:s25] =	ssyncset.done $0x0  }
0xaa: {  	[sflag:s25] =	ssyncadd.s32 $0xFFFFC000  }
0xab: {  	[spmem:s2] =	stream.indirect.scatter.add.f32 [tilespmem:s22], [sflag:$0x4], $0x80, s28, s20, $0xb8;
	[tilespmem:$0x1D000] =	vst v63  }
0xac: {  	_ =	swait.ge [sflag:s14], $0x4000  }
0xad: {  	[sflag:s14] =	ssyncset.done $0x0  }
0xae: {  	[sflag:s14] =	ssyncadd.s32 $0xFFFFC000  }
0xaf: {  	[tilespmem:s22], [sflag:$0x2] =	stream.indirect.gather [hbm4b:s4+s20], $0x80, s29, s20, $0xb8;
	[tilespmem:$0x1D000] =	vst v63  }
0xb0: {  	_ =	swait.ge [sflag:s23], $0x4000  }
0xb1: {  	[sflag:s23] =	ssyncset.done $0x0  }
0xb2: {  	[sflag:s23] =	ssyncadd.s32 $0xFFFFC000  }
0xb3: {  	[spmem:s2] =	stream.indirect.scatter.add.f32 [tilespmem:s21], [sflag:$0x4], $0x80, s30, s20, $0xb8;
	[tilespmem:$0x1D000] =	vst v63  }
0xb4: {  	_ =	swait.ge [sflag:s14], $0x4000  }
0xb5: {  	[sflag:s14] =	ssyncset.done $0x0  }
0xb6: {  	[sflag:s14] =	ssyncadd.s32 $0xFFFFC000  }
0xb7: {  	[tilespmem:s21], [sflag:$0x1] =	stream.indirect.gather [hbm4b:s4+s20], $0x80, s31, s20, $0xb8;
	[tilespmem:$0x1D000] =	vst v63  }
0xb8: {  	_ =	swait.ge [sflag:s25], $0x4000  }
0xb9: {  	[sflag:s25] =	ssyncset.done $0x0  }
0xba: {  	[sflag:s25] =	ssyncadd.s32 $0xFFFFC000  }
0xbb: {  	[spmem:s2] =	stream.indirect.scatter.add.f32 [tilespmem:s22], [sflag:$0x4], $0x80, s0, s20, $0xb8;
	[tilespmem:$0x1D000] =	vst v63  }
0xbc: {  	_ =	swait.ge [sflag:s14], $0x4000  }
0xbd: {  	[sflag:s14] =	ssyncset.done $0x0  }
0xbe: {  	[sflag:s14] =	ssyncadd.s32 $0xFFFFC000  }
0xbf: {  	[tilespmem:s22], [sflag:$0x2] =	stream.indirect.gather [hbm4b:s4+s20], $0x80, s1, s20, $0xb8;
	[tilespmem:$0x1D000] =	vst v63  }
0xc0: {  	_ =	swait.ge [sflag:s23], $0x4000  }
0xc1: {  	[sflag:s23] =	ssyncset.done $0x0  }
.Ltmp2:
0xc2: {  	[sflag:s23] =	ssyncadd.s32 $0xFFFFC000;
	(pc) =	sbr.rel @p0 .LBB2_4-.Ltmp2, $4  }
0xc3: {  	[spmem:s2] =	stream.indirect.scatter.add.f32 [tilespmem:s21], [sflag:$0x4], $0x80, s5, s20, $0xb8;
	[tilespmem:$0x1D000] =	vst v63  }
0xc4: {  	_ =	swait.ge [sflag:s14], $0x4000  }
0xc5: {  	[sflag:s14] =	ssyncset.done $0x0  }
0xc6: {  	[sflag:s14] =	ssyncadd.s32 $0xFFFFC000  }
0xc7: {  	_ =	swait.ge [sflag:s9], $0x400  }
0xc8: {  	[sflag:s9] =	ssyncset.done $0x0  }
0xc9: {  	[sflag:s9] =	ssyncadd.s32 $0xFFFFFC00  }
0xca: {  	_ =	swait.ge [sflag:s9], $0x400  }
0xcb: {  	[sflag:s9] =	ssyncset.done $0x0  }
0xcc: {  	[sflag:s9] =	ssyncadd.s32 $0xFFFFFC00  }
0xcd: {  	[tilespmem:s21], [sflag:$0x1] =	stream.indirect.gather [hbm4b:s4+s20], $0x80, s3, s20, $0xb8;
	[tilespmem:$0x1D000] =	vst v63  }
0xce: {  	_ =	swait.ge [sflag:s25], $0x4000  }
0xcf: {  	[sflag:s25] =	ssyncset.done $0x0  }
0xd0: {  	[sflag:s25] =	ssyncadd.s32 $0xFFFFC000  }
0xd1: {  	[spmem:s2] =	stream.indirect.scatter.add.f32 [tilespmem:s22], [sflag:$0x4], $0x80, s6, s20, $0xb8;
	[tilespmem:$0x1D000] =	vst v63  }
0xd2: {  	_ =	swait.ge [sflag:s14], $0x4000  }
.Ltmp3:
0xd3: {  	s8 =	sadd.s32 s7, s12;
	[sflag:s14] =	ssyncset.done $0x0;
	(pc) =	sbr.rel .LBB2_2-.Ltmp3, $4  }
0xd4: {  	s11 =	sadd.s32 s7, s13;
	s8 =	sadd.s32 $0x180, s8;
	[sflag:s14] =	ssyncadd.s32 $0xFFFFC000  }
0xd5: {  	[tilespmem:s16], [sflag:$0x3] =	stream.linear.gather [hbm4b:s8+s3], $0x400, $0x38;
	[tilespmem:$0x1D000] =	vst v63  }
0xd6: {  	s7 =	sadd.s32 $0x100, s7;
	s8 =	sadd.s32 $0x180, s11  }
0xd7: {  	[tilespmem:s17], [sflag:$0x3] =	stream.linear.gather [hbm4b:s8+s3], $0x400, $0x38;
	[tilespmem:$0x1D000] =	vst v63  }
.LBB2_5:
0xd8: {  	_ =	sfence.sel $0x180000  }
0xd9: {  	[bflag:$0x0] =	sbarrier.arrive $0xFFFF  }
0xda: {  	_ =	strace $0x9000004A  }
0xdb: {  	s0 =	stileid.u32;
	[bflag:$0x2] =	sbarrier.arrive $0xFFFF  }
0xdc: {  	p0 =	sne.s32 s0, $0x0;
	s0 =	rddreg [dreg:$0x2]  }
0xdd: {  	s0 =	sadd.s32 @!p0 $0x100000, s0  }
0xde: {  	[sflag:s0] =	ssyncadd.tile.s32 @!p0 $0x1;
	_ =	shalt  }
.Lfunc_end2:
_tile_overlayer_lowered:
.L_overlay_start_2:
0xdf: {  	(tag) =	ssettag $0x2  }
0xe0: {  	s0 =	rddreg [dreg:$0x0];
	s2 =	stileid.u32  }
0xe1: {  	s1 =	rddreg [dreg:$0x1];
	p0 =	sne.s32 s2, $0x0  }
0xe2: {  	s3 =	rddreg [dreg:$0x2];
	[bflag:$0x3] =	sbarrier.arrive $0xFFFF;
	s2 =	simm.s32 @!p0 $0x1C04  }
0xe3: {  	[timem:s3], [sflag:s2] =	dma.local @!p0 [hbm:s0], s1  }
0xe4: {  	s0 =	simm.s32 @!p0 $0x4  }
0xe5: {  	_ =	swait.ge @!p0 [sflag:s0], s1  }
0xe6: {  	s1 =	ssub.s32 @!p0 $0x0, s1;
	[sflag:s0] =	ssyncset.done @!p0 $0x0  }
0xe7: {  	[sflag:s0] =	ssyncadd.s32 @!p0 s1  }
0xe8: {  	[bflag:$0x3] =	sbarrier.arrive $0xFFFF  }
0xe9: {  	_ =	shalt  }

// kernel: kernel.14.cloned.1.call-start
scs
__scs_entry_jumppad:
0x0: {  	(pc) =	sbr.rel $0x88, $3  }
0x1: {  	(tag) =	ssettag $0x0;
	lr =	simm.s32 $0x1  }
0x2: {  	[smem:$0x3F95] =	sst lr;
	_ =	strace $0xD0000000  }
0x3: {  	_ = 	snop  }
0x4: {  	_ = 	snop  }
0x5: {  	_ = 	snop  }
0x6: {  	_ = 	snop  }
0x7: {  	_ = 	snop  }
__scs_overlays_trampoline_lowered:
0x8: {  	[smem:$0x3FA4] =	sst s0  }
0x9: {  	[smem:$0x3FA5] =	sst s1  }
0xa: {  	[smem:$0x3FA6] =	sst s2  }
0xb: {  	[smem:$0x3FA7] =	sst s3  }
0xc: {  	[smem:$0x3FA8] =	sst s4  }
0xd: {  	[smem:$0x3FA9] =	sst s5  }
0xe: {  	[smem:$0x3FAA] =	sst s6  }
0xf: {  	[smem:$0x3FAB] =	sst s7  }
0x10: {  	[smem:$0x3FAC] =	sst s8  }
0x11: {  	[smem:$0x3FAD] =	sst s9;
	s0 =	simm.s32 @!p0 $0x0  }
0x12: {  	s1 =	sld [smem:$0x3F93];
	s0 =	simm.s32 @p0 $0x1  }
0x13: {  	[smem:$0x3FAE] =	sst s0;
	s0 =	simm.s32 @!p1 $0x0  }
0x14: {  	s2 =	sld [smem:$0x3F92];
	s0 =	simm.s32 @p1 $0x1  }
0x15: {  	[smem:$0x3FAF] =	sst s0;
	s0 =	simm.s32 @!p2 $0x0  }
0x16: {  	s3 =	sld [smem:$0x3FDB];
	s0 =	simm.s32 @p2 $0x1  }
0x17: {  	s4 =	simm.s32 $0x1BF5;
	[smem:$0x3FB1] =	sst s0  }
0x18: {  	s0 =	sld [smem:$0x3F94];
	_ =	swait.ge [sflag:s4], $0x0  }
0x19: {  	s7 =	sld [smem:$0x3F95]  }
0x1a: {  	s8 =	sadd.s32 $0xFFFFE003, lr  }
0x1b: {  	s9 =	sadd.s32 $0xFFFFFEF7, lr;
	s5 =	simm.s32 $0xFFFFFFFF;
	p2 =	slt.u32 s8, $0xFFFFF086  }
0x1c: {  	p1 =	slt.u32 s9, $0xF7A;
	s5 =	simm.s32 @!p2 $0x0  }
0x1d: {  	s5 =	simm.s32 @p1 $0x1;
	p0 =	seq.s32 s7, s2  }
0x1e: {  	s7 =	smul.u32 @!p0 $0xF7A, s2;
	p2 =	seq.s32 @!p0 s5, $0x0  }
0x1f: {  	s9 =	smul.u32 $0xF7A, s1;
	s8 =	simm.s32 @!p0 $0x1BF5;
	p2 =	por !p2, p0  }
0x20: {  	[sflag:s8] =	ssyncset.s32 @!p0 $0xFFFFF086;
	s6 =	sadd.s32 @!p0 s3, s7;
	s7 =	simm.s32 @!p0 $0x108  }
0x21: {  	s3 =	sadd.s32 s3, s9;
	s6 =	sadd.s32 @!p0 $0x88, s6;
	s7 =	simm.s32 @p2 $0x1082  }
0x22: {  	[simem:s7], [sflag:s8] =	dma.local @!p0 [hbm:s6], $0xF7A  }
0x23: {  	s9 =	sor.u32 $0xD0000000, s2;
	s6 =	simm.s32 $0x108;
	_ =	swait.ge @!p0 [sflag:s8], $0x0  }
0x24: {  	s3 =	sadd.s32 $0x88, s3;
	s6 =	simm.s32 @!p1 $0x1082;
	[sflag:s4] =	ssyncset.s32 $0xFFFFF086  }
0x25: {  	[simem:s6], [sflag:s4] =	dma.local [hbm:s3], $0xF7A  }
0x26: {  	[smem:$0x3F95] =	sst s1;
	(tag) =	ssettag s2;
	_ =	strace s9  }
0x27: {  	s1 =	sld [smem:$0x3FA5]  }
0x28: {  	s2 =	sld [smem:$0x3FA6]  }
0x29: {  	s4 =	sld [smem:$0x3FA8]  }
0x2a: {  	p0 =	seq.s32 s5, $0x0;
	s5 =	sld [smem:$0x3FA9]  }
0x2b: {  	s6 =	sld [smem:$0x3FAA]  }
0x2c: {  	s7 =	sld [smem:$0x3FAB]  }
0x2d: {  	s3 =	simm.s32 $0x108;
	s8 =	sld [smem:$0x3FAC]  }
0x2e: {  	s3 =	simm.s32 @!p0 $0x1082;
	s9 =	sld [smem:$0x3FAD]  }
0x2f: {  	lr =	sadd.s32 s0, s3;
	s0 =	sld [smem:$0x3FA4]  }
0x30: {  	s3 =	sld [smem:$0x3FA7]  }
0x31: {  	[smem:$0x3FB0] =	sst s10  }
0x32: {  	s10 =	sld [smem:$0x3FAE];
	_ =	sdelay $0x3  }
0x33: {  	p0 =	seq.s32 s10, $0x1;
	s10 =	sld [smem:$0x3FB0];
	_ =	sdelay $0x3  }
0x34: {  	[smem:$0x3FB0] =	sst s10  }
0x35: {  	s10 =	sld [smem:$0x3FAF];
	_ =	sdelay $0x3  }
0x36: {  	p1 =	seq.s32 s10, $0x1;
	s10 =	sld [smem:$0x3FB0];
	_ =	sdelay $0x3  }
0x37: {  	[smem:$0x3FB0] =	sst s10  }
0x38: {  	s10 =	sld [smem:$0x3FB1]  }
0x39: {  	_ = 	snop;
	(pc) =	sbr.ind lr, $3  }
0x3a: {  	_ = 	snop  }
0x3b: {  	_ = 	snop  }
0x3c: {  	p2 =	seq.s32 s10, $0x1;
	s10 =	sld [smem:$0x3FB0]  }
0x3d: {  	_ =	shalt  }
0x3e: {  	_ =	shalt  }
0x3f: {  	_ =	shalt  }
0x40: {  	_ =	shalt  }
0x41: {  	_ =	shalt  }
0x42: {  	_ =	shalt  }
0x43: {  	_ =	shalt  }
0x44: {  	_ =	shalt  }
0x45: {  	_ =	shalt  }
0x46: {  	_ =	shalt  }
0x47: {  	_ =	shalt  }
0x48: {  	_ =	shalt  }
0x49: {  	_ =	shalt  }
0x4a: {  	_ =	shalt  }
0x4b: {  	_ =	shalt  }
0x4c: {  	_ =	shalt  }
0x4d: {  	_ =	shalt  }
0x4e: {  	_ =	shalt  }
0x4f: {  	_ =	shalt  }
0x50: {  	_ =	shalt  }
0x51: {  	_ =	shalt  }
0x52: {  	_ =	shalt  }
0x53: {  	_ =	shalt  }
0x54: {  	_ =	shalt  }
0x55: {  	_ =	shalt  }
0x56: {  	_ =	shalt  }
0x57: {  	_ =	shalt  }
0x58: {  	_ =	shalt  }
0x59: {  	_ =	shalt  }
0x5a: {  	_ =	shalt  }
0x5b: {  	_ =	shalt  }
0x5c: {  	_ =	shalt  }
0x5d: {  	_ =	shalt  }
0x5e: {  	_ =	shalt  }
0x5f: {  	_ =	shalt  }
0x60: {  	_ =	shalt  }
0x61: {  	_ =	shalt  }
0x62: {  	_ =	shalt  }
0x63: {  	_ =	shalt  }
0x64: {  	_ =	shalt  }
0x65: {  	_ =	shalt  }
0x66: {  	_ =	shalt  }
0x67: {  	_ =	shalt  }
0x68: {  	_ =	shalt  }
0x69: {  	_ =	shalt  }
0x6a: {  	_ =	shalt  }
0x6b: {  	_ =	shalt  }
0x6c: {  	_ =	shalt  }
0x6d: {  	_ =	shalt  }
0x6e: {  	_ =	shalt  }
0x6f: {  	_ =	shalt  }
0x70: {  	_ =	shalt  }
0x71: {  	_ =	shalt  }
0x72: {  	_ =	shalt  }
0x73: {  	_ =	shalt  }
0x74: {  	_ =	shalt  }
0x75: {  	_ =	shalt  }
0x76: {  	_ =	shalt  }
0x77: {  	_ =	shalt  }
0x78: {  	_ =	shalt  }
0x79: {  	_ =	shalt  }
0x7a: {  	_ =	shalt  }
0x7b: {  	_ =	shalt  }
0x7c: {  	_ =	shalt  }
0x7d: {  	_ =	shalt  }
0x7e: {  	_ =	shalt  }
0x7f: {  	_ =	shalt  }
0x80: {  	_ =	shalt  }
0x81: {  	_ =	shalt  }
0x82: {  	_ =	shalt  }
0x83: {  	_ =	shalt  }
0x84: {  	_ =	shalt  }
0x85: {  	_ =	shalt  }
0x86: {  	_ =	shalt  }
0x87: {  	_ =	shalt  }
.Lfunc_end0:
.L_simem_size_0:
called_computation.2_lowered:
.L_overlay_start_0:
0x88: {  	s2 =	sld [smem:$0x3FD9]  }
0x89: {  	s3 =	sld [smem:$0x3FFE];
	_ =	sdelay $0x1  }
0x8a: {  	s1 =	srdreg.scid  }
0x8b: {  	s0 =	sand.u32 $0x1, s1  }
0x8c: {  	s16 =	sshll.u32 s0, $0xA;
	s2 =	sadd.s32 s3, s2  }
0x8d: {  	s2 =	sadd.s32 s2, s16  }
0x8e: {  	[smem:$0x3FBC] =	sst s2  }
0x8f: {  	_ = 	snop  }
0x90: {  	(tm) =	ssettm $0x1  }
0x91: {  	s17 =	sld [smem:$0x3FFB];
	_ =	sdelay $0x3  }
0x92: {  	_ =	strace s17  }
0x93: {  	s2 =	sld [smem:$0x3FFC];
	_ =	sdelay $0x3  }
0x94: {  	_ =	strace s2  }
0x95: {  	s2 =	sld [smem:$0x3FFD];
	_ =	sdelay $0x3  }
0x96: {  	_ =	strace s2  }
0x97: {  	_ =	strace $0x8FFFFFFF  }
0x98: {  	s18 =	sld [smem:$0x3FDB];
	_ =	sdelay $0x1  }
0x99: {  	s19 =	simm.s32 $_scs_section_size  }
0x9a: {  	s4 =	simm.s32 $_size__tile_overlayer_lowered;
	s5 =	simm.s32 $_tile_overlayer_lowered  }
0x9b: {  	s22 =	simm.s32 $0x1BFF;
	s21 =	sshll.u32 s5, $0x1;
	s2 =	sadd.s32 s19, s18  }
0x9c: {  	s6 =	simm.s32 $0x0;
	s20 =	sshll.u32 s4, $0x1;
	s4 =	sadd.s32 s21, s2  }
0x9d: {  	[timem:s6], [sflag:s22] =	dma.local [hbm:s4], s20  }
0x9e: {  	_ =	swait.ge [sflag:s22], s20  }
0x9f: {  	s3 =	ssub.s32 $0x0, s20;
	[sflag:s22] =	ssyncset.done $0x0  }
0xa0: {  	[sflag:s22] =	ssyncadd.s32 s3;
	_ =	sdelay $0x1  }
0xa1: {  	s23 =	simm.s32 $0x1B8B  }
0xa2: {  	_ =	swait.ge [sflag:s23], $0x1  }
0xa3: {  	[sflag:s23] =	ssyncset.done $0x0  }
0xa4: {  	s25 =	simm.s32 $0x1B8E;
	s24 =	sld [smem:$0x3FFE];
	[sflag:s23] =	ssyncadd.s32 $0xFFFFFFFF  }
0xa5: {  	s26 =	simm.s32 $execute0_lowered;
	[smem:$0x3FD2] =	sst s25  }
0xa6: {  	s4 =	sshll.u32 s26, $0x1;
	_ =	strace $0x8000004C;
	[dreg:$0x1] =	wrdreg $0xFFFFFFFF  }
0xa7: {  	s28 =	simm.s32 $_size_execute0_lowered;
	s2 =	sadd.s32 s2, s4;
	[dreg:$0x0] =	wrdreg $0x0  }
0xa8: {  	s4 =	sshll.u32 s28, $0x1;
	[dreg:$0x2] =	wrdreg s2  }
0xa9: {  	[dreg:$0x3] =	wrdreg s4  }
0xaa: {  	[dreg:$0x4] =	wrdreg $0xC0  }
0xab: {  	_ =	task [dreg:s6], $0x5FFFF  }
0xac: {  	[dreg:$0x1] =	wrdreg $0xFFFFFFFF  }
0xad: {  	[dreg:$0x0] =	wrdreg $0x60  }
0xae: {  	[dreg:$0x2] =	wrdreg s24  }
0xaf: {  	[dreg:$0x3] =	wrdreg $0x90000  }
0xb0: {  	[dreg:$0x4] =	wrdreg $0x9  }
0xb1: {  	_ =	task.clear_ibuf [dreg:s6], $0x5FFFF;
	_ =	strace $0x9000004C  }
0xb2: {  	s29 =	simm.s32 $0x9;
	_ =	strace $0x8000004E  }
0xb3: {  	_ =	swait.ge [sflag:s29], $0x1  }
0xb4: {  	[sflag:s29] =	ssyncadd.s32 $0xFFFFFFFF  }
0xb5: {  	_ =	strace $0x9000004E  }
0xb6: {  	_ =	sfence  }
0xb7: {  	s30 =	sld [smem:$0x0];
	_ =	sdelay $0x2  }
0xb8: {  	s31 =	sshll.u32 s1, $0xD;
	s1 =	sshrl.u32 s1, $0x2  }
0xb9: {  	s3 =	sand.u32 $0x4000, s31;
	s1 =	sadd.s32 s1, s30  }
0xba: {  	s0 =	sor.u32 s3, s0;
	s1 =	sshll.u32 s1, $0x11  }
0xbb: {  	s0 =	sor.u32 s1, s0  }
0xbc: {  	s0 =	sadd.s32 $0x8F2B, s0  }
0xbd: {  	[sflag:s0] =	ssyncadd.remote.s32 $0x1  }
0xbe: {  	_ =	sfence.sel $0xFFFF  }
0xbf: {  	[dreg:$0x0] =	wrdreg $0xFFFFFFFF;
	(pc) =	sbr.abs _section_cstart, $3  }
0xc0: {  	[dreg:$0x1] =	wrdreg $0xFFFFFFFF  }
0xc1: {  	_ =	task.clear_ibuf [dreg:s6], $0x2FFFF;
	_ =	strace $0x9FFFFFFF  }
0xc2: {  	(tm) =	ssettm $0x7FFFFFFF  }
0xc3: {  	_ =	shalt  }
tec
execute0_lowered:
.L_overlay_start_1:
0x0: {  	(tag) =	ssettag $0x1  }
0x1: {  	s0 =	rddreg [dreg:$0x0]  }
0x2: {  	s2 =	rddreg [dreg:$0x1]  }
0x3: {  	s3 =	simm.s32 $0x0;
	s15 =	stileid.u32;
	s5 =	srdreg.scid  }
0x4: {  	s14 =	simm.s32 $0x4;
	s16 =	simm.s32 $0x800;
	s28 =	simm.s32 $0xD80  }
0x5: {  	s29 =	simm.s32 $0xA80;
	s30 =	simm.s32 $0xE00;
	s31 =	simm.s32 $0xB00  }
0x6: {  	[smem:$0x7FF] =	sst s3;
	s1 =	smul.u32 $0x14000, s15;
	s4 =	sadd.s32 $0x3FA00, s0  }
0x7: {  	s5 =	sand.u32 $0x1, s5;
	s6 =	sadd.s32 $0xDA00, s0;
	s19 =	smul.u32 $0x50000, s15  }
0x8: {  	s9 =	sadd.s32 $0x3A00, s0;
	s10 =	sshll.u32 s15, $0x1;
	s23 =	smul.u32 $0xA00, s15  }
0x9: {  	s26 =	sshll.u32 s15, $0x6;
	s15 =	simm.s32 $0x980;
	_ =	strace $0x8000004D  }
0xa: {  	s8 =	smul.u32 $0x140000, s5;
	s17 =	ssub.s32 $0x2, s5;
	s10 =	sor.u32 s5, s10  }
0xb: {  	s5 =	smul.u32 $0x500, s5;
	s7 =	sshrl.u32 s1, $0x3;
	s11 =	sshrl.u32 s17, $0x1  }
0xc: {  	s10 =	smul.u32 $0x500, s10;
	s24 =	sadd.s32 s23, s6;
	s25 =	sadd.s32 s23, s9  }
0xd: {  	s23 =	simm.s32 $0x1;
	s7 =	sadd.s32 s7, s0;
	s1 =	sadd.s32 s1, s8  }
0xe: {  	s18 =	ssub.s32 s17, s11;
	s8 =	sshrl.u32 s19, $0x2;
	s12 =	sadd.s32 s5, s24  }
0xf: {  	s13 =	sadd.s32 s5, s25;
	s17 =	simm.s32 $0xC00;
	s25 =	simm.s32 $0x2  }
0x10: {  	s19 =	simm.s32 $0xC80;
	s24 =	simm.s32 $0xD00;
	s5 =	simm.s32 $0xF00  }
0x11: {  	s1 =	sshrl.u32 s1, $0x3;
	s20 =	sadd.s32 s6, s10;
	s21 =	sadd.s32 s9, s10  }
0x12: {  	s10 =	sor.u32 $0x80, s10;
	s8 =	sadd.s32 s8, s2;
	[dreg:$0x3] =	wrdreg s20  }
0x13: {  	s7 =	sadd.s32 $0x17A00, s7;
	s0 =	sadd.s32 s1, s0;
	[dreg:$0x4] =	wrdreg s21  }
0x14: {  	s22 =	sadd.s32 s6, s10;
	s10 =	sadd.s32 s9, s10;
	[dreg:$0x7] =	wrdreg s7  }
0x15: {  	s1 =	smax.u32 s18, $0x1;
	s11 =	sshrl.u32 s8, $0x3;
	s20 =	simm.s32 $0x80  }
0x16: {  	s21 =	simm.s32 $0x1000;
	s9 =	simm.s32 $0x3;
	[dreg:$0x5] =	wrdreg s22  }
.Ltmp0:
0x17: {  	s18 =	simm.s32 $0x900;
	[dreg:$0x6] =	wrdreg s10;
	(pc) =	sbr.rel .LBB2_1-.Ltmp0, $4  }
0x18: {  	s6 =	simm.s32 $0xF80;
	s8 =	simm.s32 $0x0;
	[dreg:$0x9] =	wrdreg s1  }
0x19: {  	s0 =	sadd.s32 $0x8FA00, s0;
	s10 =	sor.u32 $0x1C04, s26;
	[dreg:$0xb] =	wrdreg s11  }
0x1a: {  	s22 =	simm.s32 $0x5000;
	s26 =	simm.s32 $0xA00;
	[dreg:$0x8] =	wrdreg s0  }
0x1b: {  	s1 =	simm.s32 $0xB80;
	s0 =	simm.s32 $0xE80;
	[dreg:$0xa] =	wrdreg s10  }
.LBB2_4:
0x1c: {  	_ =	swait.ge [sflag:s25], $0x4000  }
0x1d: {  	[sflag:s25] =	ssyncset.done $0x0  }
0x1e: {  	[sflag:s25] =	ssyncadd.s32 $0xFFFFC000  }
0x1f: {  	[spmem:s2] =	stream.indirect.scatter.add.f32 [tilespmem:s22], [sflag:$0x4], $0x80, s6, s20, $0xb8;
	[tilespmem:$0x1D000] =	vst v63  }
0x20: {  	_ =	swait.ge [sflag:s14], $0x4000  }
0x21: {  	[sflag:s14] =	ssyncset.done $0x0  }
0x22: {  	[sflag:s14] =	ssyncadd.s32 $0xFFFFC000  }
0x23: {  	[bflag:$0x0] =	sbarrier.arrive $0xFFFF  }
0x24: {  	s7 =	rddreg [dreg:$0x8]  }
0x25: {  	s10 =	rddreg [dreg:$0xa]  }
0x26: {  	s11 =	rddreg [dreg:$0xb]  }
0x27: {  	[hbm:s7], [sflag:s10] =	dma.local [spmem:s11], $0x2800  }
0x28: {  	_ =	swait.ge [sflag:s14], $0x2800  }
0x29: {  	s8 =	rddreg [dreg:$0xc]  }
0x2a: {  	s7 =	rddreg [dreg:$0x9];
	s8 =	sadd.s32 $0x1, s8  }
0x2b: {  	p0 =	sne.s32 s8, s7  }
.Ltmp1:
0x2c: {  	_ = 	snop;
	(pc) =	sbr.rel @!p0 .LBB2_5-.Ltmp1, $3  }
0x2d: {  	_ =	sdelay $0x1  }
0x2e: {  	[sflag:s14] =	ssyncset.done $0x0  }
0x2f: {  	[sflag:s14] =	ssyncadd.s32 $0xFFFFD800  }
.LBB2_1:
0x30: {  	[dreg:$0xc] =	wrdreg s8  }
0x31: {  	s7 =	rddreg [dreg:$0x3]  }
0x32: {  	[tilespmem:s3], [sflag:$0x4] =	stream.linear.gather [hbm4b:s7+s3], $0x400, $0x38;
	[tilespmem:$0x1D000] =	vst v63  }
0x33: {  	_ =	swait.ge [sflag:s14], $0x400  }
0x34: {  	[sflag:s14] =	ssyncset.done $0x0  }
0x35: {  	s8 =	simm.s32 $0x400;
	s7 =	rddreg [dreg:$0x4];
	[sflag:s14] =	ssyncadd.s32 $0xFFFFFC00  }
0x36: {  	[tilespmem:s8], [sflag:$0x4] =	stream.linear.gather [hbm4b:s7+s3], $0x400, $0x38;
	[tilespmem:$0x1D000] =	vst v63  }
0x37: {  	_ =	swait.ge [sflag:s14], $0x400  }
0x38: {  	[sflag:s14] =	ssyncset.done $0x0  }
0x39: {  	s8 =	rddreg [dreg:$0x5];
	[sflag:s14] =	ssyncadd.s32 $0xFFFFFC00  }
0x3a: {  	[tilespmem:s16], [sflag:$0x3] =	stream.linear.gather [hbm4b:s8+s3], $0x400, $0x38;
	[tilespmem:$0x1D000] =	vst v63  }
0x3b: {  	s8 =	rddreg [dreg:$0x6]  }
0x3c: {  	[tilespmem:s17], [sflag:$0x3] =	stream.linear.gather [hbm4b:s8+s3], $0x400, $0x38;
	[tilespmem:$0x1D000] =	vst v63  }
0x3d: {  	s8 =	rddreg [dreg:$0x7]  }
0x3e: {  	[spmem:s11], [sflag:s10] =	dma.local [hbm:s8], $0x2800  }
0x3f: {  	_ =	swait.ge [sflag:s14], $0x2800  }
0x40: {  	[sflag:s14] =	ssyncset.done $0x0  }
0x41: {  	[sflag:s14] =	ssyncadd.s32 $0xFFFFD800  }
0x42: {  	s7 =	simm.s32 $0x0;
	[bflag:$0x0] =	sbarrier.arrive $0xFFFF  }
0x43: {  	[tilespmem:s21], [sflag:$0x1] =	stream.indirect.gather [hbm4b:s4+s20], $0x80, s3, s20, $0xb8;
	[tilespmem:$0x1D000] =	vst v63  }
.LBB2_2:
0x44: {  	[tilespmem:s22], [sflag:$0x2] =	stream.indirect.gather [hbm4b:s4+s20], $0x80, s20, s20, $0xb8;
	[tilespmem:$0x1D000] =	vst v63  }
0x45: {  	_ =	swait.ge [sflag:s23], $0x4000  }
0x46: {  	[sflag:s23] =	ssyncset.done $0x0  }
0x47: {  	s8 =	simm.s32 $0x400;
	[sflag:s23] =	ssyncadd.s32 $0xFFFFC000  }
0x48: {  	[spmem:s2] =	stream.indirect.scatter.add.f32 [tilespmem:s21], [sflag:$0x4], $0x80, s8, s20, $0xb8;
	[tilespmem:$0x1D000] =	vst v63  }
0x49: {  	_ =	swait.ge [sflag:s14], $0x4000  }
0x4a: {  	[sflag:s14] =	ssyncset.done $0x0  }
0x4b: {  	s10 =	simm.s32 $0x100;
	[sflag:s14] =	ssyncadd.s32 $0xFFFFC000  }
0x4c: {  	[tilespmem:s21], [sflag:$0x1] =	stream.indirect.gather [hbm4b:s4+s20], $0x80, s10, s20, $0xb8;
	[tilespmem:$0x1D000] =	vst v63  }
0x4d: {  	_ =	swait.ge [sflag:s25], $0x4000  }
0x4e: {  	[sflag:s25] =	ssyncset.done $0x0  }
0x4f: {  	s11 =	simm.s32 $0x480;
	[sflag:s25] =	ssyncadd.s32 $0xFFFFC000  }
0x50: {  	[spmem:s2] =	stream.indirect.scatter.add.f32 [tilespmem:s22], [sflag:$0x4], $0x80, s11, s20, $0xb8;
	[tilespmem:$0x1D000] =	vst v63  }
0x51: {  	_ =	swait.ge [sflag:s14], $0x4000  }
0x52: {  	[sflag:s14] =	ssyncset.done $0x0  }
0x53: {  	s10 =	simm.s32 $0x180;
	[sflag:s14] =	ssyncadd.s32 $0xFFFFC000  }
0x54: {  	[tilespmem:s22], [sflag:$0x2] =	stream.indirect.gather [hbm4b:s4+s20], $0x80, s10, s20, $0xb8;
	[tilespmem:$0x1D000] =	vst v63  }
0x55: {  	_ =	swait.ge [sflag:s23], $0x4000  }
0x56: {  	[sflag:s23] =	ssyncset.done $0x0  }
0x57: {  	s11 =	simm.s32 $0x500;
	[sflag:s23] =	ssyncadd.s32 $0xFFFFC000  }
0x58: {  	[spmem:s2] =	stream.indirect.scatter.add.f32 [tilespmem:s21], [sflag:$0x4], $0x80, s11, s20, $0xb8;
	[tilespmem:$0x1D000] =	vst v63  }
0x59: {  	_ =	swait.ge [sflag:s14], $0x4000  }
0x5a: {  	[sflag:s14] =	ssyncset.done $0x0  }
0x5b: {  	s10 =	simm.s32 $0x200;
	[sflag:s14] =	ssyncadd.s32 $0xFFFFC000  }
0x5c: {  	[tilespmem:s21], [sflag:$0x1] =	stream.indirect.gather [hbm4b:s4+s20], $0x80, s10, s20, $0xb8;
	[tilespmem:$0x1D000] =	vst v63  }
0x5d: {  	_ =	swait.ge [sflag:s25], $0x4000  }
0x5e: {  	[sflag:s25] =	ssyncset.done $0x0  }
0x5f: {  	s11 =	simm.s32 $0x580;
	[sflag:s25] =	ssyncadd.s32 $0xFFFFC000  }
0x60: {  	[spmem:s2] =	stream.indirect.scatter.add.f32 [tilespmem:s22], [sflag:$0x4], $0x80, s11, s20, $0xb8;
	[tilespmem:$0x1D000] =	vst v63  }
0x61: {  	_ =	swait.ge [sflag:s14], $0x4000  }
0x62: {  	[sflag:s14] =	ssyncset.done $0x0  }
0x63: {  	s10 =	simm.s32 $0x280;
	[sflag:s14] =	ssyncadd.s32 $0xFFFFC000  }
0x64: {  	[tilespmem:s22], [sflag:$0x2] =	stream.indirect.gather [hbm4b:s4+s20], $0x80, s10, s20, $0xb8;
	[tilespmem:$0x1D000] =	vst v63  }
0x65: {  	_ =	swait.ge [sflag:s23], $0x4000  }
0x66: {  	[sflag:s23] =	ssyncset.done $0x0  }
0x67: {  	s11 =	simm.s32 $0x600;
	[sflag:s23] =	ssyncadd.s32 $0xFFFFC000  }
0x68: {  	[spmem:s2] =	stream.indirect.scatter.add.f32 [tilespmem:s21], [sflag:$0x4], $0x80, s11, s20, $0xb8;
	[tilespmem:$0x1D000] =	vst v63  }
0x69: {  	_ =	swait.ge [sflag:s14], $0x4000  }
0x6a: {  	[sflag:s14] =	ssyncset.done $0x0  }
0x6b: {  	s10 =	simm.s32 $0x300;
	[sflag:s14] =	ssyncadd.s32 $0xFFFFC000  }
0x6c: {  	[tilespmem:s21], [sflag:$0x1] =	stream.indirect.gather [hbm4b:s4+s20], $0x80, s10, s20, $0xb8;
	[tilespmem:$0x1D000] =	vst v63  }
0x6d: {  	_ =	swait.ge [sflag:s25], $0x4000  }
0x6e: {  	[sflag:s25] =	ssyncset.done $0x0  }
0x6f: {  	s11 =	simm.s32 $0x680;
	[sflag:s25] =	ssyncadd.s32 $0xFFFFC000  }
0x70: {  	[spmem:s2] =	stream.indirect.scatter.add.f32 [tilespmem:s22], [sflag:$0x4], $0x80, s11, s20, $0xb8;
	[tilespmem:$0x1D000] =	vst v63  }
0x71: {  	_ =	swait.ge [sflag:s14], $0x4000  }
0x72: {  	[sflag:s14] =	ssyncset.done $0x0  }
0x73: {  	s10 =	simm.s32 $0x380;
	[sflag:s14] =	ssyncadd.s32 $0xFFFFC000  }
0x74: {  	[tilespmem:s22], [sflag:$0x2] =	stream.indirect.gather [hbm4b:s4+s20], $0x80, s10, s20, $0xb8;
	[tilespmem:$0x1D000] =	vst v63  }
0x75: {  	_ =	swait.ge [sflag:s23], $0x4000  }
0x76: {  	[sflag:s23] =	ssyncset.done $0x0  }
0x77: {  	s11 =	simm.s32 $0x700;
	[sflag:s23] =	ssyncadd.s32 $0xFFFFC000  }
0x78: {  	[spmem:s2] =	stream.indirect.scatter.add.f32 [tilespmem:s21], [sflag:$0x4], $0x80, s11, s20, $0xb8;
	[tilespmem:$0x1D000] =	vst v63  }
0x79: {  	_ =	swait.ge [sflag:s14], $0x4000  }
0x7a: {  	[sflag:s14] =	ssyncset.done $0x0  }
0x7b: {  	[sflag:s14] =	ssyncadd.s32 $0xFFFFC000  }
0x7c: {  	_ =	swait.ge [sflag:s9], $0x400  }
0x7d: {  	[sflag:s9] =	ssyncset.done $0x0  }
0x7e: {  	[sflag:s9] =	ssyncadd.s32 $0xFFFFFC00  }
0x7f: {  	_ =	swait.ge [sflag:s9], $0x400  }
0x80: {  	[sflag:s9] =	ssyncset.done $0x0  }
0x81: {  	[sflag:s9] =	ssyncadd.s32 $0xFFFFFC00  }
0x82: {  	[tilespmem:s21], [sflag:$0x1] =	stream.indirect.gather [hbm4b:s4+s20], $0x80, s16, s20, $0xb8;
	[tilespmem:$0x1D000] =	vst v63  }
0x83: {  	_ =	swait.ge [sflag:s25], $0x4000  }
0x84: {  	[sflag:s25] =	ssyncset.done $0x0  }
0x85: {  	s10 =	simm.s32 $0x780;
	[sflag:s25] =	ssyncadd.s32 $0xFFFFC000  }
0x86: {  	[spmem:s2] =	stream.indirect.scatter.add.f32 [tilespmem:s22], [sflag:$0x4], $0x80, s10, s20, $0xb8;
	[tilespmem:$0x1D000] =	vst v63  }
0x87: {  	p0 =	seq.s32 s7, $0x400;
	_ =	swait.ge [sflag:s14], $0x4000  }
0x88: {  	s8 =	sadd.s32 @!p0 s7, s12;
	[sflag:s14] =	ssyncset.done $0x0  }
0x89: {  	s8 =	sadd.s32 @!p0 $0x100, s8;
	s10 =	simm.s32 @!p0 $0x0;
	[sflag:s14] =	ssyncadd.s32 $0xFFFFC000  }
0x8a: {  	[tilespmem:s10], [sflag:$0x3] =	stream.linear.gather @!p0 [hbm4b:s8+s10], $0x400, $0x38;
	[tilespmem:$0x1D000] =	vst v63  }
0x8b: {  	s8 =	sadd.s32 @!p0 s7, s13  }
0x8c: {  	s11 =	simm.s32 @!p0 $0x400;
	s8 =	sadd.s32 @!p0 $0x100, s8  }
0x8d: {  	[tilespmem:s11], [sflag:$0x3] =	stream.linear.gather @!p0 [hbm4b:s8+s10], $0x400, $0x38;
	[tilespmem:$0x1D000] =	vst v63  }
0x8e: {  	s11 =	simm.s32 $0x880  }
0x8f: {  	[tilespmem:s22], [sflag:$0x2] =	stream.indirect.gather [hbm4b:s4+s20], $0x80, s11, s20, $0xb8;
	[tilespmem:$0x1D000] =	vst v63  }
0x90: {  	_ =	swait.ge [sflag:s23], $0x4000  }
0x91: {  	[sflag:s23] =	ssyncset.done $0x0  }
0x92: {  	[sflag:s23] =	ssyncadd.s32 $0xFFFFC000  }
0x93: {  	[spmem:s2] =	stream.indirect.scatter.add.f32 [tilespmem:s21], [sflag:$0x4], $0x80, s17, s20, $0xb8;
	[tilespmem:$0x1D000] =	vst v63  }
0x94: {  	_ =	swait.ge [sflag:s14], $0x4000  }
0x95: {  	[sflag:s14] =	ssyncset.done $0x0  }
0x96: {  	[sflag:s14] =	ssyncadd.s32 $0xFFFFC000  }
0x97: {  	[tilespmem:s21], [sflag:$0x1] =	stream.indirect.gather [hbm4b:s4+s20], $0x80, s18, s20, $0xb8;
	[tilespmem:$0x1D000] =	vst v63  }
0x98: {  	_ =	swait.ge [sflag:s25], $0x4000  }
0x99: {  	[sflag:s25] =	ssyncset.done $0x0  }
0x9a: {  	[sflag:s25] =	ssyncadd.s32 $0xFFFFC000  }
0x9b: {  	[spmem:s2] =	stream.indirect.scatter.add.f32 [tilespmem:s22], [sflag:$0x4], $0x80, s19, s20, $0xb8;
	[tilespmem:$0x1D000] =	vst v63  }
0x9c: {  	_ =	swait.ge [sflag:s14], $0x4000  }
0x9d: {  	[sflag:s14] =	ssyncset.done $0x0  }
0x9e: {  	[sflag:s14] =	ssyncadd.s32 $0xFFFFC000  }
0x9f: {  	[tilespmem:s22], [sflag:$0x2] =	stream.indirect.gather [hbm4b:s4+s20], $0x80, s15, s20, $0xb8;
	[tilespmem:$0x1D000] =	vst v63  }
0xa0: {  	_ =	swait.ge [sflag:s23], $0x4000  }
0xa1: {  	[sflag:s23] =	ssyncset.done $0x0  }
0xa2: {  	[sflag:s23] =	ssyncadd.s32 $0xFFFFC000  }
0xa3: {  	[spmem:s2] =	stream.indirect.scatter.add.f32 [tilespmem:s21], [sflag:$0x4], $0x80, s24, s20, $0xb8;
	[tilespmem:$0x1D000] =	vst v63  }
0xa4: {  	_ =	swait.ge [sflag:s14], $0x4000  }
0xa5: {  	[sflag:s14] =	ssyncset.done $0x0  }
0xa6: {  	[sflag:s14] =	ssyncadd.s32 $0xFFFFC000  }
0xa7: {  	[tilespmem:s21], [sflag:$0x1] =	stream.indirect.gather [hbm4b:s4+s20], $0x80, s26, s20, $0xb8;
	[tilespmem:$0x1D000] =	vst v63  }
0xa8: {  	_ =	swait.ge [sflag:s25], $0x4000  }
0xa9: {  	[sflag:s25] =	ssyncset.done $0x0  }
0xaa: {  	[sflag:s25] =	ssyncadd.s32 $0xFFFFC000  }
0xab: {  	[spmem:s2] =	stream.indirect.scatter.add.f32 [tilespmem:s22], [sflag:$0x4], $0x80, s28, s20, $0xb8;
	[tilespmem:$0x1D000] =	vst v63  }
0xac: {  	_ =	swait.ge [sflag:s14], $0x4000  }
0xad: {  	[sflag:s14] =	ssyncset.done $0x0  }
0xae: {  	[sflag:s14] =	ssyncadd.s32 $0xFFFFC000  }
0xaf: {  	[tilespmem:s22], [sflag:$0x2] =	stream.indirect.gather [hbm4b:s4+s20], $0x80, s29, s20, $0xb8;
	[tilespmem:$0x1D000] =	vst v63  }
0xb0: {  	_ =	swait.ge [sflag:s23], $0x4000  }
0xb1: {  	[sflag:s23] =	ssyncset.done $0x0  }
0xb2: {  	[sflag:s23] =	ssyncadd.s32 $0xFFFFC000  }
0xb3: {  	[spmem:s2] =	stream.indirect.scatter.add.f32 [tilespmem:s21], [sflag:$0x4], $0x80, s30, s20, $0xb8;
	[tilespmem:$0x1D000] =	vst v63  }
0xb4: {  	_ =	swait.ge [sflag:s14], $0x4000  }
0xb5: {  	[sflag:s14] =	ssyncset.done $0x0  }
0xb6: {  	[sflag:s14] =	ssyncadd.s32 $0xFFFFC000  }
0xb7: {  	[tilespmem:s21], [sflag:$0x1] =	stream.indirect.gather [hbm4b:s4+s20], $0x80, s31, s20, $0xb8;
	[tilespmem:$0x1D000] =	vst v63  }
0xb8: {  	_ =	swait.ge [sflag:s25], $0x4000  }
0xb9: {  	[sflag:s25] =	ssyncset.done $0x0  }
0xba: {  	[sflag:s25] =	ssyncadd.s32 $0xFFFFC000  }
0xbb: {  	[spmem:s2] =	stream.indirect.scatter.add.f32 [tilespmem:s22], [sflag:$0x4], $0x80, s0, s20, $0xb8;
	[tilespmem:$0x1D000] =	vst v63  }
0xbc: {  	_ =	swait.ge [sflag:s14], $0x4000  }
0xbd: {  	[sflag:s14] =	ssyncset.done $0x0  }
0xbe: {  	[sflag:s14] =	ssyncadd.s32 $0xFFFFC000  }
0xbf: {  	[tilespmem:s22], [sflag:$0x2] =	stream.indirect.gather [hbm4b:s4+s20], $0x80, s1, s20, $0xb8;
	[tilespmem:$0x1D000] =	vst v63  }
0xc0: {  	_ =	swait.ge [sflag:s23], $0x4000  }
0xc1: {  	[sflag:s23] =	ssyncset.done $0x0  }
.Ltmp2:
0xc2: {  	[sflag:s23] =	ssyncadd.s32 $0xFFFFC000;
	(pc) =	sbr.rel @p0 .LBB2_4-.Ltmp2, $4  }
0xc3: {  	[spmem:s2] =	stream.indirect.scatter.add.f32 [tilespmem:s21], [sflag:$0x4], $0x80, s5, s20, $0xb8;
	[tilespmem:$0x1D000] =	vst v63  }
0xc4: {  	_ =	swait.ge [sflag:s14], $0x4000  }
0xc5: {  	[sflag:s14] =	ssyncset.done $0x0  }
0xc6: {  	[sflag:s14] =	ssyncadd.s32 $0xFFFFC000  }
0xc7: {  	_ =	swait.ge [sflag:s9], $0x400  }
0xc8: {  	[sflag:s9] =	ssyncset.done $0x0  }
0xc9: {  	[sflag:s9] =	ssyncadd.s32 $0xFFFFFC00  }
0xca: {  	_ =	swait.ge [sflag:s9], $0x400  }
0xcb: {  	[sflag:s9] =	ssyncset.done $0x0  }
0xcc: {  	[sflag:s9] =	ssyncadd.s32 $0xFFFFFC00  }
0xcd: {  	[tilespmem:s21], [sflag:$0x1] =	stream.indirect.gather [hbm4b:s4+s20], $0x80, s3, s20, $0xb8;
	[tilespmem:$0x1D000] =	vst v63  }
0xce: {  	_ =	swait.ge [sflag:s25], $0x4000  }
0xcf: {  	[sflag:s25] =	ssyncset.done $0x0  }
0xd0: {  	[sflag:s25] =	ssyncadd.s32 $0xFFFFC000  }
0xd1: {  	[spmem:s2] =	stream.indirect.scatter.add.f32 [tilespmem:s22], [sflag:$0x4], $0x80, s6, s20, $0xb8;
	[tilespmem:$0x1D000] =	vst v63  }
0xd2: {  	_ =	swait.ge [sflag:s14], $0x4000  }
.Ltmp3:
0xd3: {  	s8 =	sadd.s32 s7, s12;
	[sflag:s14] =	ssyncset.done $0x0;
	(pc) =	sbr.rel .LBB2_2-.Ltmp3, $4  }
0xd4: {  	s11 =	sadd.s32 s7, s13;
	s8 =	sadd.s32 $0x180, s8;
	[sflag:s14] =	ssyncadd.s32 $0xFFFFC000  }
0xd5: {  	[tilespmem:s16], [sflag:$0x3] =	stream.linear.gather [hbm4b:s8+s3], $0x400, $0x38;
	[tilespmem:$0x1D000] =	vst v63  }
0xd6: {  	s7 =	sadd.s32 $0x100, s7;
	s8 =	sadd.s32 $0x180, s11  }
0xd7: {  	[tilespmem:s17], [sflag:$0x3] =	stream.linear.gather [hbm4b:s8+s3], $0x400, $0x38;
	[tilespmem:$0x1D000] =	vst v63  }
.LBB2_5:
0xd8: {  	_ =	sfence.sel $0x180000  }
0xd9: {  	[bflag:$0x0] =	sbarrier.arrive $0xFFFF  }
0xda: {  	_ =	strace $0x9000004D  }
0xdb: {  	s0 =	stileid.u32;
	[bflag:$0x2] =	sbarrier.arrive $0xFFFF  }
0xdc: {  	p0 =	sne.s32 s0, $0x0;
	s0 =	rddreg [dreg:$0x2]  }
0xdd: {  	s0 =	sadd.s32 @!p0 $0x100000, s0  }
0xde: {  	[sflag:s0] =	ssyncadd.tile.s32 @!p0 $0x1;
	_ =	shalt  }
.Lfunc_end2:
_tile_overlayer_lowered:
.L_overlay_start_2:
0xdf: {  	(tag) =	ssettag $0x2  }
0xe0: {  	s0 =	rddreg [dreg:$0x0];
	s2 =	stileid.u32  }
0xe1: {  	s1 =	rddreg [dreg:$0x1];
	p0 =	sne.s32 s2, $0x0  }
0xe2: {  	s3 =	rddreg [dreg:$0x2];
	[bflag:$0x3] =	sbarrier.arrive $0xFFFF;
	s2 =	simm.s32 @!p0 $0x1C04  }
0xe3: {  	[timem:s3], [sflag:s2] =	dma.local @!p0 [hbm:s0], s1  }
0xe4: {  	s0 =	simm.s32 @!p0 $0x4  }
0xe5: {  	_ =	swait.ge @!p0 [sflag:s0], s1  }
0xe6: {  	s1 =	ssub.s32 @!p0 $0x0, s1;
	[sflag:s0] =	ssyncset.done @!p0 $0x0  }
0xe7: {  	[sflag:s0] =	ssyncadd.s32 @!p0 s1  }
0xe8: {  	[bflag:$0x3] =	sbarrier.arrive $0xFFFF  }
0xe9: {  	_ =	shalt  }

// kernel: kernel.8.cloned.1.call-start
scs
__scs_entry_jumppad:
0x0: {  	(pc) =	sbr.rel $0x88, $3  }
0x1: {  	(tag) =	ssettag $0x0;
	lr =	simm.s32 $0x1  }
0x2: {  	[smem:$0x3F95] =	sst lr;
	_ =	strace $0xD0000000  }
0x3: {  	_ = 	snop  }
0x4: {  	_ = 	snop  }
0x5: {  	_ = 	snop  }
0x6: {  	_ = 	snop  }
0x7: {  	_ = 	snop  }
__scs_overlays_trampoline_lowered:
0x8: {  	[smem:$0x3FA4] =	sst s0  }
0x9: {  	[smem:$0x3FA5] =	sst s1  }
0xa: {  	[smem:$0x3FA6] =	sst s2  }
0xb: {  	[smem:$0x3FA7] =	sst s3  }
0xc: {  	[smem:$0x3FA8] =	sst s4  }
0xd: {  	[smem:$0x3FA9] =	sst s5  }
0xe: {  	[smem:$0x3FAA] =	sst s6  }
0xf: {  	[smem:$0x3FAB] =	sst s7  }
0x10: {  	[smem:$0x3FAC] =	sst s8  }
0x11: {  	[smem:$0x3FAD] =	sst s9;
	s0 =	simm.s32 @!p0 $0x0  }
0x12: {  	s1 =	sld [smem:$0x3F93];
	s0 =	simm.s32 @p0 $0x1  }
0x13: {  	[smem:$0x3FAE] =	sst s0;
	s0 =	simm.s32 @!p1 $0x0  }
0x14: {  	s2 =	sld [smem:$0x3F92];
	s0 =	simm.s32 @p1 $0x1  }
0x15: {  	[smem:$0x3FAF] =	sst s0;
	s0 =	simm.s32 @!p2 $0x0  }
0x16: {  	s3 =	sld [smem:$0x3FDB];
	s0 =	simm.s32 @p2 $0x1  }
0x17: {  	s4 =	simm.s32 $0x1BF5;
	[smem:$0x3FB1] =	sst s0  }
0x18: {  	s0 =	sld [smem:$0x3F94];
	_ =	swait.ge [sflag:s4], $0x0  }
0x19: {  	s7 =	sld [smem:$0x3F95]  }
0x1a: {  	s8 =	sadd.s32 $0xFFFFE003, lr  }
0x1b: {  	s9 =	sadd.s32 $0xFFFFFEF7, lr;
	s5 =	simm.s32 $0xFFFFFFFF;
	p2 =	slt.u32 s8, $0xFFFFF086  }
0x1c: {  	p1 =	slt.u32 s9, $0xF7A;
	s5 =	simm.s32 @!p2 $0x0  }
0x1d: {  	s5 =	simm.s32 @p1 $0x1;
	p0 =	seq.s32 s7, s2  }
0x1e: {  	s7 =	smul.u32 @!p0 $0xF7A, s2;
	p2 =	seq.s32 @!p0 s5, $0x0  }
0x1f: {  	s9 =	smul.u32 $0xF7A, s1;
	s8 =	simm.s32 @!p0 $0x1BF5;
	p2 =	por !p2, p0  }
0x20: {  	[sflag:s8] =	ssyncset.s32 @!p0 $0xFFFFF086;
	s6 =	sadd.s32 @!p0 s3, s7;
	s7 =	simm.s32 @!p0 $0x108  }
0x21: {  	s3 =	sadd.s32 s3, s9;
	s6 =	sadd.s32 @!p0 $0x88, s6;
	s7 =	simm.s32 @p2 $0x1082  }
0x22: {  	[simem:s7], [sflag:s8] =	dma.local @!p0 [hbm:s6], $0xF7A  }
0x23: {  	s9 =	sor.u32 $0xD0000000, s2;
	s6 =	simm.s32 $0x108;
	_ =	swait.ge @!p0 [sflag:s8], $0x0  }
0x24: {  	s3 =	sadd.s32 $0x88, s3;
	s6 =	simm.s32 @!p1 $0x1082;
	[sflag:s4] =	ssyncset.s32 $0xFFFFF086  }
0x25: {  	[simem:s6], [sflag:s4] =	dma.local [hbm:s3], $0xF7A  }
0x26: {  	[smem:$0x3F95] =	sst s1;
	(tag) =	ssettag s2;
	_ =	strace s9  }
0x27: {  	s1 =	sld [smem:$0x3FA5]  }
0x28: {  	s2 =	sld [smem:$0x3FA6]  }
0x29: {  	s4 =	sld [smem:$0x3FA8]  }
0x2a: {  	p0 =	seq.s32 s5, $0x0;
	s5 =	sld [smem:$0x3FA9]  }
0x2b: {  	s6 =	sld [smem:$0x3FAA]  }
0x2c: {  	s7 =	sld [smem:$0x3FAB]  }
0x2d: {  	s3 =	simm.s32 $0x108;
	s8 =	sld [smem:$0x3FAC]  }
0x2e: {  	s3 =	simm.s32 @!p0 $0x1082;
	s9 =	sld [smem:$0x3FAD]  }
0x2f: {  	lr =	sadd.s32 s0, s3;
	s0 =	sld [smem:$0x3FA4]  }
0x30: {  	s3 =	sld [smem:$0x3FA7]  }
0x31: {  	[smem:$0x3FB0] =	sst s10  }
0x32: {  	s10 =	sld [smem:$0x3FAE];
	_ =	sdelay $0x3  }
0x33: {  	p0 =	seq.s32 s10, $0x1;
	s10 =	sld [smem:$0x3FB0];
	_ =	sdelay $0x3  }
0x34: {  	[smem:$0x3FB0] =	sst s10  }
0x35: {  	s10 =	sld [smem:$0x3FAF];
	_ =	sdelay $0x3  }
0x36: {  	p1 =	seq.s32 s10, $0x1;
	s10 =	sld [smem:$0x3FB0];
	_ =	sdelay $0x3  }
0x37: {  	[smem:$0x3FB0] =	sst s10  }
0x38: {  	s10 =	sld [smem:$0x3FB1]  }
0x39: {  	_ = 	snop;
	(pc) =	sbr.ind lr, $3  }
0x3a: {  	_ = 	snop  }
0x3b: {  	_ = 	snop  }
0x3c: {  	p2 =	seq.s32 s10, $0x1;
	s10 =	sld [smem:$0x3FB0]  }
0x3d: {  	_ =	shalt  }
0x3e: {  	_ =	shalt  }
0x3f: {  	_ =	shalt  }
0x40: {  	_ =	shalt  }
0x41: {  	_ =	shalt  }
0x42: {  	_ =	shalt  }
0x43: {  	_ =	shalt  }
0x44: {  	_ =	shalt  }
0x45: {  	_ =	shalt  }
0x46: {  	_ =	shalt  }
0x47: {  	_ =	shalt  }
0x48: {  	_ =	shalt  }
0x49: {  	_ =	shalt  }
0x4a: {  	_ =	shalt  }
0x4b: {  	_ =	shalt  }
0x4c: {  	_ =	shalt  }
0x4d: {  	_ =	shalt  }
0x4e: {  	_ =	shalt  }
0x4f: {  	_ =	shalt  }
0x50: {  	_ =	shalt  }
0x51: {  	_ =	shalt  }
0x52: {  	_ =	shalt  }
0x53: {  	_ =	shalt  }
0x54: {  	_ =	shalt  }
0x55: {  	_ =	shalt  }
0x56: {  	_ =	shalt  }
0x57: {  	_ =	shalt  }
0x58: {  	_ =	shalt  }
0x59: {  	_ =	shalt  }
0x5a: {  	_ =	shalt  }
0x5b: {  	_ =	shalt  }
0x5c: {  	_ =	shalt  }
0x5d: {  	_ =	shalt  }
0x5e: {  	_ =	shalt  }
0x5f: {  	_ =	shalt  }
0x60: {  	_ =	shalt  }
0x61: {  	_ =	shalt  }
0x62: {  	_ =	shalt  }
0x63: {  	_ =	shalt  }
0x64: {  	_ =	shalt  }
0x65: {  	_ =	shalt  }
0x66: {  	_ =	shalt  }
0x67: {  	_ =	shalt  }
0x68: {  	_ =	shalt  }
0x69: {  	_ =	shalt  }
0x6a: {  	_ =	shalt  }
0x6b: {  	_ =	shalt  }
0x6c: {  	_ =	shalt  }
0x6d: {  	_ =	shalt  }
0x6e: {  	_ =	shalt  }
0x6f: {  	_ =	shalt  }
0x70: {  	_ =	shalt  }
0x71: {  	_ =	shalt  }
0x72: {  	_ =	shalt  }
0x73: {  	_ =	shalt  }
0x74: {  	_ =	shalt  }
0x75: {  	_ =	shalt  }
0x76: {  	_ =	shalt  }
0x77: {  	_ =	shalt  }
0x78: {  	_ =	shalt  }
0x79: {  	_ =	shalt  }
0x7a: {  	_ =	shalt  }
0x7b: {  	_ =	shalt  }
0x7c: {  	_ =	shalt  }
0x7d: {  	_ =	shalt  }
0x7e: {  	_ =	shalt  }
0x7f: {  	_ =	shalt  }
0x80: {  	_ =	shalt  }
0x81: {  	_ =	shalt  }
0x82: {  	_ =	shalt  }
0x83: {  	_ =	shalt  }
0x84: {  	_ =	shalt  }
0x85: {  	_ =	shalt  }
0x86: {  	_ =	shalt  }
0x87: {  	_ =	shalt  }
.Lfunc_end0:
.L_simem_size_0:
called_computation_lowered:
.L_overlay_start_0:
0x88: {  	s2 =	sld [smem:$0x3FD9]  }
0x89: {  	s3 =	sld [smem:$0x3FFE];
	_ =	sdelay $0x1  }
0x8a: {  	s1 =	srdreg.scid  }
0x8b: {  	s0 =	sand.u32 $0x1, s1  }
0x8c: {  	s17 =	sshll.u32 s0, $0xA;
	s2 =	sadd.s32 s3, s2  }
0x8d: {  	s2 =	sadd.s32 s2, s17  }
0x8e: {  	[smem:$0x3FBC] =	sst s2  }
0x8f: {  	_ = 	snop  }
0x90: {  	s2 =	sld [smem:$0x3FD0];
	(tm) =	ssettm $0x1  }
0x91: {  	s18 =	sld [smem:$0x3FFB];
	_ =	sdelay $0x3  }
0x92: {  	_ =	strace s18  }
0x93: {  	s3 =	sld [smem:$0x3FFC];
	_ =	sdelay $0x3  }
0x94: {  	_ =	strace s3  }
0x95: {  	s3 =	sld [smem:$0x3FFD];
	_ =	sdelay $0x3  }
0x96: {  	_ =	strace s3  }
0x97: {  	_ =	strace $0x8FFFFFFF  }
0x98: {  	s19 =	sld [smem:$0x3FDB];
	_ =	sdelay $0x1  }
0x99: {  	s4 =	simm.s32 $_scs_section_size  }
0x9a: {  	s5 =	simm.s32 $_size__tile_overlayer_lowered;
	s6 =	simm.s32 $_tile_overlayer_lowered  }
0x9b: {  	s22 =	simm.s32 $0x1BFF;
	s21 =	sshll.u32 s6, $0x1;
	s3 =	sadd.s32 s4, s19  }
0x9c: {  	s7 =	simm.s32 $0x0;
	s20 =	sshll.u32 s5, $0x1;
	s5 =	sadd.s32 s21, s3  }
0x9d: {  	[timem:s7], [sflag:s22] =	dma.local [hbm:s5], s20  }
0x9e: {  	_ =	swait.ge [sflag:s22], s20  }
0x9f: {  	s4 =	ssub.s32 $0x0, s20;
	[sflag:s22] =	ssyncset.done $0x0  }
0xa0: {  	[sflag:s22] =	ssyncadd.s32 s4;
	_ =	sdelay $0x1  }
0xa1: {  	s23 =	simm.s32 $0x1B8B  }
0xa2: {  	_ =	swait.ge [sflag:s23], $0x1  }
0xa3: {  	[sflag:s23] =	ssyncset.done $0x0  }
0xa4: {  	s25 =	simm.s32 $0x1B8E;
	s24 =	sld [smem:$0x3FFE];
	[sflag:s23] =	ssyncadd.s32 $0xFFFFFFFF  }
0xa5: {  	s26 =	simm.s32 $execute0_lowered;
	[smem:$0x3FD2] =	sst s25  }
0xa6: {  	s5 =	sshll.u32 s26, $0x1;
	_ =	strace $0x80000046;
	[dreg:$0x1] =	wrdreg $0xFFFFFFFF  }
0xa7: {  	s28 =	simm.s32 $_size_execute0_lowered;
	s3 =	sadd.s32 s3, s5;
	[dreg:$0x0] =	wrdreg $0x0  }
0xa8: {  	s5 =	sshll.u32 s28, $0x1;
	[dreg:$0x2] =	wrdreg s3  }
0xa9: {  	[dreg:$0x3] =	wrdreg s5  }
0xaa: {  	[dreg:$0x4] =	wrdreg $0xC0  }
0xab: {  	_ =	task [dreg:s7], $0x5FFFF  }
0xac: {  	[dreg:$0x1] =	wrdreg $0xFFFFFFFF  }
0xad: {  	[dreg:$0x0] =	wrdreg $0x60  }
0xae: {  	[dreg:$0x2] =	wrdreg s2  }
0xaf: {  	[dreg:$0x3] =	wrdreg s24  }
0xb0: {  	[dreg:$0x4] =	wrdreg $0x48000  }
0xb1: {  	[dreg:$0x5] =	wrdreg $0x9  }
0xb2: {  	_ =	task.clear_ibuf [dreg:s7], $0x6FFFF;
	_ =	strace $0x90000046  }
0xb3: {  	s29 =	simm.s32 $0x9;
	_ =	strace $0x80000048  }
0xb4: {  	_ =	swait.ge [sflag:s29], $0x1  }
0xb5: {  	[sflag:s29] =	ssyncadd.s32 $0xFFFFFFFF  }
0xb6: {  	_ =	strace $0x90000048  }
0xb7: {  	_ =	sfence  }
0xb8: {  	s30 =	sld [smem:$0x0];
	_ =	sdelay $0x2  }
0xb9: {  	s31 =	sshll.u32 s1, $0xD;
	s1 =	sshrl.u32 s1, $0x2  }
0xba: {  	s3 =	sand.u32 $0x4000, s31;
	s1 =	sadd.s32 s1, s30  }
0xbb: {  	s0 =	sor.u32 s3, s0;
	s1 =	sshll.u32 s1, $0x11  }
0xbc: {  	s0 =	sor.u32 s1, s0  }
0xbd: {  	s0 =	sadd.s32 $0x8F2B, s0  }
0xbe: {  	[sflag:s0] =	ssyncadd.remote.s32 $0x1  }
0xbf: {  	_ =	sfence.sel $0xFFFF  }
0xc0: {  	[dreg:$0x0] =	wrdreg $0xFFFFFFFF;
	(pc) =	sbr.abs _section_cstart, $3  }
0xc1: {  	[dreg:$0x1] =	wrdreg $0xFFFFFFFF  }
0xc2: {  	_ =	task.clear_ibuf [dreg:s7], $0x2FFFF;
	_ =	strace $0x9FFFFFFF  }
0xc3: {  	(tm) =	ssettm $0x7FFFFFFF  }
tec
execute0_lowered:
.L_overlay_start_1:
0x0: {  	(tag) =	ssettag $0x1  }
0x1: {  	s0 =	rddreg [dreg:$0x1]  }
0x2: {  	s3 =	rddreg [dreg:$0x2];
	s4 =	simm.s32 $0x0;
	s1 =	stileid.u32  }
0x3: {  	s2 =	srdreg.scid;
	s12 =	simm.s32 $0x2;
	s13 =	simm.s32 $0x400  }
0x4: {  	s16 =	simm.s32 $0x80;
	s17 =	simm.s32 $0x100;
	s18 =	simm.s32 $0x180  }
0x5: {  	s19 =	simm.s32 $0x200;
	s20 =	simm.s32 $0x280;
	s28 =	simm.s32 $0x600  }
0x6: {  	s29 =	simm.s32 $0x680;
	s30 =	simm.s32 $0x700;
	s31 =	simm.s32 $0x780  }
0x7: {  	[smem:$0x7FF] =	sst s4;
	s5 =	smul.u32 $0x14000, s1;
	s2 =	sand.u32 $0x1, s2  }
0x8: {  	s7 =	sshll.u32 s1, $0x1;
	s9 =	sadd.s32 $0x3A00, s0;
	s11 =	smul.u32 $0x50000, s1  }
0x9: {  	s23 =	smul.u32 $0xA00, s1;
	s26 =	sshll.u32 s1, $0x6;
	_ =	strace $0x80000047  }
0xa: {  	s6 =	smul.u32 $0x140000, s2;
	s7 =	sor.u32 s2, s7;
	s21 =	ssub.s32 $0x2, s2  }
0xb: {  	s2 =	smul.u32 $0x500, s2;
	s14 =	sor.u32 $0x1C02, s26;
	s26 =	simm.s32 $0x580  }
0xc: {  	s8 =	sshrl.u32 s5, $0x3;
	s7 =	smul.u32 $0x500, s7;
	s10 =	sshrl.u32 s21, $0x1  }
0xd: {  	s22 =	sshrl.u32 s11, $0x2;
	s25 =	sadd.s32 s23, s9;
	s11 =	simm.s32 $0x800  }
0xe: {  	s23 =	simm.s32 $0x1;
	s5 =	sadd.s32 s5, s6;
	s8 =	sadd.s32 s8, s0  }
0xf: {  	s10 =	ssub.s32 s21, s10;
	s15 =	sadd.s32 s22, s3;
	s21 =	simm.s32 $0x300  }
.Ltmp0:
0x10: {  	s22 =	simm.s32 $0x380;
	s5 =	sshrl.u32 s5, $0x3;
	(pc) =	sbr.rel .LBB2_1-.Ltmp0, $4  }
0x11: {  	s15 =	sshrl.u32 s15, $0x3;
	s0 =	sadd.s32 s5, s0;
	s5 =	sadd.s32 s9, s7  }
0x12: {  	s7 =	sadd.s32 $0x17A00, s8;
	s9 =	smax.u32 s10, $0x1;
	s10 =	sadd.s32 s2, s25  }
0x13: {  	s25 =	simm.s32 $0x500;
	s24 =	sadd.s32 $0x80, s5;
	s8 =	sadd.s32 $0x3FA00, s0  }
0x14: {  	s0 =	simm.s32 $0x0;
	[dreg:$0x4] =	wrdreg s24;
	s24 =	simm.s32 $0x480  }
.LBB2_4:
0x15: {  	s0 =	sadd.s32 $0x1, s0  }
0x16: {  	p0 =	sne.s32 s0, s9  }
.Ltmp1:
0x17: {  	[bflag:$0x0] =	sbarrier.arrive $0xFFFF;
	(pc) =	sbr.rel @!p0 .LBB2_5-.Ltmp1, $4  }
0x18: {  	[hbm:s8], [sflag:s14] =	dma.local [spmem:s15], $0x2800  }
0x19: {  	_ =	swait.ge [sflag:s12], $0x2800  }
0x1a: {  	[sflag:s12] =	ssyncset.done $0x0  }
0x1b: {  	[sflag:s12] =	ssyncadd.s32 $0xFFFFD800  }
.LBB2_1:
0x1c: {  	s1 =	rddreg [dreg:$0x0]  }
0x1d: {  	[tilespmem:s11], [sflag:$0x2] =	stream.linear.gather [hbm4b:s1+s4], $0x4000, $0x38;
	[tilespmem:$0x18800] =	vst v63  }
0x1e: {  	_ =	swait.ge [sflag:s12], $0x4000  }
0x1f: {  	[sflag:s12] =	ssyncset.done $0x0  }
0x20: {  	[sflag:s12] =	ssyncadd.s32 $0xFFFFC000  }
0x21: {  	[tilespmem:s4], [sflag:$0x2] =	stream.linear.gather [hbm4b:s5+s4], $0x400, $0x38;
	[tilespmem:$0x18800] =	vst v63  }
0x22: {  	_ =	swait.ge [sflag:s12], $0x400  }
0x23: {  	[sflag:s12] =	ssyncset.done $0x0  }
0x24: {  	s6 =	rddreg [dreg:$0x4];
	[sflag:s12] =	ssyncadd.s32 $0xFFFFFC00  }
0x25: {  	[tilespmem:s13], [sflag:$0x1] =	stream.linear.gather [hbm4b:s6+s4], $0x400, $0x38;
	[tilespmem:$0x18800] =	vst v63  }
0x26: {  	[spmem:s15], [sflag:s14] =	dma.local [hbm:s7], $0x2800  }
0x27: {  	_ =	swait.ge [sflag:s12], $0x2800  }
0x28: {  	[sflag:s12] =	ssyncset.done $0x0  }
0x29: {  	[sflag:s12] =	ssyncadd.s32 $0xFFFFD800  }
0x2a: {  	s2 =	simm.s32 $0xFFFFFC00;
	[bflag:$0x0] =	sbarrier.arrive $0xFFFF  }
.LBB2_2:
0x2b: {  	[spmem:s3] =	stream.indirect.scatter.add.f32 [tilespmem:s11], [sflag:$0x2], $0x80, s4, s16, $0xb8;
	[tilespmem:$0x18800] =	vst v63  }
0x2c: {  	_ =	swait.ge [sflag:s12], $0x4000  }
0x2d: {  	[sflag:s12] =	ssyncset.done $0x0  }
0x2e: {  	[sflag:s12] =	ssyncadd.s32 $0xFFFFC000  }
0x2f: {  	[spmem:s3] =	stream.indirect.scatter.add.f32 [tilespmem:s11], [sflag:$0x2], $0x80, s16, s16, $0xb8;
	[tilespmem:$0x18800] =	vst v63  }
0x30: {  	_ =	swait.ge [sflag:s12], $0x4000  }
0x31: {  	[sflag:s12] =	ssyncset.done $0x0  }
0x32: {  	[sflag:s12] =	ssyncadd.s32 $0xFFFFC000  }
0x33: {  	[spmem:s3] =	stream.indirect.scatter.add.f32 [tilespmem:s11], [sflag:$0x2], $0x80, s17, s16, $0xb8;
	[tilespmem:$0x18800] =	vst v63  }
0x34: {  	_ =	swait.ge [sflag:s12], $0x4000  }
0x35: {  	[sflag:s12] =	ssyncset.done $0x0  }
0x36: {  	[sflag:s12] =	ssyncadd.s32 $0xFFFFC000  }
0x37: {  	[spmem:s3] =	stream.indirect.scatter.add.f32 [tilespmem:s11], [sflag:$0x2], $0x80, s18, s16, $0xb8;
	[tilespmem:$0x18800] =	vst v63  }
0x38: {  	_ =	swait.ge [sflag:s12], $0x4000  }
0x39: {  	[sflag:s12] =	ssyncset.done $0x0  }
0x3a: {  	[sflag:s12] =	ssyncadd.s32 $0xFFFFC000  }
0x3b: {  	[spmem:s3] =	stream.indirect.scatter.add.f32 [tilespmem:s11], [sflag:$0x2], $0x80, s19, s16, $0xb8;
	[tilespmem:$0x18800] =	vst v63  }
0x3c: {  	_ =	swait.ge [sflag:s12], $0x4000  }
0x3d: {  	[sflag:s12] =	ssyncset.done $0x0  }
0x3e: {  	[sflag:s12] =	ssyncadd.s32 $0xFFFFC000  }
0x3f: {  	[spmem:s3] =	stream.indirect.scatter.add.f32 [tilespmem:s11], [sflag:$0x2], $0x80, s20, s16, $0xb8;
	[tilespmem:$0x18800] =	vst v63  }
0x40: {  	_ =	swait.ge [sflag:s12], $0x4000  }
0x41: {  	[sflag:s12] =	ssyncset.done $0x0  }
0x42: {  	[sflag:s12] =	ssyncadd.s32 $0xFFFFC000  }
0x43: {  	[spmem:s3] =	stream.indirect.scatter.add.f32 [tilespmem:s11], [sflag:$0x2], $0x80, s21, s16, $0xb8;
	[tilespmem:$0x18800] =	vst v63  }
0x44: {  	_ =	swait.ge [sflag:s12], $0x4000  }
0x45: {  	[sflag:s12] =	ssyncset.done $0x0  }
0x46: {  	[sflag:s12] =	ssyncadd.s32 $0xFFFFC000  }
0x47: {  	[spmem:s3] =	stream.indirect.scatter.add.f32 [tilespmem:s11], [sflag:$0x2], $0x80, s22, s16, $0xb8;
	[tilespmem:$0x18800] =	vst v63  }
0x48: {  	_ =	swait.ge [sflag:s12], $0x4000  }
0x49: {  	[sflag:s12] =	ssyncset.done $0x0  }
0x4a: {  	[sflag:s12] =	ssyncadd.s32 $0xFFFFC000  }
0x4b: {  	p0 =	seq.s32 s2, $0x0;
	_ =	swait.ge [sflag:s23], $0x400  }
0x4c: {  	s1 =	sadd.s32 @!p0 s2, s10;
	[sflag:s23] =	ssyncset.done $0x0  }
0x4d: {  	s6 =	simm.s32 @!p0 $0x0;
	s1 =	sadd.s32 @!p0 $0x500, s1;
	[sflag:s23] =	ssyncadd.s32 $0xFFFFFC00  }
0x4e: {  	[tilespmem:s6], [sflag:$0x1] =	stream.linear.gather @!p0 [hbm4b:s1+s6], $0x400, $0x38;
	[tilespmem:$0x18800] =	vst v63  }
0x4f: {  	_ = 	snop  }
0x50: {  	[spmem:s3] =	stream.indirect.scatter.add.f32 [tilespmem:s11], [sflag:$0x2], $0x80, s13, s16, $0xb8;
	[tilespmem:$0x18800] =	vst v63  }
0x51: {  	_ =	swait.ge [sflag:s12], $0x4000  }
0x52: {  	[sflag:s12] =	ssyncset.done $0x0  }
0x53: {  	[sflag:s12] =	ssyncadd.s32 $0xFFFFC000  }
0x54: {  	[spmem:s3] =	stream.indirect.scatter.add.f32 [tilespmem:s11], [sflag:$0x2], $0x80, s24, s16, $0xb8;
	[tilespmem:$0x18800] =	vst v63  }
0x55: {  	_ =	swait.ge [sflag:s12], $0x4000  }
0x56: {  	[sflag:s12] =	ssyncset.done $0x0  }
0x57: {  	[sflag:s12] =	ssyncadd.s32 $0xFFFFC000  }
0x58: {  	[spmem:s3] =	stream.indirect.scatter.add.f32 [tilespmem:s11], [sflag:$0x2], $0x80, s25, s16, $0xb8;
	[tilespmem:$0x18800] =	vst v63  }
0x59: {  	_ =	swait.ge [sflag:s12], $0x4000  }
0x5a: {  	[sflag:s12] =	ssyncset.done $0x0  }
0x5b: {  	[sflag:s12] =	ssyncadd.s32 $0xFFFFC000  }
0x5c: {  	[spmem:s3] =	stream.indirect.scatter.add.f32 [tilespmem:s11], [sflag:$0x2], $0x80, s26, s16, $0xb8;
	[tilespmem:$0x18800] =	vst v63  }
0x5d: {  	_ =	swait.ge [sflag:s12], $0x4000  }
0x5e: {  	[sflag:s12] =	ssyncset.done $0x0  }
0x5f: {  	[sflag:s12] =	ssyncadd.s32 $0xFFFFC000  }
0x60: {  	[spmem:s3] =	stream.indirect.scatter.add.f32 [tilespmem:s11], [sflag:$0x2], $0x80, s28, s16, $0xb8;
	[tilespmem:$0x18800] =	vst v63  }
0x61: {  	_ =	swait.ge [sflag:s12], $0x4000  }
0x62: {  	[sflag:s12] =	ssyncset.done $0x0  }
0x63: {  	[sflag:s12] =	ssyncadd.s32 $0xFFFFC000  }
0x64: {  	[spmem:s3] =	stream.indirect.scatter.add.f32 [tilespmem:s11], [sflag:$0x2], $0x80, s29, s16, $0xb8;
	[tilespmem:$0x18800] =	vst v63  }
0x65: {  	_ =	swait.ge [sflag:s12], $0x4000  }
0x66: {  	[sflag:s12] =	ssyncset.done $0x0  }
0x67: {  	[sflag:s12] =	ssyncadd.s32 $0xFFFFC000  }
0x68: {  	[spmem:s3] =	stream.indirect.scatter.add.f32 [tilespmem:s11], [sflag:$0x2], $0x80, s30, s16, $0xb8;
	[tilespmem:$0x18800] =	vst v63  }
0x69: {  	_ =	swait.ge [sflag:s12], $0x4000  }
0x6a: {  	[sflag:s12] =	ssyncset.done $0x0  }
.Ltmp2:
0x6b: {  	[sflag:s12] =	ssyncadd.s32 $0xFFFFC000;
	(pc) =	sbr.rel @p0 .LBB2_4-.Ltmp2, $4  }
0x6c: {  	[spmem:s3] =	stream.indirect.scatter.add.f32 [tilespmem:s11], [sflag:$0x2], $0x80, s31, s16, $0xb8;
	[tilespmem:$0x18800] =	vst v63  }
0x6d: {  	_ =	swait.ge [sflag:s12], $0x4000  }
0x6e: {  	[sflag:s12] =	ssyncset.done $0x0  }
0x6f: {  	[sflag:s12] =	ssyncadd.s32 $0xFFFFC000  }
.Ltmp3:
0x70: {  	(pc) =	sbr.rel .LBB2_2-.Ltmp3, $4  }
0x71: {  	_ =	swait.ge [sflag:s23], $0x400  }
0x72: {  	s1 =	sadd.s32 s2, s10;
	[sflag:s23] =	ssyncset.done $0x0  }
0x73: {  	s2 =	sadd.s32 $0x100, s2;
	s1 =	sadd.s32 $0x580, s1;
	[sflag:s23] =	ssyncadd.s32 $0xFFFFFC00  }
0x74: {  	[tilespmem:s13], [sflag:$0x1] =	stream.linear.gather [hbm4b:s1+s4], $0x400, $0x38;
	[tilespmem:$0x18800] =	vst v63  }
.LBB2_5:
0x75: {  	_ =	sfence.sel $0x180000  }
0x76: {  	[bflag:$0x0] =	sbarrier.arrive $0xFFFF  }
0x77: {  	_ =	strace $0x90000047  }
0x78: {  	s0 =	stileid.u32;
	[bflag:$0x2] =	sbarrier.arrive $0xFFFF  }
0x79: {  	p0 =	sne.s32 s0, $0x0;
	s0 =	rddreg [dreg:$0x3]  }
0x7a: {  	s0 =	sadd.s32 @!p0 $0x100000, s0  }
0x7b: {  	[sflag:s0] =	ssyncadd.tile.s32 @!p0 $0x1;
	_ =	shalt  }
.Lfunc_end2:
_tile_overlayer_lowered:
.L_overlay_start_2:
0x7c: {  	(tag) =	ssettag $0x2  }
0x7d: {  	s0 =	rddreg [dreg:$0x0];
	s2 =	stileid.u32  }
0x7e: {  	s1 =	rddreg [dreg:$0x1];
	p0 =	sne.s32 s2, $0x0  }
0x7f: {  	s3 =	rddreg [dreg:$0x2];
	[bflag:$0x3] =	sbarrier.arrive $0xFFFF;
	s2 =	simm.s32 @!p0 $0x1C02  }
0x80: {  	[timem:s3], [sflag:s2] =	dma.local @!p0 [hbm:s0], s1  }
0x81: {  	s0 =	simm.s32 @!p0 $0x2  }
0x82: {  	_ =	swait.ge @!p0 [sflag:s0], s1  }
0x83: {  	s1 =	ssub.s32 @!p0 $0x0, s1;
	[sflag:s0] =	ssyncset.done @!p0 $0x0  }
0x84: {  	[sflag:s0] =	ssyncadd.s32 @!p0 s1  }
0x85: {  	[bflag:$0x3] =	sbarrier.arrive $0xFFFF  }
0x86: {  	_ =	shalt  }

</sc_bundles>
